<compile_context>
chip_gen: v7x
topology: tpu7x:2x2x1
jax: 0.10.2.dev20260603
libtpu: 0.0.44.dev20260713+nightly
codegen_flags: <defaults>
</compile_context>

<pallas_src>
import jax
import jax.numpy as jnp
from jax import lax
from jax.experimental import pallas as pl
from jax.experimental.pallas import tpu as pltpu
from jax.experimental.pallas import tpu_sc as plsc

B = 1024
NV = 2000
NC = 8000
K = 3

LANES = 16
NUM_CORES = 2
NUM_SUBCORES = 16
NW = NUM_CORES * NUM_SUBCORES
BPW = B // NW
NG = NC // LANES
CPR = NV // LANES
HB = BPW // 2


def _sc_body(inp_hbm, emb_hbm, ci_hbm, cs_hbm, out_hbm,
             idxv, tbl, civ, csv, accs, outv, sem, sem2):
    w = lax.axis_index("s") * NUM_CORES + lax.axis_index("c")
    base = w * BPW

    pltpu.sync_copy(inp_hbm.at[pl.ds(base, BPW)], idxv)
    tbl_cp = pltpu.async_copy(emb_hbm.at[idxv], tbl, sem)
    ci_cp = pltpu.async_copy(ci_hbm, civ, sem2)
    cs_cp = pltpu.async_copy(cs_hbm, csv, sem2)
    ci_cp.wait()
    cs_cp.wait()
    tbl_cp.wait()

    def _sig(c, carry):
        sl = pl.ds(c * LANES, LANES)
        for b in range(BPW):
            z = tbl[b, sl]
            tbl[b, sl] = 1.0 / (1.0 + jnp.exp(-z))
        return carry
    lax.fori_loop(0, CPR, _sig, None)

    one = jnp.full((LANES,), 1.0, jnp.float32)
    lane3 = lax.iota(jnp.int32, LANES) * K
    for half in range(2):
        def _grp(g, acc_c, half=half):
            gbase = lane3 + g * (LANES * K)
            id0 = plsc.load_gather(civ, [gbase])
            id1 = plsc.load_gather(civ, [gbase + 1])
            id2 = plsc.load_gather(civ, [gbase + 2])
            sg0 = plsc.load_gather(csv, [gbase])
            sg1 = plsc.load_gather(csv, [gbase + 1])
            sg2 = plsc.load_gather(csv, [gbase + 2])
            a0 = 0.5 + 0.5 * sg0
            a1 = 0.5 + 0.5 * sg1
            a2 = 0.5 + 0.5 * sg2
            nxt = []
            for j in range(HB):
                row = tbl.at[half * HB + j]
                l0 = plsc.load_gather(row, [id0])
                l1 = plsc.load_gather(row, [id1])
                l2 = plsc.load_gather(row, [id2])
                t = (a0 - sg0 * l0) * (a1 - sg1 * l1) * (a2 - sg2 * l2)
                nxt.append(acc_c[j] * (1.0 - t))
            return tuple(nxt)
        fin = lax.fori_loop(0, NG, _grp, (one,) * HB)
        for j in range(HB):
            accs[pl.ds((half * HB + j) * LANES, LANES)] = fin[j]

    lane = lax.iota(jnp.int32, LANES)
    for half in range(2):
        bidx = lane * LANES + half * (LANES * LANES)
        p = plsc.load_gather(accs, [bidx])
        for l in range(1, LANES):
            p = p * plsc.load_gather(accs, [bidx + l])
        outv[pl.ds(half * LANES, LANES)] = p

    pltpu.sync_copy(outv, out_hbm.at[pl.ds(base, BPW)])


def kernel(input, emb_weight, clause_idx, clause_sign):
    inp = input.astype(jnp.int32)
    ci = clause_idx.astype(jnp.int32).reshape(NC * K)
    cs = clause_sign.astype(jnp.float32).reshape(NC * K)

    mesh = plsc.VectorSubcoreMesh(
        core_axis_name="c", subcore_axis_name="s",
        num_cores=NUM_CORES, num_subcores=NUM_SUBCORES)
    f = pl.kernel(
        _sc_body,
        out_type=jax.ShapeDtypeStruct((B,), jnp.float32),
        mesh=mesh,
        compiler_params=pltpu.CompilerParams(
            use_tc_tiling_on_sc=False, needs_layout_passes=False),
        scratch_types=[
            pltpu.VMEM((BPW,), jnp.int32),
            pltpu.VMEM((BPW, NV), jnp.float32),
            pltpu.VMEM((NC * K,), jnp.int32),
            pltpu.VMEM((NC * K,), jnp.float32),
            pltpu.VMEM((BPW * LANES,), jnp.float32),
            pltpu.VMEM((BPW,), jnp.float32),
            pltpu.SemaphoreType.DMA,
            pltpu.SemaphoreType.DMA,
        ],
    )
    return f(inp, emb_weight.astype(jnp.float32), ci, cs)

# --- scband reference (transcript-rebuilt; emitter-appended) ---
"""Pipeline reference for scband-combinational-circuit-31911607009919 (READ-ONLY COPY).

The authoritative reference and input builder live on the scoring server;
editing this copy changes nothing except your own understanding.
"""

import jax, jax.numpy as jnp
import numpy as np

B = 1024   # batch_size == num_embeddings of the PI embedding
NV = 2000  # cnf_problem.nv (number of SAT variables)
NC = 8000  # number of CNF clauses
K = 3      # literals per clause (3-SAT)


def setup_inputs(seed: int = 0) -> dict:
    key = jax.random.key(seed)
    k1, k2, k3, k4 = jax.random.split(key, 4)
    inp = {}
    # forward arg: indices into the PI embedding table (values in [0, batch_size))
    inp["input"] = jax.random.randint(k1, (B,), 0, B)
    # learned parameter: nn.Embedding(batch_size, nv).weight ~ N(0, 1)
    inp["emb_weight"] = jax.random.normal(k2, (B, NV), dtype=jnp.float32)
    # CNF structure: variable index (0-based) and literal polarity per clause slot
    inp["clause_idx"] = jax.random.randint(k3, (NC, K), 0, NV)
    inp["clause_sign"] = jnp.where(jax.random.bernoulli(k4, 0.5, (NC, K)), 1.0, -1.0).astype(jnp.float32)
    return inp


def reference(input, emb_weight, clause_idx, clause_sign):
    # PIEmbedding: embedding lookup followed by sigmoid -> soft PI assignment x in (0,1)
    x = jax.nn.sigmoid(jnp.take(emb_weight, input, axis=0))  # [B, NV]
    # Gather literal values for every clause: x[:, idx] with per-clause index lists
    lits = x[:, clause_idx]                                   # [B, NC, K]
    # Negative literals use (1 - x); positive literals use x (torch.where on sign)
    y = jnp.where(clause_sign > 0.0, lits, 1.0 - lits)        # [B, NC, K]
    # pOR (probabilistic OR): 1 - prod(1 - y) over literals in the clause
    clause_out = 1.0 - jnp.prod(1.0 - y, axis=-1)             # [B, NC]
    # pAND (probabilistic AND): prod over all clause outputs
    out = jnp.prod(clause_out, axis=-1)                       # [B]
    return out

if __name__ == "__main__":
    import jax
    _d = setup_inputs()
    print(jax.jit(kernel)(*tuple(_d.values())))

</pallas_src>

<mosaic_0001>
#map = affine_map<(d0, d1) -> (0)>
#map1 = affine_map<(d0, d1) -> (0, 0)>
module attributes {stable_mosaic.version = 14 : i64} {
  func.func @_sc_body(%arg0: i32, %arg1: i32, %arg2: memref<1024xi32, #tpu.memory_space<hbm>>, %arg3: memref<1024x2000xf32, #tpu.memory_space<hbm>>, %arg4: memref<24000xi32, #tpu.memory_space<hbm>>, %arg5: memref<24000xf32, #tpu.memory_space<hbm>>, %arg6: memref<1024xf32, #tpu.memory_space<hbm>>, %arg7: memref<32xi32, #tpu.memory_space<vmem>>, %arg8: memref<32x2000xf32, #tpu.memory_space<vmem>>, %arg9: memref<24000xi32, #tpu.memory_space<vmem>>, %arg10: memref<24000xf32, #tpu.memory_space<vmem>>, %arg11: memref<512xf32, #tpu.memory_space<vmem>>, %arg12: memref<32xf32, #tpu.memory_space<vmem>>, %arg13: memref<!tpu.dma_semaphore, #tpu.memory_space<semaphore_mem>>, %arg14: memref<!tpu.dma_semaphore, #tpu.memory_space<semaphore_mem>>) attributes {dimension_semantics = [#tpu.dimension_semantics<core_parallel>, #tpu.dimension_semantics<subcore_parallel>], iteration_bounds = array<i64: 2, 16>, scalar_prefetch = 0 : i64, scratch_operands = 8 : i64, tpu.core_type = #tpu.core_type<sc_vector_subcore>, window_params = [{transform_indices = #map}, {transform_indices = #map1}, {transform_indices = #map}, {transform_indices = #map}, {transform_indices = #map}]} {
    %mul3A = arith.constant 2 : i32
    %mul3A_0 = arith.muli %arg1, %mul3A : i32
    %add3A = arith.addi %mul3A_0, %arg0 : i32
    %mul3A_1 = arith.constant 32 : i32
    %mul3A_2 = arith.muli %add3A, %mul3A_1 : i32
    "tpu.region"() ({
      %run_scoped3A = tpu.sem_alloc : memref<!tpu.dma_semaphore, #tpu.memory_space<semaphore_mem>>
      %dma_start3A_258 = tpu.memref_slice %arg2[%mul3A_2] : memref<1024xi32, #tpu.memory_space<hbm>> -> memref<32xi32, #tpu.memory_space<hbm>>
      %dma_start3A_259 = tpu.memref_slice %arg2[%mul3A_2] : memref<1024xi32, #tpu.memory_space<hbm>> -> memref<32xi32, #tpu.memory_space<hbm>>
      tpu.enqueue_dma source(%dma_start3A_259 : memref<32xi32, #tpu.memory_space<hbm>>) target(%arg7 : memref<32xi32, #tpu.memory_space<vmem>>) target_semaphore(%run_scoped3A : memref<!tpu.dma_semaphore, #tpu.memory_space<semaphore_mem>>)
      %dma_wait3A_260 = tpu.memref_slice %arg2[%mul3A_2] : memref<1024xi32, #tpu.memory_space<hbm>> -> memref<32xi32, #tpu.memory_space<hbm>>
      %dma_wait3A_261 = tpu.memref_slice %arg2[%mul3A_2] : memref<1024xi32, #tpu.memory_space<hbm>> -> memref<32xi32, #tpu.memory_space<hbm>>
      tpu.wait_dma2 semaphore(%run_scoped3A : memref<!tpu.dma_semaphore, #tpu.memory_space<semaphore_mem>>) src(%dma_wait3A_261 : memref<32xi32, #tpu.memory_space<hbm>>) dst(%arg7 : memref<32xi32, #tpu.memory_space<vmem>>)
      tpu.yield
    }) : () -> ()
    %dma_start3A = arith.constant 0 : i32
    %dma_start3A_3 = arith.constant 0 : i32
    %dma_start3A_4 = tpu.memref_slice %arg3[%dma_start3A, %dma_start3A_3] : memref<1024x2000xf32, #tpu.memory_space<hbm>> -> memref<1024x2000xf32, #tpu.memory_space<hbm>>
    tpu.enqueue_indirect_dma source(%dma_start3A_4 : memref<1024x2000xf32, #tpu.memory_space<hbm>>) target(%arg8 : memref<32x2000xf32, #tpu.memory_space<vmem>>) offsets(%arg7 : memref<32xi32, #tpu.memory_space<vmem>>) semaphore(%arg13 : memref<!tpu.dma_semaphore, #tpu.memory_space<semaphore_mem>>)
    tpu.enqueue_dma source(%arg4 : memref<24000xi32, #tpu.memory_space<hbm>>) target(%arg9 : memref<24000xi32, #tpu.memory_space<vmem>>) target_semaphore(%arg14 : memref<!tpu.dma_semaphore, #tpu.memory_space<semaphore_mem>>)
    tpu.enqueue_dma source(%arg5 : memref<24000xf32, #tpu.memory_space<hbm>>) target(%arg10 : memref<24000xf32, #tpu.memory_space<vmem>>) target_semaphore(%arg14 : memref<!tpu.dma_semaphore, #tpu.memory_space<semaphore_mem>>)
    tpu.wait_dma2 semaphore(%arg14 : memref<!tpu.dma_semaphore, #tpu.memory_space<semaphore_mem>>) src(%arg4 : memref<24000xi32, #tpu.memory_space<hbm>>) dst(%arg9 : memref<24000xi32, #tpu.memory_space<vmem>>)
    tpu.wait_dma2 semaphore(%arg14 : memref<!tpu.dma_semaphore, #tpu.memory_space<semaphore_mem>>) src(%arg5 : memref<24000xf32, #tpu.memory_space<hbm>>) dst(%arg10 : memref<24000xf32, #tpu.memory_space<vmem>>)
    %dma_wait3A = arith.constant 0 : i32
    %dma_wait3A_5 = arith.constant 0 : i32
    %dma_wait3A_6 = tpu.memref_slice %arg3[%dma_wait3A, %dma_wait3A_5] : memref<1024x2000xf32, #tpu.memory_space<hbm>> -> memref<1024x2000xf32, #tpu.memory_space<hbm>>
    tpu.wait_indirect_dma semaphore(%arg13 : memref<!tpu.dma_semaphore, #tpu.memory_space<semaphore_mem>>) src(%dma_wait3A_6 : memref<1024x2000xf32, #tpu.memory_space<hbm>>) dst(%arg8 : memref<32x2000xf32, #tpu.memory_space<vmem>>)
    %scan3A = arith.constant 0 : i32
    %scan3A_7 = arith.constant 125 : i32
    %scan3A_8 = arith.addi %scan3A, %scan3A_7 : i32
    %scan3A_9 = arith.constant 1 : i32
    scf.for %scan3A_258 = %scan3A to %scan3A_8 step %scan3A_9  : i32 {
      %mul3A_259 = arith.constant 16 : i32
      %mul3A_260 = arith.muli %scan3A_258, %mul3A_259 : i32
      %get3A = arith.constant 0 : i32
      %get3A_261 = arith.index_cast %get3A : i32 to index
      %get3A_262 = arith.index_cast %mul3A_260 : i32 to index
      %get3A_263 = tpu.vector_load %arg8[%get3A_261, %get3A_262] {strides = array<i32>} : memref<32x2000xf32, #tpu.memory_space<vmem>>, vector<16xf32>,
      %neg3A = arith.constant 0.000000e+00 : f32
      %neg3A_264 = vector.broadcast %neg3A : f32 to vector<16xf32>
      %neg3A_265 = arith.subf %neg3A_264, %get3A_263 : vector<16xf32>
      %exp3A = math.exp %neg3A_265 : vector<16xf32>
      %add3A_266 = arith.constant 1.000000e+00 : f32
      %add3A_267 = vector.broadcast %add3A_266 : f32 to vector<16xf32>
      %add3A_268 = arith.addf %add3A_267, %exp3A : vector<16xf32>
      %div3A = arith.constant 1.000000e+00 : f32
      %div3A_269 = vector.broadcast %div3A : f32 to vector<16xf32>
      %div3A_270 = arith.divf %div3A_269, %add3A_268 : vector<16xf32>
      %swap3A_271 = arith.constant 0 : i32
      %swap3A_272 = arith.index_cast %swap3A_271 : i32 to index
      %swap3A_273 = arith.index_cast %mul3A_260 : i32 to index
      %swap3A_274 = tpu.vector_load %arg8[%swap3A_272, %swap3A_273] {strides = array<i32>} : memref<32x2000xf32, #tpu.memory_space<vmem>>, vector<16xf32>,
      tpu.vector_store %arg8[%swap3A_272, %swap3A_273], %div3A_270 {strides = array<i32>} : memref<32x2000xf32, #tpu.memory_space<vmem>>, vector<16xf32>,
      %get3A_275 = arith.constant 1 : i32
      %get3A_276 = arith.index_cast %get3A_275 : i32 to index
      %get3A_277 = arith.index_cast %mul3A_260 : i32 to index
      %get3A_278 = tpu.vector_load %arg8[%get3A_276, %get3A_277] {strides = array<i32>} : memref<32x2000xf32, #tpu.memory_space<vmem>>, vector<16xf32>,
      %neg3A_279 = arith.constant 0.000000e+00 : f32
      %neg3A_280 = vector.broadcast %neg3A_279 : f32 to vector<16xf32>
      %neg3A_281 = arith.subf %neg3A_280, %get3A_278 : vector<16xf32>
      %exp3A_282 = math.exp %neg3A_281 : vector<16xf32>
      %add3A_283 = arith.constant 1.000000e+00 : f32
      %add3A_284 = vector.broadcast %add3A_283 : f32 to vector<16xf32>
      %add3A_285 = arith.addf %add3A_284, %exp3A_282 : vector<16xf32>
      %div3A_286 = arith.constant 1.000000e+00 : f32
      %div3A_287 = vector.broadcast %div3A_286 : f32 to vector<16xf32>
      %div3A_288 = arith.divf %div3A_287, %add3A_285 : vector<16xf32>
      %swap3A_289 = arith.constant 1 : i32
      %swap3A_290 = arith.index_cast %swap3A_289 : i32 to index
      %swap3A_291 = arith.index_cast %mul3A_260 : i32 to index
      %swap3A_292 = tpu.vector_load %arg8[%swap3A_290, %swap3A_291] {strides = array<i32>} : memref<32x2000xf32, #tpu.memory_space<vmem>>, vector<16xf32>,
      tpu.vector_store %arg8[%swap3A_290, %swap3A_291], %div3A_288 {strides = array<i32>} : memref<32x2000xf32, #tpu.memory_space<vmem>>, vector<16xf32>,
      %get3A_293 = arith.constant 2 : i32
      %get3A_294 = arith.index_cast %get3A_293 : i32 to index
      %get3A_295 = arith.index_cast %mul3A_260 : i32 to index
      %get3A_296 = tpu.vector_load %arg8[%get3A_294, %get3A_295] {strides = array<i32>} : memref<32x2000xf32, #tpu.memory_space<vmem>>, vector<16xf32>,
      %neg3A_297 = arith.constant 0.000000e+00 : f32
      %neg3A_298 = vector.broadcast %neg3A_297 : f32 to vector<16xf32>
      %neg3A_299 = arith.subf %neg3A_298, %get3A_296 : vector<16xf32>
      %exp3A_300 = math.exp %neg3A_299 : vector<16xf32>
      %add3A_301 = arith.constant 1.000000e+00 : f32
      %add3A_302 = vector.broadcast %add3A_301 : f32 to vector<16xf32>
      %add3A_303 = arith.addf %add3A_302, %exp3A_300 : vector<16xf32>
      %div3A_304 = arith.constant 1.000000e+00 : f32
      %div3A_305 = vector.broadcast %div3A_304 : f32 to vector<16xf32>
      %div3A_306 = arith.divf %div3A_305, %add3A_303 : vector<16xf32>
      %swap3A_307 = arith.constant 2 : i32
      %swap3A_308 = arith.index_cast %swap3A_307 : i32 to index
      %swap3A_309 = arith.index_cast %mul3A_260 : i32 to index
      %swap3A_310 = tpu.vector_load %arg8[%swap3A_308, %swap3A_309] {strides = array<i32>} : memref<32x2000xf32, #tpu.memory_space<vmem>>, vector<16xf32>,
      tpu.vector_store %arg8[%swap3A_308, %swap3A_309], %div3A_306 {strides = array<i32>} : memref<32x2000xf32, #tpu.memory_space<vmem>>, vector<16xf32>,
      %get3A_311 = arith.constant 3 : i32
      %get3A_312 = arith.index_cast %get3A_311 : i32 to index
      %get3A_313 = arith.index_cast %mul3A_260 : i32 to index
      %get3A_314 = tpu.vector_load %arg8[%get3A_312, %get3A_313] {strides = array<i32>} : memref<32x2000xf32, #tpu.memory_space<vmem>>, vector<16xf32>,
      %neg3A_315 = arith.constant 0.000000e+00 : f32
      %neg3A_316 = vector.broadcast %neg3A_315 : f32 to vector<16xf32>
      %neg3A_317 = arith.subf %neg3A_316, %get3A_314 : vector<16xf32>
      %exp3A_318 = math.exp %neg3A_317 : vector<16xf32>
      %add3A_319 = arith.constant 1.000000e+00 : f32
      %add3A_320 = vector.broadcast %add3A_319 : f32 to vector<16xf32>
      %add3A_321 = arith.addf %add3A_320, %exp3A_318 : vector<16xf32>
      %div3A_322 = arith.constant 1.000000e+00 : f32
      %div3A_323 = vector.broadcast %div3A_322 : f32 to vector<16xf32>
      %div3A_324 = arith.divf %div3A_323, %add3A_321 : vector<16xf32>
      %swap3A_325 = arith.constant 3 : i32
      %swap3A_326 = arith.index_cast %swap3A_325 : i32 to index
      %swap3A_327 = arith.index_cast %mul3A_260 : i32 to index
      %swap3A_328 = tpu.vector_load %arg8[%swap3A_326, %swap3A_327] {strides = array<i32>} : memref<32x2000xf32, #tpu.memory_space<vmem>>, vector<16xf32>,
      tpu.vector_store %arg8[%swap3A_326, %swap3A_327], %div3A_324 {strides = array<i32>} : memref<32x2000xf32, #tpu.memory_space<vmem>>, vector<16xf32>,
      %get3A_329 = arith.constant 4 : i32
      %get3A_330 = arith.index_cast %get3A_329 : i32 to index
      %get3A_331 = arith.index_cast %mul3A_260 : i32 to index
      %get3A_332 = tpu.vector_load %arg8[%get3A_330, %get3A_331] {strides = array<i32>} : memref<32x2000xf32, #tpu.memory_space<vmem>>, vector<16xf32>,
      %neg3A_333 = arith.constant 0.000000e+00 : f32
      %neg3A_334 = vector.broadcast %neg3A_333 : f32 to vector<16xf32>
      %neg3A_335 = arith.subf %neg3A_334, %get3A_332 : vector<16xf32>
      %exp3A_336 = math.exp %neg3A_335 : vector<16xf32>
      %add3A_337 = arith.constant 1.000000e+00 : f32
      %add3A_338 = vector.broadcast %add3A_337 : f32 to vector<16xf32>
      %add3A_339 = arith.addf %add3A_338, %exp3A_336 : vector<16xf32>
      %div3A_340 = arith.constant 1.000000e+00 : f32
      %div3A_341 = vector.broadcast %div3A_340 : f32 to vector<16xf32>
      %div3A_342 = arith.divf %div3A_341, %add3A_339 : vector<16xf32>
      %swap3A_343 = arith.constant 4 : i32
      %swap3A_344 = arith.index_cast %swap3A_343 : i32 to index
      %swap3A_345 = arith.index_cast %mul3A_260 : i32 to index
      %swap3A_346 = tpu.vector_load %arg8[%swap3A_344, %swap3A_345] {strides = array<i32>} : memref<32x2000xf32, #tpu.memory_space<vmem>>, vector<16xf32>,
      tpu.vector_store %arg8[%swap3A_344, %swap3A_345], %div3A_342 {strides = array<i32>} : memref<32x2000xf32, #tpu.memory_space<vmem>>, vector<16xf32>,
      %get3A_347 = arith.constant 5 : i32
      %get3A_348 = arith.index_cast %get3A_347 : i32 to index
      %get3A_349 = arith.index_cast %mul3A_260 : i32 to index
      %get3A_350 = tpu.vector_load %arg8[%get3A_348, %get3A_349] {strides = array<i32>} : memref<32x2000xf32, #tpu.memory_space<vmem>>, vector<16xf32>,
      %neg3A_351 = arith.constant 0.000000e+00 : f32
      %neg3A_352 = vector.broadcast %neg3A_351 : f32 to vector<16xf32>
      %neg3A_353 = arith.subf %neg3A_352, %get3A_350 : vector<16xf32>
      %exp3A_354 = math.exp %neg3A_353 : vector<16xf32>
      %add3A_355 = arith.constant 1.000000e+00 : f32
      %add3A_356 = vector.broadcast %add3A_355 : f32 to vector<16xf32>
      %add3A_357 = arith.addf %add3A_356, %exp3A_354 : vector<16xf32>
      %div3A_358 = arith.constant 1.000000e+00 : f32
      %div3A_359 = vector.broadcast %div3A_358 : f32 to vector<16xf32>
      %div3A_360 = arith.divf %div3A_359, %add3A_357 : vector<16xf32>
      %swap3A_361 = arith.constant 5 : i32
      %swap3A_362 = arith.index_cast %swap3A_361 : i32 to index
      %swap3A_363 = arith.index_cast %mul3A_260 : i32 to index
      %swap3A_364 = tpu.vector_load %arg8[%swap3A_362, %swap3A_363] {strides = array<i32>} : memref<32x2000xf32, #tpu.memory_space<vmem>>, vector<16xf32>,
      tpu.vector_store %arg8[%swap3A_362, %swap3A_363], %div3A_360 {strides = array<i32>} : memref<32x2000xf32, #tpu.memory_space<vmem>>, vector<16xf32>,
      %get3A_365 = arith.constant 6 : i32
      %get3A_366 = arith.index_cast %get3A_365 : i32 to index
      %get3A_367 = arith.index_cast %mul3A_260 : i32 to index
      %get3A_368 = tpu.vector_load %arg8[%get3A_366, %get3A_367] {strides = array<i32>} : memref<32x2000xf32, #tpu.memory_space<vmem>>, vector<16xf32>,
      %neg3A_369 = arith.constant 0.000000e+00 : f32
      %neg3A_370 = vector.broadcast %neg3A_369 : f32 to vector<16xf32>
      %neg3A_371 = arith.subf %neg3A_370, %get3A_368 : vector<16xf32>
      %exp3A_372 = math.exp %neg3A_371 : vector<16xf32>
      %add3A_373 = arith.constant 1.000000e+00 : f32
      %add3A_374 = vector.broadcast %add3A_373 : f32 to vector<16xf32>
      %add3A_375 = arith.addf %add3A_374, %exp3A_372 : vector<16xf32>
      %div3A_376 = arith.constant 1.000000e+00 : f32
      %div3A_377 = vector.broadcast %div3A_376 : f32 to vector<16xf32>
      %div3A_378 = arith.divf %div3A_377, %add3A_375 : vector<16xf32>
      %swap3A_379 = arith.constant 6 : i32
      %swap3A_380 = arith.index_cast %swap3A_379 : i32 to index
      %swap3A_381 = arith.index_cast %mul3A_260 : i32 to index
      %swap3A_382 = tpu.vector_load %arg8[%swap3A_380, %swap3A_381] {strides = array<i32>} : memref<32x2000xf32, #tpu.memory_space<vmem>>, vector<16xf32>,
      tpu.vector_store %arg8[%swap3A_380, %swap3A_381], %div3A_378 {strides = array<i32>} : memref<32x2000xf32, #tpu.memory_space<vmem>>, vector<16xf32>,
      %get3A_383 = arith.constant 7 : i32
      %get3A_384 = arith.index_cast %get3A_383 : i32 to index
      %get3A_385 = arith.index_cast %mul3A_260 : i32 to index
      %get3A_386 = tpu.vector_load %arg8[%get3A_384, %get3A_385] {strides = array<i32>} : memref<32x2000xf32, #tpu.memory_space<vmem>>, vector<16xf32>,
      %neg3A_387 = arith.constant 0.000000e+00 : f32
      %neg3A_388 = vector.broadcast %neg3A_387 : f32 to vector<16xf32>
      %neg3A_389 = arith.subf %neg3A_388, %get3A_386 : vector<16xf32>
      %exp3A_390 = math.exp %neg3A_389 : vector<16xf32>
      %add3A_391 = arith.constant 1.000000e+00 : f32
      %add3A_392 = vector.broadcast %add3A_391 : f32 to vector<16xf32>
      %add3A_393 = arith.addf %add3A_392, %exp3A_390 : vector<16xf32>
      %div3A_394 = arith.constant 1.000000e+00 : f32
      %div3A_395 = vector.broadcast %div3A_394 : f32 to vector<16xf32>
      %div3A_396 = arith.divf %div3A_395, %add3A_393 : vector<16xf32>
      %swap3A_397 = arith.constant 7 : i32
      %swap3A_398 = arith.index_cast %swap3A_397 : i32 to index
      %swap3A_399 = arith.index_cast %mul3A_260 : i32 to index
      %swap3A_400 = tpu.vector_load %arg8[%swap3A_398, %swap3A_399] {strides = array<i32>} : memref<32x2000xf32, #tpu.memory_space<vmem>>, vector<16xf32>,
      tpu.vector_store %arg8[%swap3A_398, %swap3A_399], %div3A_396 {strides = array<i32>} : memref<32x2000xf32, #tpu.memory_space<vmem>>, vector<16xf32>,
      %get3A_401 = arith.constant 8 : i32
      %get3A_402 = arith.index_cast %get3A_401 : i32 to index
      %get3A_403 = arith.index_cast %mul3A_260 : i32 to index
      %get3A_404 = tpu.vector_load %arg8[%get3A_402, %get3A_403] {strides = array<i32>} : memref<32x2000xf32, #tpu.memory_space<vmem>>, vector<16xf32>,
      %neg3A_405 = arith.constant 0.000000e+00 : f32
      %neg3A_406 = vector.broadcast %neg3A_405 : f32 to vector<16xf32>
      %neg3A_407 = arith.subf %neg3A_406, %get3A_404 : vector<16xf32>
      %exp3A_408 = math.exp %neg3A_407 : vector<16xf32>
      %add3A_409 = arith.constant 1.000000e+00 : f32
      %add3A_410 = vector.broadcast %add3A_409 : f32 to vector<16xf32>
      %add3A_411 = arith.addf %add3A_410, %exp3A_408 : vector<16xf32>
      %div3A_412 = arith.constant 1.000000e+00 : f32
      %div3A_413 = vector.broadcast %div3A_412 : f32 to vector<16xf32>
      %div3A_414 = arith.divf %div3A_413, %add3A_411 : vector<16xf32>
      %swap3A_415 = arith.constant 8 : i32
      %swap3A_416 = arith.index_cast %swap3A_415 : i32 to index
      %swap3A_417 = arith.index_cast %mul3A_260 : i32 to index
      %swap3A_418 = tpu.vector_load %arg8[%swap3A_416, %swap3A_417] {strides = array<i32>} : memref<32x2000xf32, #tpu.memory_space<vmem>>, vector<16xf32>,
      tpu.vector_store %arg8[%swap3A_416, %swap3A_417], %div3A_414 {strides = array<i32>} : memref<32x2000xf32, #tpu.memory_space<vmem>>, vector<16xf32>,
      %get3A_419 = arith.constant 9 : i32
      %get3A_420 = arith.index_cast %get3A_419 : i32 to index
      %get3A_421 = arith.index_cast %mul3A_260 : i32 to index
      %get3A_422 = tpu.vector_load %arg8[%get3A_420, %get3A_421] {strides = array<i32>} : memref<32x2000xf32, #tpu.memory_space<vmem>>, vector<16xf32>,
      %neg3A_423 = arith.constant 0.000000e+00 : f32
      %neg3A_424 = vector.broadcast %neg3A_423 : f32 to vector<16xf32>
      %neg3A_425 = arith.subf %neg3A_424, %get3A_422 : vector<16xf32>
      %exp3A_426 = math.exp %neg3A_425 : vector<16xf32>
      %add3A_427 = arith.constant 1.000000e+00 : f32
      %add3A_428 = vector.broadcast %add3A_427 : f32 to vector<16xf32>
      %add3A_429 = arith.addf %add3A_428, %exp3A_426 : vector<16xf32>
      %div3A_430 = arith.constant 1.000000e+00 : f32
      %div3A_431 = vector.broadcast %div3A_430 : f32 to vector<16xf32>
      %div3A_432 = arith.divf %div3A_431, %add3A_429 : vector<16xf32>
      %swap3A_433 = arith.constant 9 : i32
      %swap3A_434 = arith.index_cast %swap3A_433 : i32 to index
      %swap3A_435 = arith.index_cast %mul3A_260 : i32 to index
      %swap3A_436 = tpu.vector_load %arg8[%swap3A_434, %swap3A_435] {strides = array<i32>} : memref<32x2000xf32, #tpu.memory_space<vmem>>, vector<16xf32>,
      tpu.vector_store %arg8[%swap3A_434, %swap3A_435], %div3A_432 {strides = array<i32>} : memref<32x2000xf32, #tpu.memory_space<vmem>>, vector<16xf32>,
      %get3A_437 = arith.constant 10 : i32
      %get3A_438 = arith.index_cast %get3A_437 : i32 to index
      %get3A_439 = arith.index_cast %mul3A_260 : i32 to index
      %get3A_440 = tpu.vector_load %arg8[%get3A_438, %get3A_439] {strides = array<i32>} : memref<32x2000xf32, #tpu.memory_space<vmem>>, vector<16xf32>,
      %neg3A_441 = arith.constant 0.000000e+00 : f32
      %neg3A_442 = vector.broadcast %neg3A_441 : f32 to vector<16xf32>
      %neg3A_443 = arith.subf %neg3A_442, %get3A_440 : vector<16xf32>
      %exp3A_444 = math.exp %neg3A_443 : vector<16xf32>
      %add3A_445 = arith.constant 1.000000e+00 : f32
      %add3A_446 = vector.broadcast %add3A_445 : f32 to vector<16xf32>
      %add3A_447 = arith.addf %add3A_446, %exp3A_444 : vector<16xf32>
      %div3A_448 = arith.constant 1.000000e+00 : f32
      %div3A_449 = vector.broadcast %div3A_448 : f32 to vector<16xf32>
      %div3A_450 = arith.divf %div3A_449, %add3A_447 : vector<16xf32>
      %swap3A_451 = arith.constant 10 : i32
      %swap3A_452 = arith.index_cast %swap3A_451 : i32 to index
      %swap3A_453 = arith.index_cast %mul3A_260 : i32 to index
      %swap3A_454 = tpu.vector_load %arg8[%swap3A_452, %swap3A_453] {strides = array<i32>} : memref<32x2000xf32, #tpu.memory_space<vmem>>, vector<16xf32>,
      tpu.vector_store %arg8[%swap3A_452, %swap3A_453], %div3A_450 {strides = array<i32>} : memref<32x2000xf32, #tpu.memory_space<vmem>>, vector<16xf32>,
      %get3A_455 = arith.constant 11 : i32
      %get3A_456 = arith.index_cast %get3A_455 : i32 to index
      %get3A_457 = arith.index_cast %mul3A_260 : i32 to index
      %get3A_458 = tpu.vector_load %arg8[%get3A_456, %get3A_457] {strides = array<i32>} : memref<32x2000xf32, #tpu.memory_space<vmem>>, vector<16xf32>,
      %neg3A_459 = arith.constant 0.000000e+00 : f32
      %neg3A_460 = vector.broadcast %neg3A_459 : f32 to vector<16xf32>
      %neg3A_461 = arith.subf %neg3A_460, %get3A_458 : vector<16xf32>
      %exp3A_462 = math.exp %neg3A_461 : vector<16xf32>
      %add3A_463 = arith.constant 1.000000e+00 : f32
      %add3A_464 = vector.broadcast %add3A_463 : f32 to vector<16xf32>
      %add3A_465 = arith.addf %add3A_464, %exp3A_462 : vector<16xf32>
      %div3A_466 = arith.constant 1.000000e+00 : f32
      %div3A_467 = vector.broadcast %div3A_466 : f32 to vector<16xf32>
      %div3A_468 = arith.divf %div3A_467, %add3A_465 : vector<16xf32>
      %swap3A_469 = arith.constant 11 : i32
      %swap3A_470 = arith.index_cast %swap3A_469 : i32 to index
      %swap3A_471 = arith.index_cast %mul3A_260 : i32 to index
      %swap3A_472 = tpu.vector_load %arg8[%swap3A_470, %swap3A_471] {strides = array<i32>} : memref<32x2000xf32, #tpu.memory_space<vmem>>, vector<16xf32>,
      tpu.vector_store %arg8[%swap3A_470, %swap3A_471], %div3A_468 {strides = array<i32>} : memref<32x2000xf32, #tpu.memory_space<vmem>>, vector<16xf32>,
      %get3A_473 = arith.constant 12 : i32
      %get3A_474 = arith.index_cast %get3A_473 : i32 to index
      %get3A_475 = arith.index_cast %mul3A_260 : i32 to index
      %get3A_476 = tpu.vector_load %arg8[%get3A_474, %get3A_475] {strides = array<i32>} : memref<32x2000xf32, #tpu.memory_space<vmem>>, vector<16xf32>,
      %neg3A_477 = arith.constant 0.000000e+00 : f32
      %neg3A_478 = vector.broadcast %neg3A_477 : f32 to vector<16xf32>
      %neg3A_479 = arith.subf %neg3A_478, %get3A_476 : vector<16xf32>
      %exp3A_480 = math.exp %neg3A_479 : vector<16xf32>
      %add3A_481 = arith.constant 1.000000e+00 : f32
      %add3A_482 = vector.broadcast %add3A_481 : f32 to vector<16xf32>
      %add3A_483 = arith.addf %add3A_482, %exp3A_480 : vector<16xf32>
      %div3A_484 = arith.constant 1.000000e+00 : f32
      %div3A_485 = vector.broadcast %div3A_484 : f32 to vector<16xf32>
      %div3A_486 = arith.divf %div3A_485, %add3A_483 : vector<16xf32>
      %swap3A_487 = arith.constant 12 : i32
      %swap3A_488 = arith.index_cast %swap3A_487 : i32 to index
      %swap3A_489 = arith.index_cast %mul3A_260 : i32 to index
      %swap3A_490 = tpu.vector_load %arg8[%swap3A_488, %swap3A_489] {strides = array<i32>} : memref<32x2000xf32, #tpu.memory_space<vmem>>, vector<16xf32>,
      tpu.vector_store %arg8[%swap3A_488, %swap3A_489], %div3A_486 {strides = array<i32>} : memref<32x2000xf32, #tpu.memory_space<vmem>>, vector<16xf32>,
      %get3A_491 = arith.constant 13 : i32
      %get3A_492 = arith.index_cast %get3A_491 : i32 to index
      %get3A_493 = arith.index_cast %mul3A_260 : i32 to index
      %get3A_494 = tpu.vector_load %arg8[%get3A_492, %get3A_493] {strides = array<i32>} : memref<32x2000xf32, #tpu.memory_space<vmem>>, vector<16xf32>,
      %neg3A_495 = arith.constant 0.000000e+00 : f32
      %neg3A_496 = vector.broadcast %neg3A_495 : f32 to vector<16xf32>
      %neg3A_497 = arith.subf %neg3A_496, %get3A_494 : vector<16xf32>
      %exp3A_498 = math.exp %neg3A_497 : vector<16xf32>
      %add3A_499 = arith.constant 1.000000e+00 : f32
      %add3A_500 = vector.broadcast %add3A_499 : f32 to vector<16xf32>
      %add3A_501 = arith.addf %add3A_500, %exp3A_498 : vector<16xf32>
      %div3A_502 = arith.constant 1.000000e+00 : f32
      %div3A_503 = vector.broadcast %div3A_502 : f32 to vector<16xf32>
      %div3A_504 = arith.divf %div3A_503, %add3A_501 : vector<16xf32>
      %swap3A_505 = arith.constant 13 : i32
      %swap3A_506 = arith.index_cast %swap3A_505 : i32 to index
      %swap3A_507 = arith.index_cast %mul3A_260 : i32 to index
      %swap3A_508 = tpu.vector_load %arg8[%swap3A_506, %swap3A_507] {strides = array<i32>} : memref<32x2000xf32, #tpu.memory_space<vmem>>, vector<16xf32>,
      tpu.vector_store %arg8[%swap3A_506, %swap3A_507], %div3A_504 {strides = array<i32>} : memref<32x2000xf32, #tpu.memory_space<vmem>>, vector<16xf32>,
      %get3A_509 = arith.constant 14 : i32
      %get3A_510 = arith.index_cast %get3A_509 : i32 to index
      %get3A_511 = arith.index_cast %mul3A_260 : i32 to index
      %get3A_512 = tpu.vector_load %arg8[%get3A_510, %get3A_511] {strides = array<i32>} : memref<32x2000xf32, #tpu.memory_space<vmem>>, vector<16xf32>,
      %neg3A_513 = arith.constant 0.000000e+00 : f32
      %neg3A_514 = vector.broadcast %neg3A_513 : f32 to vector<16xf32>
      %neg3A_515 = arith.subf %neg3A_514, %get3A_512 : vector<16xf32>
      %exp3A_516 = math.exp %neg3A_515 : vector<16xf32>
      %add3A_517 = arith.constant 1.000000e+00 : f32
      %add3A_518 = vector.broadcast %add3A_517 : f32 to vector<16xf32>
      %add3A_519 = arith.addf %add3A_518, %exp3A_516 : vector<16xf32>
      %div3A_520 = arith.constant 1.000000e+00 : f32
      %div3A_521 = vector.broadcast %div3A_520 : f32 to vector<16xf32>
      %div3A_522 = arith.divf %div3A_521, %add3A_519 : vector<16xf32>
      %swap3A_523 = arith.constant 14 : i32
      %swap3A_524 = arith.index_cast %swap3A_523 : i32 to index
      %swap3A_525 = arith.index_cast %mul3A_260 : i32 to index
      %swap3A_526 = tpu.vector_load %arg8[%swap3A_524, %swap3A_525] {strides = array<i32>} : memref<32x2000xf32, #tpu.memory_space<vmem>>, vector<16xf32>,
      tpu.vector_store %arg8[%swap3A_524, %swap3A_525], %div3A_522 {strides = array<i32>} : memref<32x2000xf32, #tpu.memory_space<vmem>>, vector<16xf32>,
      %get3A_527 = arith.constant 15 : i32
      %get3A_528 = arith.index_cast %get3A_527 : i32 to index
      %get3A_529 = arith.index_cast %mul3A_260 : i32 to index
      %get3A_530 = tpu.vector_load %arg8[%get3A_528, %get3A_529] {strides = array<i32>} : memref<32x2000xf32, #tpu.memory_space<vmem>>, vector<16xf32>,
      %neg3A_531 = arith.constant 0.000000e+00 : f32
      %neg3A_532 = vector.broadcast %neg3A_531 : f32 to vector<16xf32>
      %neg3A_533 = arith.subf %neg3A_532, %get3A_530 : vector<16xf32>
      %exp3A_534 = math.exp %neg3A_533 : vector<16xf32>
      %add3A_535 = arith.constant 1.000000e+00 : f32
      %add3A_536 = vector.broadcast %add3A_535 : f32 to vector<16xf32>
      %add3A_537 = arith.addf %add3A_536, %exp3A_534 : vector<16xf32>
      %div3A_538 = arith.constant 1.000000e+00 : f32
      %div3A_539 = vector.broadcast %div3A_538 : f32 to vector<16xf32>
      %div3A_540 = arith.divf %div3A_539, %add3A_537 : vector<16xf32>
      %swap3A_541 = arith.constant 15 : i32
      %swap3A_542 = arith.index_cast %swap3A_541 : i32 to index
      %swap3A_543 = arith.index_cast %mul3A_260 : i32 to index
      %swap3A_544 = tpu.vector_load %arg8[%swap3A_542, %swap3A_543] {strides = array<i32>} : memref<32x2000xf32, #tpu.memory_space<vmem>>, vector<16xf32>,
      tpu.vector_store %arg8[%swap3A_542, %swap3A_543], %div3A_540 {strides = array<i32>} : memref<32x2000xf32, #tpu.memory_space<vmem>>, vector<16xf32>,
      %get3A_545 = arith.constant 16 : i32
      %get3A_546 = arith.index_cast %get3A_545 : i32 to index
      %get3A_547 = arith.index_cast %mul3A_260 : i32 to index
      %get3A_548 = tpu.vector_load %arg8[%get3A_546, %get3A_547] {strides = array<i32>} : memref<32x2000xf32, #tpu.memory_space<vmem>>, vector<16xf32>,
      %neg3A_549 = arith.constant 0.000000e+00 : f32
      %neg3A_550 = vector.broadcast %neg3A_549 : f32 to vector<16xf32>
      %neg3A_551 = arith.subf %neg3A_550, %get3A_548 : vector<16xf32>
      %exp3A_552 = math.exp %neg3A_551 : vector<16xf32>
      %add3A_553 = arith.constant 1.000000e+00 : f32
      %add3A_554 = vector.broadcast %add3A_553 : f32 to vector<16xf32>
      %add3A_555 = arith.addf %add3A_554, %exp3A_552 : vector<16xf32>
      %div3A_556 = arith.constant 1.000000e+00 : f32
      %div3A_557 = vector.broadcast %div3A_556 : f32 to vector<16xf32>
      %div3A_558 = arith.divf %div3A_557, %add3A_555 : vector<16xf32>
      %swap3A_559 = arith.constant 16 : i32
      %swap3A_560 = arith.index_cast %swap3A_559 : i32 to index
      %swap3A_561 = arith.index_cast %mul3A_260 : i32 to index
      %swap3A_562 = tpu.vector_load %arg8[%swap3A_560, %swap3A_561] {strides = array<i32>} : memref<32x2000xf32, #tpu.memory_space<vmem>>, vector<16xf32>,
      tpu.vector_store %arg8[%swap3A_560, %swap3A_561], %div3A_558 {strides = array<i32>} : memref<32x2000xf32, #tpu.memory_space<vmem>>, vector<16xf32>,
      %get3A_563 = arith.constant 17 : i32
      %get3A_564 = arith.index_cast %get3A_563 : i32 to index
      %get3A_565 = arith.index_cast %mul3A_260 : i32 to index
      %get3A_566 = tpu.vector_load %arg8[%get3A_564, %get3A_565] {strides = array<i32>} : memref<32x2000xf32, #tpu.memory_space<vmem>>, vector<16xf32>,
      %neg3A_567 = arith.constant 0.000000e+00 : f32
      %neg3A_568 = vector.broadcast %neg3A_567 : f32 to vector<16xf32>
      %neg3A_569 = arith.subf %neg3A_568, %get3A_566 : vector<16xf32>
      %exp3A_570 = math.exp %neg3A_569 : vector<16xf32>
      %add3A_571 = arith.constant 1.000000e+00 : f32
      %add3A_572 = vector.broadcast %add3A_571 : f32 to vector<16xf32>
      %add3A_573 = arith.addf %add3A_572, %exp3A_570 : vector<16xf32>
      %div3A_574 = arith.constant 1.000000e+00 : f32
      %div3A_575 = vector.broadcast %div3A_574 : f32 to vector<16xf32>
      %div3A_576 = arith.divf %div3A_575, %add3A_573 : vector<16xf32>
      %swap3A_577 = arith.constant 17 : i32
      %swap3A_578 = arith.index_cast %swap3A_577 : i32 to index
      %swap3A_579 = arith.index_cast %mul3A_260 : i32 to index
      %swap3A_580 = tpu.vector_load %arg8[%swap3A_578, %swap3A_579] {strides = array<i32>} : memref<32x2000xf32, #tpu.memory_space<vmem>>, vector<16xf32>,
      tpu.vector_store %arg8[%swap3A_578, %swap3A_579], %div3A_576 {strides = array<i32>} : memref<32x2000xf32, #tpu.memory_space<vmem>>, vector<16xf32>,
      %get3A_581 = arith.constant 18 : i32
      %get3A_582 = arith.index_cast %get3A_581 : i32 to index
      %get3A_583 = arith.index_cast %mul3A_260 : i32 to index
      %get3A_584 = tpu.vector_load %arg8[%get3A_582, %get3A_583] {strides = array<i32>} : memref<32x2000xf32, #tpu.memory_space<vmem>>, vector<16xf32>,
      %neg3A_585 = arith.constant 0.000000e+00 : f32
      %neg3A_586 = vector.broadcast %neg3A_585 : f32 to vector<16xf32>
      %neg3A_587 = arith.subf %neg3A_586, %get3A_584 : vector<16xf32>
      %exp3A_588 = math.exp %neg3A_587 : vector<16xf32>
      %add3A_589 = arith.constant 1.000000e+00 : f32
      %add3A_590 = vector.broadcast %add3A_589 : f32 to vector<16xf32>
      %add3A_591 = arith.addf %add3A_590, %exp3A_588 : vector<16xf32>
      %div3A_592 = arith.constant 1.000000e+00 : f32
      %div3A_593 = vector.broadcast %div3A_592 : f32 to vector<16xf32>
      %div3A_594 = arith.divf %div3A_593, %add3A_591 : vector<16xf32>
      %swap3A_595 = arith.constant 18 : i32
      %swap3A_596 = arith.index_cast %swap3A_595 : i32 to index
      %swap3A_597 = arith.index_cast %mul3A_260 : i32 to index
      %swap3A_598 = tpu.vector_load %arg8[%swap3A_596, %swap3A_597] {strides = array<i32>} : memref<32x2000xf32, #tpu.memory_space<vmem>>, vector<16xf32>,
      tpu.vector_store %arg8[%swap3A_596, %swap3A_597], %div3A_594 {strides = array<i32>} : memref<32x2000xf32, #tpu.memory_space<vmem>>, vector<16xf32>,
      %get3A_599 = arith.constant 19 : i32
      %get3A_600 = arith.index_cast %get3A_599 : i32 to index
      %get3A_601 = arith.index_cast %mul3A_260 : i32 to index
      %get3A_602 = tpu.vector_load %arg8[%get3A_600, %get3A_601] {strides = array<i32>} : memref<32x2000xf32, #tpu.memory_space<vmem>>, vector<16xf32>,
      %neg3A_603 = arith.constant 0.000000e+00 : f32
      %neg3A_604 = vector.broadcast %neg3A_603 : f32 to vector<16xf32>
      %neg3A_605 = arith.subf %neg3A_604, %get3A_602 : vector<16xf32>
      %exp3A_606 = math.exp %neg3A_605 : vector<16xf32>
      %add3A_607 = arith.constant 1.000000e+00 : f32
      %add3A_608 = vector.broadcast %add3A_607 : f32 to vector<16xf32>
      %add3A_609 = arith.addf %add3A_608, %exp3A_606 : vector<16xf32>
      %div3A_610 = arith.constant 1.000000e+00 : f32
      %div3A_611 = vector.broadcast %div3A_610 : f32 to vector<16xf32>
      %div3A_612 = arith.divf %div3A_611, %add3A_609 : vector<16xf32>
      %swap3A_613 = arith.constant 19 : i32
      %swap3A_614 = arith.index_cast %swap3A_613 : i32 to index
      %swap3A_615 = arith.index_cast %mul3A_260 : i32 to index
      %swap3A_616 = tpu.vector_load %arg8[%swap3A_614, %swap3A_615] {strides = array<i32>} : memref<32x2000xf32, #tpu.memory_space<vmem>>, vector<16xf32>,
      tpu.vector_store %arg8[%swap3A_614, %swap3A_615], %div3A_612 {strides = array<i32>} : memref<32x2000xf32, #tpu.memory_space<vmem>>, vector<16xf32>,
      %get3A_617 = arith.constant 20 : i32
      %get3A_618 = arith.index_cast %get3A_617 : i32 to index
      %get3A_619 = arith.index_cast %mul3A_260 : i32 to index
      %get3A_620 = tpu.vector_load %arg8[%get3A_618, %get3A_619] {strides = array<i32>} : memref<32x2000xf32, #tpu.memory_space<vmem>>, vector<16xf32>,
      %neg3A_621 = arith.constant 0.000000e+00 : f32
      %neg3A_622 = vector.broadcast %neg3A_621 : f32 to vector<16xf32>
      %neg3A_623 = arith.subf %neg3A_622, %get3A_620 : vector<16xf32>
      %exp3A_624 = math.exp %neg3A_623 : vector<16xf32>
      %add3A_625 = arith.constant 1.000000e+00 : f32
      %add3A_626 = vector.broadcast %add3A_625 : f32 to vector<16xf32>
      %add3A_627 = arith.addf %add3A_626, %exp3A_624 : vector<16xf32>
      %div3A_628 = arith.constant 1.000000e+00 : f32
      %div3A_629 = vector.broadcast %div3A_628 : f32 to vector<16xf32>
      %div3A_630 = arith.divf %div3A_629, %add3A_627 : vector<16xf32>
      %swap3A_631 = arith.constant 20 : i32
      %swap3A_632 = arith.index_cast %swap3A_631 : i32 to index
      %swap3A_633 = arith.index_cast %mul3A_260 : i32 to index
      %swap3A_634 = tpu.vector_load %arg8[%swap3A_632, %swap3A_633] {strides = array<i32>} : memref<32x2000xf32, #tpu.memory_space<vmem>>, vector<16xf32>,
      tpu.vector_store %arg8[%swap3A_632, %swap3A_633], %div3A_630 {strides = array<i32>} : memref<32x2000xf32, #tpu.memory_space<vmem>>, vector<16xf32>,
      %get3A_635 = arith.constant 21 : i32
      %get3A_636 = arith.index_cast %get3A_635 : i32 to index
      %get3A_637 = arith.index_cast %mul3A_260 : i32 to index
      %get3A_638 = tpu.vector_load %arg8[%get3A_636, %get3A_637] {strides = array<i32>} : memref<32x2000xf32, #tpu.memory_space<vmem>>, vector<16xf32>,
      %neg3A_639 = arith.constant 0.000000e+00 : f32
      %neg3A_640 = vector.broadcast %neg3A_639 : f32 to vector<16xf32>
      %neg3A_641 = arith.subf %neg3A_640, %get3A_638 : vector<16xf32>
      %exp3A_642 = math.exp %neg3A_641 : vector<16xf32>
      %add3A_643 = arith.constant 1.000000e+00 : f32
      %add3A_644 = vector.broadcast %add3A_643 : f32 to vector<16xf32>
      %add3A_645 = arith.addf %add3A_644, %exp3A_642 : vector<16xf32>
      %div3A_646 = arith.constant 1.000000e+00 : f32
      %div3A_647 = vector.broadcast %div3A_646 : f32 to vector<16xf32>
      %div3A_648 = arith.divf %div3A_647, %add3A_645 : vector<16xf32>
      %swap3A_649 = arith.constant 21 : i32
      %swap3A_650 = arith.index_cast %swap3A_649 : i32 to index
      %swap3A_651 = arith.index_cast %mul3A_260 : i32 to index
      %swap3A_652 = tpu.vector_load %arg8[%swap3A_650, %swap3A_651] {strides = array<i32>} : memref<32x2000xf32, #tpu.memory_space<vmem>>, vector<16xf32>,
      tpu.vector_store %arg8[%swap3A_650, %swap3A_651], %div3A_648 {strides = array<i32>} : memref<32x2000xf32, #tpu.memory_space<vmem>>, vector<16xf32>,
      %get3A_653 = arith.constant 22 : i32
      %get3A_654 = arith.index_cast %get3A_653 : i32 to index
      %get3A_655 = arith.index_cast %mul3A_260 : i32 to index
      %get3A_656 = tpu.vector_load %arg8[%get3A_654, %get3A_655] {strides = array<i32>} : memref<32x2000xf32, #tpu.memory_space<vmem>>, vector<16xf32>,
      %neg3A_657 = arith.constant 0.000000e+00 : f32
      %neg3A_658 = vector.broadcast %neg3A_657 : f32 to vector<16xf32>
      %neg3A_659 = arith.subf %neg3A_658, %get3A_656 : vector<16xf32>
      %exp3A_660 = math.exp %neg3A_659 : vector<16xf32>
      %add3A_661 = arith.constant 1.000000e+00 : f32
      %add3A_662 = vector.broadcast %add3A_661 : f32 to vector<16xf32>
      %add3A_663 = arith.addf %add3A_662, %exp3A_660 : vector<16xf32>
      %div3A_664 = arith.constant 1.000000e+00 : f32
      %div3A_665 = vector.broadcast %div3A_664 : f32 to vector<16xf32>
      %div3A_666 = arith.divf %div3A_665, %add3A_663 : vector<16xf32>
      %swap3A_667 = arith.constant 22 : i32
      %swap3A_668 = arith.index_cast %swap3A_667 : i32 to index
      %swap3A_669 = arith.index_cast %mul3A_260 : i32 to index
      %swap3A_670 = tpu.vector_load %arg8[%swap3A_668, %swap3A_669] {strides = array<i32>} : memref<32x2000xf32, #tpu.memory_space<vmem>>, vector<16xf32>,
      tpu.vector_store %arg8[%swap3A_668, %swap3A_669], %div3A_666 {strides = array<i32>} : memref<32x2000xf32, #tpu.memory_space<vmem>>, vector<16xf32>,
      %get3A_671 = arith.constant 23 : i32
      %get3A_672 = arith.index_cast %get3A_671 : i32 to index
      %get3A_673 = arith.index_cast %mul3A_260 : i32 to index
      %get3A_674 = tpu.vector_load %arg8[%get3A_672, %get3A_673] {strides = array<i32>} : memref<32x2000xf32, #tpu.memory_space<vmem>>, vector<16xf32>,
      %neg3A_675 = arith.constant 0.000000e+00 : f32
      %neg3A_676 = vector.broadcast %neg3A_675 : f32 to vector<16xf32>
      %neg3A_677 = arith.subf %neg3A_676, %get3A_674 : vector<16xf32>
      %exp3A_678 = math.exp %neg3A_677 : vector<16xf32>
      %add3A_679 = arith.constant 1.000000e+00 : f32
      %add3A_680 = vector.broadcast %add3A_679 : f32 to vector<16xf32>
      %add3A_681 = arith.addf %add3A_680, %exp3A_678 : vector<16xf32>
      %div3A_682 = arith.constant 1.000000e+00 : f32
      %div3A_683 = vector.broadcast %div3A_682 : f32 to vector<16xf32>
      %div3A_684 = arith.divf %div3A_683, %add3A_681 : vector<16xf32>
      %swap3A_685 = arith.constant 23 : i32
      %swap3A_686 = arith.index_cast %swap3A_685 : i32 to index
      %swap3A_687 = arith.index_cast %mul3A_260 : i32 to index
      %swap3A_688 = tpu.vector_load %arg8[%swap3A_686, %swap3A_687] {strides = array<i32>} : memref<32x2000xf32, #tpu.memory_space<vmem>>, vector<16xf32>,
      tpu.vector_store %arg8[%swap3A_686, %swap3A_687], %div3A_684 {strides = array<i32>} : memref<32x2000xf32, #tpu.memory_space<vmem>>, vector<16xf32>,
      %get3A_689 = arith.constant 24 : i32
      %get3A_690 = arith.index_cast %get3A_689 : i32 to index
      %get3A_691 = arith.index_cast %mul3A_260 : i32 to index
      %get3A_692 = tpu.vector_load %arg8[%get3A_690, %get3A_691] {strides = array<i32>} : memref<32x2000xf32, #tpu.memory_space<vmem>>, vector<16xf32>,
      %neg3A_693 = arith.constant 0.000000e+00 : f32
      %neg3A_694 = vector.broadcast %neg3A_693 : f32 to vector<16xf32>
      %neg3A_695 = arith.subf %neg3A_694, %get3A_692 : vector<16xf32>
      %exp3A_696 = math.exp %neg3A_695 : vector<16xf32>
      %add3A_697 = arith.constant 1.000000e+00 : f32
      %add3A_698 = vector.broadcast %add3A_697 : f32 to vector<16xf32>
      %add3A_699 = arith.addf %add3A_698, %exp3A_696 : vector<16xf32>
      %div3A_700 = arith.constant 1.000000e+00 : f32
      %div3A_701 = vector.broadcast %div3A_700 : f32 to vector<16xf32>
      %div3A_702 = arith.divf %div3A_701, %add3A_699 : vector<16xf32>
      %swap3A_703 = arith.constant 24 : i32
      %swap3A_704 = arith.index_cast %swap3A_703 : i32 to index
      %swap3A_705 = arith.index_cast %mul3A_260 : i32 to index
      %swap3A_706 = tpu.vector_load %arg8[%swap3A_704, %swap3A_705] {strides = array<i32>} : memref<32x2000xf32, #tpu.memory_space<vmem>>, vector<16xf32>,
      tpu.vector_store %arg8[%swap3A_704, %swap3A_705], %div3A_702 {strides = array<i32>} : memref<32x2000xf32, #tpu.memory_space<vmem>>, vector<16xf32>,
      %get3A_707 = arith.constant 25 : i32
      %get3A_708 = arith.index_cast %get3A_707 : i32 to index
      %get3A_709 = arith.index_cast %mul3A_260 : i32 to index
      %get3A_710 = tpu.vector_load %arg8[%get3A_708, %get3A_709] {strides = array<i32>} : memref<32x2000xf32, #tpu.memory_space<vmem>>, vector<16xf32>,
      %neg3A_711 = arith.constant 0.000000e+00 : f32
      %neg3A_712 = vector.broadcast %neg3A_711 : f32 to vector<16xf32>
      %neg3A_713 = arith.subf %neg3A_712, %get3A_710 : vector<16xf32>
      %exp3A_714 = math.exp %neg3A_713 : vector<16xf32>
      %add3A_715 = arith.constant 1.000000e+00 : f32
      %add3A_716 = vector.broadcast %add3A_715 : f32 to vector<16xf32>
      %add3A_717 = arith.addf %add3A_716, %exp3A_714 : vector<16xf32>
      %div3A_718 = arith.constant 1.000000e+00 : f32
      %div3A_719 = vector.broadcast %div3A_718 : f32 to vector<16xf32>
      %div3A_720 = arith.divf %div3A_719, %add3A_717 : vector<16xf32>
      %swap3A_721 = arith.constant 25 : i32
      %swap3A_722 = arith.index_cast %swap3A_721 : i32 to index
      %swap3A_723 = arith.index_cast %mul3A_260 : i32 to index
      %swap3A_724 = tpu.vector_load %arg8[%swap3A_722, %swap3A_723] {strides = array<i32>} : memref<32x2000xf32, #tpu.memory_space<vmem>>, vector<16xf32>,
      tpu.vector_store %arg8[%swap3A_722, %swap3A_723], %div3A_720 {strides = array<i32>} : memref<32x2000xf32, #tpu.memory_space<vmem>>, vector<16xf32>,
      %get3A_725 = arith.constant 26 : i32
      %get3A_726 = arith.index_cast %get3A_725 : i32 to index
      %get3A_727 = arith.index_cast %mul3A_260 : i32 to index
      %get3A_728 = tpu.vector_load %arg8[%get3A_726, %get3A_727] {strides = array<i32>} : memref<32x2000xf32, #tpu.memory_space<vmem>>, vector<16xf32>,
      %neg3A_729 = arith.constant 0.000000e+00 : f32
      %neg3A_730 = vector.broadcast %neg3A_729 : f32 to vector<16xf32>
      %neg3A_731 = arith.subf %neg3A_730, %get3A_728 : vector<16xf32>
      %exp3A_732 = math.exp %neg3A_731 : vector<16xf32>
      %add3A_733 = arith.constant 1.000000e+00 : f32
      %add3A_734 = vector.broadcast %add3A_733 : f32 to vector<16xf32>
      %add3A_735 = arith.addf %add3A_734, %exp3A_732 : vector<16xf32>
      %div3A_736 = arith.constant 1.000000e+00 : f32
      %div3A_737 = vector.broadcast %div3A_736 : f32 to vector<16xf32>
      %div3A_738 = arith.divf %div3A_737, %add3A_735 : vector<16xf32>
      %swap3A_739 = arith.constant 26 : i32
      %swap3A_740 = arith.index_cast %swap3A_739 : i32 to index
      %swap3A_741 = arith.index_cast %mul3A_260 : i32 to index
      %swap3A_742 = tpu.vector_load %arg8[%swap3A_740, %swap3A_741] {strides = array<i32>} : memref<32x2000xf32, #tpu.memory_space<vmem>>, vector<16xf32>,
      tpu.vector_store %arg8[%swap3A_740, %swap3A_741], %div3A_738 {strides = array<i32>} : memref<32x2000xf32, #tpu.memory_space<vmem>>, vector<16xf32>,
      %get3A_743 = arith.constant 27 : i32
      %get3A_744 = arith.index_cast %get3A_743 : i32 to index
      %get3A_745 = arith.index_cast %mul3A_260 : i32 to index
      %get3A_746 = tpu.vector_load %arg8[%get3A_744, %get3A_745] {strides = array<i32>} : memref<32x2000xf32, #tpu.memory_space<vmem>>, vector<16xf32>,
      %neg3A_747 = arith.constant 0.000000e+00 : f32
      %neg3A_748 = vector.broadcast %neg3A_747 : f32 to vector<16xf32>
      %neg3A_749 = arith.subf %neg3A_748, %get3A_746 : vector<16xf32>
      %exp3A_750 = math.exp %neg3A_749 : vector<16xf32>
      %add3A_751 = arith.constant 1.000000e+00 : f32
      %add3A_752 = vector.broadcast %add3A_751 : f32 to vector<16xf32>
      %add3A_753 = arith.addf %add3A_752, %exp3A_750 : vector<16xf32>
      %div3A_754 = arith.constant 1.000000e+00 : f32
      %div3A_755 = vector.broadcast %div3A_754 : f32 to vector<16xf32>
      %div3A_756 = arith.divf %div3A_755, %add3A_753 : vector<16xf32>
      %swap3A_757 = arith.constant 27 : i32
      %swap3A_758 = arith.index_cast %swap3A_757 : i32 to index
      %swap3A_759 = arith.index_cast %mul3A_260 : i32 to index
      %swap3A_760 = tpu.vector_load %arg8[%swap3A_758, %swap3A_759] {strides = array<i32>} : memref<32x2000xf32, #tpu.memory_space<vmem>>, vector<16xf32>,
      tpu.vector_store %arg8[%swap3A_758, %swap3A_759], %div3A_756 {strides = array<i32>} : memref<32x2000xf32, #tpu.memory_space<vmem>>, vector<16xf32>,
      %get3A_761 = arith.constant 28 : i32
      %get3A_762 = arith.index_cast %get3A_761 : i32 to index
      %get3A_763 = arith.index_cast %mul3A_260 : i32 to index
      %get3A_764 = tpu.vector_load %arg8[%get3A_762, %get3A_763] {strides = array<i32>} : memref<32x2000xf32, #tpu.memory_space<vmem>>, vector<16xf32>,
      %neg3A_765 = arith.constant 0.000000e+00 : f32
      %neg3A_766 = vector.broadcast %neg3A_765 : f32 to vector<16xf32>
      %neg3A_767 = arith.subf %neg3A_766, %get3A_764 : vector<16xf32>
      %exp3A_768 = math.exp %neg3A_767 : vector<16xf32>
      %add3A_769 = arith.constant 1.000000e+00 : f32
      %add3A_770 = vector.broadcast %add3A_769 : f32 to vector<16xf32>
      %add3A_771 = arith.addf %add3A_770, %exp3A_768 : vector<16xf32>
      %div3A_772 = arith.constant 1.000000e+00 : f32
      %div3A_773 = vector.broadcast %div3A_772 : f32 to vector<16xf32>
      %div3A_774 = arith.divf %div3A_773, %add3A_771 : vector<16xf32>
      %swap3A_775 = arith.constant 28 : i32
      %swap3A_776 = arith.index_cast %swap3A_775 : i32 to index
      %swap3A_777 = arith.index_cast %mul3A_260 : i32 to index
      %swap3A_778 = tpu.vector_load %arg8[%swap3A_776, %swap3A_777] {strides = array<i32>} : memref<32x2000xf32, #tpu.memory_space<vmem>>, vector<16xf32>,
      tpu.vector_store %arg8[%swap3A_776, %swap3A_777], %div3A_774 {strides = array<i32>} : memref<32x2000xf32, #tpu.memory_space<vmem>>, vector<16xf32>,
      %get3A_779 = arith.constant 29 : i32
      %get3A_780 = arith.index_cast %get3A_779 : i32 to index
      %get3A_781 = arith.index_cast %mul3A_260 : i32 to index
      %get3A_782 = tpu.vector_load %arg8[%get3A_780, %get3A_781] {strides = array<i32>} : memref<32x2000xf32, #tpu.memory_space<vmem>>, vector<16xf32>,
      %neg3A_783 = arith.constant 0.000000e+00 : f32
      %neg3A_784 = vector.broadcast %neg3A_783 : f32 to vector<16xf32>
      %neg3A_785 = arith.subf %neg3A_784, %get3A_782 : vector<16xf32>
      %exp3A_786 = math.exp %neg3A_785 : vector<16xf32>
      %add3A_787 = arith.constant 1.000000e+00 : f32
      %add3A_788 = vector.broadcast %add3A_787 : f32 to vector<16xf32>
      %add3A_789 = arith.addf %add3A_788, %exp3A_786 : vector<16xf32>
      %div3A_790 = arith.constant 1.000000e+00 : f32
      %div3A_791 = vector.broadcast %div3A_790 : f32 to vector<16xf32>
      %div3A_792 = arith.divf %div3A_791, %add3A_789 : vector<16xf32>
      %swap3A_793 = arith.constant 29 : i32
      %swap3A_794 = arith.index_cast %swap3A_793 : i32 to index
      %swap3A_795 = arith.index_cast %mul3A_260 : i32 to index
      %swap3A_796 = tpu.vector_load %arg8[%swap3A_794, %swap3A_795] {strides = array<i32>} : memref<32x2000xf32, #tpu.memory_space<vmem>>, vector<16xf32>,
      tpu.vector_store %arg8[%swap3A_794, %swap3A_795], %div3A_792 {strides = array<i32>} : memref<32x2000xf32, #tpu.memory_space<vmem>>, vector<16xf32>,
      %get3A_797 = arith.constant 30 : i32
      %get3A_798 = arith.index_cast %get3A_797 : i32 to index
      %get3A_799 = arith.index_cast %mul3A_260 : i32 to index
      %get3A_800 = tpu.vector_load %arg8[%get3A_798, %get3A_799] {strides = array<i32>} : memref<32x2000xf32, #tpu.memory_space<vmem>>, vector<16xf32>,
      %neg3A_801 = arith.constant 0.000000e+00 : f32
      %neg3A_802 = vector.broadcast %neg3A_801 : f32 to vector<16xf32>
      %neg3A_803 = arith.subf %neg3A_802, %get3A_800 : vector<16xf32>
      %exp3A_804 = math.exp %neg3A_803 : vector<16xf32>
      %add3A_805 = arith.constant 1.000000e+00 : f32
      %add3A_806 = vector.broadcast %add3A_805 : f32 to vector<16xf32>
      %add3A_807 = arith.addf %add3A_806, %exp3A_804 : vector<16xf32>
      %div3A_808 = arith.constant 1.000000e+00 : f32
      %div3A_809 = vector.broadcast %div3A_808 : f32 to vector<16xf32>
      %div3A_810 = arith.divf %div3A_809, %add3A_807 : vector<16xf32>
      %swap3A_811 = arith.constant 30 : i32
      %swap3A_812 = arith.index_cast %swap3A_811 : i32 to index
      %swap3A_813 = arith.index_cast %mul3A_260 : i32 to index
      %swap3A_814 = tpu.vector_load %arg8[%swap3A_812, %swap3A_813] {strides = array<i32>} : memref<32x2000xf32, #tpu.memory_space<vmem>>, vector<16xf32>,
      tpu.vector_store %arg8[%swap3A_812, %swap3A_813], %div3A_810 {strides = array<i32>} : memref<32x2000xf32, #tpu.memory_space<vmem>>, vector<16xf32>,
      %get3A_815 = arith.constant 31 : i32
      %get3A_816 = arith.index_cast %get3A_815 : i32 to index
      %get3A_817 = arith.index_cast %mul3A_260 : i32 to index
      %get3A_818 = tpu.vector_load %arg8[%get3A_816, %get3A_817] {strides = array<i32>} : memref<32x2000xf32, #tpu.memory_space<vmem>>, vector<16xf32>,
      %neg3A_819 = arith.constant 0.000000e+00 : f32
      %neg3A_820 = vector.broadcast %neg3A_819 : f32 to vector<16xf32>
      %neg3A_821 = arith.subf %neg3A_820, %get3A_818 : vector<16xf32>
      %exp3A_822 = math.exp %neg3A_821 : vector<16xf32>
      %add3A_823 = arith.constant 1.000000e+00 : f32
      %add3A_824 = vector.broadcast %add3A_823 : f32 to vector<16xf32>
      %add3A_825 = arith.addf %add3A_824, %exp3A_822 : vector<16xf32>
      %div3A_826 = arith.constant 1.000000e+00 : f32
      %div3A_827 = vector.broadcast %div3A_826 : f32 to vector<16xf32>
      %div3A_828 = arith.divf %div3A_827, %add3A_825 : vector<16xf32>
      %swap3A_829 = arith.constant 31 : i32
      %swap3A_830 = arith.index_cast %swap3A_829 : i32 to index
      %swap3A_831 = arith.index_cast %mul3A_260 : i32 to index
      %swap3A_832 = tpu.vector_load %arg8[%swap3A_830, %swap3A_831] {strides = array<i32>} : memref<32x2000xf32, #tpu.memory_space<vmem>>, vector<16xf32>,
      tpu.vector_store %arg8[%swap3A_830, %swap3A_831], %div3A_828 {strides = array<i32>} : memref<32x2000xf32, #tpu.memory_space<vmem>>, vector<16xf32>,
    }
    %scan3A_10 = arith.constant 125 : i32
    %broadcast_in_dim3A = arith.constant 1.000000e+00 : f32
    %broadcast_in_dim3A_11 = vector.broadcast %broadcast_in_dim3A : f32 to vector<16xf32>
    %iota3A = tpu.iota {dimensions = array<i32: 0>} : vector<16xi32>
    %mul3A_12 = arith.constant 3 : i32
    %mul3A_13 = vector.broadcast %mul3A_12 : i32 to vector<16xi32>
    %mul3A_14 = arith.muli %iota3A, %mul3A_13 : vector<16xi32>
    %scan3A_15 = arith.constant 0 : i32
    %scan3A_16 = arith.constant 500 : i32
    %scan3A_17 = arith.addi %scan3A_15, %scan3A_16 : i32
    %scan3A_18 = arith.constant 1 : i32
    %scan3A_19:16 = scf.for %scan3A_258 = %scan3A_15 to %scan3A_17 step %scan3A_18 iter_args(%scan3A_259 = %broadcast_in_dim3A_11, %scan3A_260 = %broadcast_in_dim3A_11, %scan3A_261 = %broadcast_in_dim3A_11, %scan3A_262 = %broadcast_in_dim3A_11, %scan3A_263 = %broadcast_in_dim3A_11, %scan3A_264 = %broadcast_in_dim3A_11, %scan3A_265 = %broadcast_in_dim3A_11, %scan3A_266 = %broadcast_in_dim3A_11, %scan3A_267 = %broadcast_in_dim3A_11, %scan3A_268 = %broadcast_in_dim3A_11, %scan3A_269 = %broadcast_in_dim3A_11, %scan3A_270 = %broadcast_in_dim3A_11, %scan3A_271 = %broadcast_in_dim3A_11, %scan3A_272 = %broadcast_in_dim3A_11, %scan3A_273 = %broadcast_in_dim3A_11, %scan3A_274 = %broadcast_in_dim3A_11) -> (vector<16xf32>, vector<16xf32>, vector<16xf32>, vector<16xf32>, vector<16xf32>, vector<16xf32>, vector<16xf32>, vector<16xf32>, vector<16xf32>, vector<16xf32>, vector<16xf32>, vector<16xf32>, vector<16xf32>, vector<16xf32>, vector<16xf32>, vector<16xf32>)  : i32 {
      %mul3A_275 = arith.constant 48 : i32
      %mul3A_276 = arith.muli %scan3A_258, %mul3A_275 : i32
      %add3A_277 = vector.broadcast %mul3A_276 : i32 to vector<16xi32>
      %add3A_278 = arith.addi %mul3A_14, %add3A_277 : vector<16xi32>
      %gather3A_279 = tpu.vector_load_idx %arg9[%add3A_278] : memref<24000xi32, #tpu.memory_space<vmem>>[vector<16xi32>], vector<16xi32>,
      %add3A_280 = arith.constant 1 : i32
      %add3A_281 = vector.broadcast %add3A_280 : i32 to vector<16xi32>
      %add3A_282 = arith.addi %add3A_278, %add3A_281 : vector<16xi32>
      %gather3A_283 = tpu.vector_load_idx %arg9[%add3A_282] : memref<24000xi32, #tpu.memory_space<vmem>>[vector<16xi32>], vector<16xi32>,
      %add3A_284 = arith.constant 2 : i32
      %add3A_285 = vector.broadcast %add3A_284 : i32 to vector<16xi32>
      %add3A_286 = arith.addi %add3A_278, %add3A_285 : vector<16xi32>
      %gather3A_287 = tpu.vector_load_idx %arg9[%add3A_286] : memref<24000xi32, #tpu.memory_space<vmem>>[vector<16xi32>], vector<16xi32>,
      %gather3A_288 = tpu.vector_load_idx %arg10[%add3A_278] : memref<24000xf32, #tpu.memory_space<vmem>>[vector<16xi32>], vector<16xf32>,
      %add3A_289 = arith.constant 1 : i32
      %add3A_290 = vector.broadcast %add3A_289 : i32 to vector<16xi32>
      %add3A_291 = arith.addi %add3A_278, %add3A_290 : vector<16xi32>
      %gather3A_292 = tpu.vector_load_idx %arg10[%add3A_291] : memref<24000xf32, #tpu.memory_space<vmem>>[vector<16xi32>], vector<16xf32>,
      %add3A_293 = arith.constant 2 : i32
      %add3A_294 = vector.broadcast %add3A_293 : i32 to vector<16xi32>
      %add3A_295 = arith.addi %add3A_278, %add3A_294 : vector<16xi32>
      %gather3A_296 = tpu.vector_load_idx %arg10[%add3A_295] : memref<24000xf32, #tpu.memory_space<vmem>>[vector<16xi32>], vector<16xf32>,
      %mul3A_297 = arith.constant 5.000000e-01 : f32
      %mul3A_298 = vector.broadcast %mul3A_297 : f32 to vector<16xf32>
      %mul3A_299 = arith.mulf %mul3A_298, %gather3A_288 : vector<16xf32>
      %add3A_300 = arith.constant 5.000000e-01 : f32
      %add3A_301 = vector.broadcast %add3A_300 : f32 to vector<16xf32>
      %add3A_302 = arith.addf %add3A_301, %mul3A_299 : vector<16xf32>
      %mul3A_303 = arith.constant 5.000000e-01 : f32
      %mul3A_304 = vector.broadcast %mul3A_303 : f32 to vector<16xf32>
      %mul3A_305 = arith.mulf %mul3A_304, %gather3A_292 : vector<16xf32>
      %add3A_306 = arith.constant 5.000000e-01 : f32
      %add3A_307 = vector.broadcast %add3A_306 : f32 to vector<16xf32>
      %add3A_308 = arith.addf %add3A_307, %mul3A_305 : vector<16xf32>
      %mul3A_309 = arith.constant 5.000000e-01 : f32
      %mul3A_310 = vector.broadcast %mul3A_309 : f32 to vector<16xf32>
      %mul3A_311 = arith.mulf %mul3A_310, %gather3A_296 : vector<16xf32>
      %add3A_312 = arith.constant 5.000000e-01 : f32
      %add3A_313 = vector.broadcast %add3A_312 : f32 to vector<16xf32>
      %add3A_314 = arith.addf %add3A_313, %mul3A_311 : vector<16xf32>
      %gather3A_315 = arith.constant 0 : i32
      %gather3A_316 = arith.constant 0 : i32
      %gather3A_317 = tpu.memref_slice %arg8[%gather3A_315, %gather3A_316] : memref<32x2000xf32, #tpu.memory_space<vmem>> -> memref<1x2000xf32, #tpu.memory_space<vmem>>
      %gather3A_318 = tpu.memref_squeeze %gather3A_317 : memref<1x2000xf32, #tpu.memory_space<vmem>> -> memref<2000xf32, #tpu.memory_space<vmem>>
      %gather3A_319 = tpu.vector_load_idx %gather3A_318[%gather3A_279] : memref<2000xf32, #tpu.memory_space<vmem>>[vector<16xi32>], vector<16xf32>,
      %gather3A_320 = arith.constant 0 : i32
      %gather3A_321 = arith.constant 0 : i32
      %gather3A_322 = tpu.memref_slice %arg8[%gather3A_320, %gather3A_321] : memref<32x2000xf32, #tpu.memory_space<vmem>> -> memref<1x2000xf32, #tpu.memory_space<vmem>>
      %gather3A_323 = tpu.memref_squeeze %gather3A_322 : memref<1x2000xf32, #tpu.memory_space<vmem>> -> memref<2000xf32, #tpu.memory_space<vmem>>
      %gather3A_324 = tpu.vector_load_idx %gather3A_323[%gather3A_283] : memref<2000xf32, #tpu.memory_space<vmem>>[vector<16xi32>], vector<16xf32>,
      %gather3A_325 = arith.constant 0 : i32
      %gather3A_326 = arith.constant 0 : i32
      %gather3A_327 = tpu.memref_slice %arg8[%gather3A_325, %gather3A_326] : memref<32x2000xf32, #tpu.memory_space<vmem>> -> memref<1x2000xf32, #tpu.memory_space<vmem>>
      %gather3A_328 = tpu.memref_squeeze %gather3A_327 : memref<1x2000xf32, #tpu.memory_space<vmem>> -> memref<2000xf32, #tpu.memory_space<vmem>>
      %gather3A_329 = tpu.vector_load_idx %gather3A_328[%gather3A_287] : memref<2000xf32, #tpu.memory_space<vmem>>[vector<16xi32>], vector<16xf32>,
      %mul3A_330 = arith.mulf %gather3A_288, %gather3A_319 : vector<16xf32>
      %sub3A = arith.subf %add3A_302, %mul3A_330 : vector<16xf32>
      %mul3A_331 = arith.mulf %gather3A_292, %gather3A_324 : vector<16xf32>
      %sub3A_332 = arith.subf %add3A_308, %mul3A_331 : vector<16xf32>
      %mul3A_333 = arith.mulf %sub3A, %sub3A_332 : vector<16xf32>
      %mul3A_334 = arith.mulf %gather3A_296, %gather3A_329 : vector<16xf32>
      %sub3A_335 = arith.subf %add3A_314, %mul3A_334 : vector<16xf32>
      %mul3A_336 = arith.mulf %mul3A_333, %sub3A_335 : vector<16xf32>
      %sub3A_337 = arith.constant 1.000000e+00 : f32
      %sub3A_338 = vector.broadcast %sub3A_337 : f32 to vector<16xf32>
      %sub3A_339 = arith.subf %sub3A_338, %mul3A_336 : vector<16xf32>
      %mul3A_340 = arith.mulf %scan3A_259, %sub3A_339 : vector<16xf32>
      %gather3A_341 = arith.constant 1 : i32
      %gather3A_342 = arith.constant 0 : i32
      %gather3A_343 = tpu.memref_slice %arg8[%gather3A_341, %gather3A_342] : memref<32x2000xf32, #tpu.memory_space<vmem>> -> memref<1x2000xf32, #tpu.memory_space<vmem>>
      %gather3A_344 = tpu.memref_squeeze %gather3A_343 : memref<1x2000xf32, #tpu.memory_space<vmem>> -> memref<2000xf32, #tpu.memory_space<vmem>>
      %gather3A_345 = tpu.vector_load_idx %gather3A_344[%gather3A_279] : memref<2000xf32, #tpu.memory_space<vmem>>[vector<16xi32>], vector<16xf32>,
      %gather3A_346 = arith.constant 1 : i32
      %gather3A_347 = arith.constant 0 : i32
      %gather3A_348 = tpu.memref_slice %arg8[%gather3A_346, %gather3A_347] : memref<32x2000xf32, #tpu.memory_space<vmem>> -> memref<1x2000xf32, #tpu.memory_space<vmem>>
      %gather3A_349 = tpu.memref_squeeze %gather3A_348 : memref<1x2000xf32, #tpu.memory_space<vmem>> -> memref<2000xf32, #tpu.memory_space<vmem>>
      %gather3A_350 = tpu.vector_load_idx %gather3A_349[%gather3A_283] : memref<2000xf32, #tpu.memory_space<vmem>>[vector<16xi32>], vector<16xf32>,
      %gather3A_351 = arith.constant 1 : i32
      %gather3A_352 = arith.constant 0 : i32
      %gather3A_353 = tpu.memref_slice %arg8[%gather3A_351, %gather3A_352] : memref<32x2000xf32, #tpu.memory_space<vmem>> -> memref<1x2000xf32, #tpu.memory_space<vmem>>
      %gather3A_354 = tpu.memref_squeeze %gather3A_353 : memref<1x2000xf32, #tpu.memory_space<vmem>> -> memref<2000xf32, #tpu.memory_space<vmem>>
      %gather3A_355 = tpu.vector_load_idx %gather3A_354[%gather3A_287] : memref<2000xf32, #tpu.memory_space<vmem>>[vector<16xi32>], vector<16xf32>,
      %mul3A_356 = arith.mulf %gather3A_288, %gather3A_345 : vector<16xf32>
      %sub3A_357 = arith.subf %add3A_302, %mul3A_356 : vector<16xf32>
      %mul3A_358 = arith.mulf %gather3A_292, %gather3A_350 : vector<16xf32>
      %sub3A_359 = arith.subf %add3A_308, %mul3A_358 : vector<16xf32>
      %mul3A_360 = arith.mulf %sub3A_357, %sub3A_359 : vector<16xf32>
      %mul3A_361 = arith.mulf %gather3A_296, %gather3A_355 : vector<16xf32>
      %sub3A_362 = arith.subf %add3A_314, %mul3A_361 : vector<16xf32>
      %mul3A_363 = arith.mulf %mul3A_360, %sub3A_362 : vector<16xf32>
      %sub3A_364 = arith.constant 1.000000e+00 : f32
      %sub3A_365 = vector.broadcast %sub3A_364 : f32 to vector<16xf32>
      %sub3A_366 = arith.subf %sub3A_365, %mul3A_363 : vector<16xf32>
      %mul3A_367 = arith.mulf %scan3A_260, %sub3A_366 : vector<16xf32>
      %gather3A_368 = arith.constant 2 : i32
      %gather3A_369 = arith.constant 0 : i32
      %gather3A_370 = tpu.memref_slice %arg8[%gather3A_368, %gather3A_369] : memref<32x2000xf32, #tpu.memory_space<vmem>> -> memref<1x2000xf32, #tpu.memory_space<vmem>>
      %gather3A_371 = tpu.memref_squeeze %gather3A_370 : memref<1x2000xf32, #tpu.memory_space<vmem>> -> memref<2000xf32, #tpu.memory_space<vmem>>
      %gather3A_372 = tpu.vector_load_idx %gather3A_371[%gather3A_279] : memref<2000xf32, #tpu.memory_space<vmem>>[vector<16xi32>], vector<16xf32>,
      %gather3A_373 = arith.constant 2 : i32
      %gather3A_374 = arith.constant 0 : i32
      %gather3A_375 = tpu.memref_slice %arg8[%gather3A_373, %gather3A_374] : memref<32x2000xf32, #tpu.memory_space<vmem>> -> memref<1x2000xf32, #tpu.memory_space<vmem>>
      %gather3A_376 = tpu.memref_squeeze %gather3A_375 : memref<1x2000xf32, #tpu.memory_space<vmem>> -> memref<2000xf32, #tpu.memory_space<vmem>>
      %gather3A_377 = tpu.vector_load_idx %gather3A_376[%gather3A_283] : memref<2000xf32, #tpu.memory_space<vmem>>[vector<16xi32>], vector<16xf32>,
      %gather3A_378 = arith.constant 2 : i32
      %gather3A_379 = arith.constant 0 : i32
      %gather3A_380 = tpu.memref_slice %arg8[%gather3A_378, %gather3A_379] : memref<32x2000xf32, #tpu.memory_space<vmem>> -> memref<1x2000xf32, #tpu.memory_space<vmem>>
      %gather3A_381 = tpu.memref_squeeze %gather3A_380 : memref<1x2000xf32, #tpu.memory_space<vmem>> -> memref<2000xf32, #tpu.memory_space<vmem>>
      %gather3A_382 = tpu.vector_load_idx %gather3A_381[%gather3A_287] : memref<2000xf32, #tpu.memory_space<vmem>>[vector<16xi32>], vector<16xf32>,
      %mul3A_383 = arith.mulf %gather3A_288, %gather3A_372 : vector<16xf32>
      %sub3A_384 = arith.subf %add3A_302, %mul3A_383 : vector<16xf32>
      %mul3A_385 = arith.mulf %gather3A_292, %gather3A_377 : vector<16xf32>
      %sub3A_386 = arith.subf %add3A_308, %mul3A_385 : vector<16xf32>
      %mul3A_387 = arith.mulf %sub3A_384, %sub3A_386 : vector<16xf32>
      %mul3A_388 = arith.mulf %gather3A_296, %gather3A_382 : vector<16xf32>
      %sub3A_389 = arith.subf %add3A_314, %mul3A_388 : vector<16xf32>
      %mul3A_390 = arith.mulf %mul3A_387, %sub3A_389 : vector<16xf32>
      %sub3A_391 = arith.constant 1.000000e+00 : f32
      %sub3A_392 = vector.broadcast %sub3A_391 : f32 to vector<16xf32>
      %sub3A_393 = arith.subf %sub3A_392, %mul3A_390 : vector<16xf32>
      %mul3A_394 = arith.mulf %scan3A_261, %sub3A_393 : vector<16xf32>
      %gather3A_395 = arith.constant 3 : i32
      %gather3A_396 = arith.constant 0 : i32
      %gather3A_397 = tpu.memref_slice %arg8[%gather3A_395, %gather3A_396] : memref<32x2000xf32, #tpu.memory_space<vmem>> -> memref<1x2000xf32, #tpu.memory_space<vmem>>
      %gather3A_398 = tpu.memref_squeeze %gather3A_397 : memref<1x2000xf32, #tpu.memory_space<vmem>> -> memref<2000xf32, #tpu.memory_space<vmem>>
      %gather3A_399 = tpu.vector_load_idx %gather3A_398[%gather3A_279] : memref<2000xf32, #tpu.memory_space<vmem>>[vector<16xi32>], vector<16xf32>,
      %gather3A_400 = arith.constant 3 : i32
      %gather3A_401 = arith.constant 0 : i32
      %gather3A_402 = tpu.memref_slice %arg8[%gather3A_400, %gather3A_401] : memref<32x2000xf32, #tpu.memory_space<vmem>> -> memref<1x2000xf32, #tpu.memory_space<vmem>>
      %gather3A_403 = tpu.memref_squeeze %gather3A_402 : memref<1x2000xf32, #tpu.memory_space<vmem>> -> memref<2000xf32, #tpu.memory_space<vmem>>
      %gather3A_404 = tpu.vector_load_idx %gather3A_403[%gather3A_283] : memref<2000xf32, #tpu.memory_space<vmem>>[vector<16xi32>], vector<16xf32>,
      %gather3A_405 = arith.constant 3 : i32
      %gather3A_406 = arith.constant 0 : i32
      %gather3A_407 = tpu.memref_slice %arg8[%gather3A_405, %gather3A_406] : memref<32x2000xf32, #tpu.memory_space<vmem>> -> memref<1x2000xf32, #tpu.memory_space<vmem>>
      %gather3A_408 = tpu.memref_squeeze %gather3A_407 : memref<1x2000xf32, #tpu.memory_space<vmem>> -> memref<2000xf32, #tpu.memory_space<vmem>>
      %gather3A_409 = tpu.vector_load_idx %gather3A_408[%gather3A_287] : memref<2000xf32, #tpu.memory_space<vmem>>[vector<16xi32>], vector<16xf32>,
      %mul3A_410 = arith.mulf %gather3A_288, %gather3A_399 : vector<16xf32>
      %sub3A_411 = arith.subf %add3A_302, %mul3A_410 : vector<16xf32>
      %mul3A_412 = arith.mulf %gather3A_292, %gather3A_404 : vector<16xf32>
      %sub3A_413 = arith.subf %add3A_308, %mul3A_412 : vector<16xf32>
      %mul3A_414 = arith.mulf %sub3A_411, %sub3A_413 : vector<16xf32>
      %mul3A_415 = arith.mulf %gather3A_296, %gather3A_409 : vector<16xf32>
      %sub3A_416 = arith.subf %add3A_314, %mul3A_415 : vector<16xf32>
      %mul3A_417 = arith.mulf %mul3A_414, %sub3A_416 : vector<16xf32>
      %sub3A_418 = arith.constant 1.000000e+00 : f32
      %sub3A_419 = vector.broadcast %sub3A_418 : f32 to vector<16xf32>
      %sub3A_420 = arith.subf %sub3A_419, %mul3A_417 : vector<16xf32>
      %mul3A_421 = arith.mulf %scan3A_262, %sub3A_420 : vector<16xf32>
      %gather3A_422 = arith.constant 4 : i32
      %gather3A_423 = arith.constant 0 : i32
      %gather3A_424 = tpu.memref_slice %arg8[%gather3A_422, %gather3A_423] : memref<32x2000xf32, #tpu.memory_space<vmem>> -> memref<1x2000xf32, #tpu.memory_space<vmem>>
      %gather3A_425 = tpu.memref_squeeze %gather3A_424 : memref<1x2000xf32, #tpu.memory_space<vmem>> -> memref<2000xf32, #tpu.memory_space<vmem>>
      %gather3A_426 = tpu.vector_load_idx %gather3A_425[%gather3A_279] : memref<2000xf32, #tpu.memory_space<vmem>>[vector<16xi32>], vector<16xf32>,
      %gather3A_427 = arith.constant 4 : i32
      %gather3A_428 = arith.constant 0 : i32
      %gather3A_429 = tpu.memref_slice %arg8[%gather3A_427, %gather3A_428] : memref<32x2000xf32, #tpu.memory_space<vmem>> -> memref<1x2000xf32, #tpu.memory_space<vmem>>
      %gather3A_430 = tpu.memref_squeeze %gather3A_429 : memref<1x2000xf32, #tpu.memory_space<vmem>> -> memref<2000xf32, #tpu.memory_space<vmem>>
      %gather3A_431 = tpu.vector_load_idx %gather3A_430[%gather3A_283] : memref<2000xf32, #tpu.memory_space<vmem>>[vector<16xi32>], vector<16xf32>,
      %gather3A_432 = arith.constant 4 : i32
      %gather3A_433 = arith.constant 0 : i32
      %gather3A_434 = tpu.memref_slice %arg8[%gather3A_432, %gather3A_433] : memref<32x2000xf32, #tpu.memory_space<vmem>> -> memref<1x2000xf32, #tpu.memory_space<vmem>>
      %gather3A_435 = tpu.memref_squeeze %gather3A_434 : memref<1x2000xf32, #tpu.memory_space<vmem>> -> memref<2000xf32, #tpu.memory_space<vmem>>
      %gather3A_436 = tpu.vector_load_idx %gather3A_435[%gather3A_287] : memref<2000xf32, #tpu.memory_space<vmem>>[vector<16xi32>], vector<16xf32>,
      %mul3A_437 = arith.mulf %gather3A_288, %gather3A_426 : vector<16xf32>
      %sub3A_438 = arith.subf %add3A_302, %mul3A_437 : vector<16xf32>
      %mul3A_439 = arith.mulf %gather3A_292, %gather3A_431 : vector<16xf32>
      %sub3A_440 = arith.subf %add3A_308, %mul3A_439 : vector<16xf32>
      %mul3A_441 = arith.mulf %sub3A_438, %sub3A_440 : vector<16xf32>
      %mul3A_442 = arith.mulf %gather3A_296, %gather3A_436 : vector<16xf32>
      %sub3A_443 = arith.subf %add3A_314, %mul3A_442 : vector<16xf32>
      %mul3A_444 = arith.mulf %mul3A_441, %sub3A_443 : vector<16xf32>
      %sub3A_445 = arith.constant 1.000000e+00 : f32
      %sub3A_446 = vector.broadcast %sub3A_445 : f32 to vector<16xf32>
      %sub3A_447 = arith.subf %sub3A_446, %mul3A_444 : vector<16xf32>
      %mul3A_448 = arith.mulf %scan3A_263, %sub3A_447 : vector<16xf32>
      %gather3A_449 = arith.constant 5 : i32
      %gather3A_450 = arith.constant 0 : i32
      %gather3A_451 = tpu.memref_slice %arg8[%gather3A_449, %gather3A_450] : memref<32x2000xf32, #tpu.memory_space<vmem>> -> memref<1x2000xf32, #tpu.memory_space<vmem>>
      %gather3A_452 = tpu.memref_squeeze %gather3A_451 : memref<1x2000xf32, #tpu.memory_space<vmem>> -> memref<2000xf32, #tpu.memory_space<vmem>>
      %gather3A_453 = tpu.vector_load_idx %gather3A_452[%gather3A_279] : memref<2000xf32, #tpu.memory_space<vmem>>[vector<16xi32>], vector<16xf32>,
      %gather3A_454 = arith.constant 5 : i32
      %gather3A_455 = arith.constant 0 : i32
      %gather3A_456 = tpu.memref_slice %arg8[%gather3A_454, %gather3A_455] : memref<32x2000xf32, #tpu.memory_space<vmem>> -> memref<1x2000xf32, #tpu.memory_space<vmem>>
      %gather3A_457 = tpu.memref_squeeze %gather3A_456 : memref<1x2000xf32, #tpu.memory_space<vmem>> -> memref<2000xf32, #tpu.memory_space<vmem>>
      %gather3A_458 = tpu.vector_load_idx %gather3A_457[%gather3A_283] : memref<2000xf32, #tpu.memory_space<vmem>>[vector<16xi32>], vector<16xf32>,
      %gather3A_459 = arith.constant 5 : i32
      %gather3A_460 = arith.constant 0 : i32
      %gather3A_461 = tpu.memref_slice %arg8[%gather3A_459, %gather3A_460] : memref<32x2000xf32, #tpu.memory_space<vmem>> -> memref<1x2000xf32, #tpu.memory_space<vmem>>
      %gather3A_462 = tpu.memref_squeeze %gather3A_461 : memref<1x2000xf32, #tpu.memory_space<vmem>> -> memref<2000xf32, #tpu.memory_space<vmem>>
      %gather3A_463 = tpu.vector_load_idx %gather3A_462[%gather3A_287] : memref<2000xf32, #tpu.memory_space<vmem>>[vector<16xi32>], vector<16xf32>,
      %mul3A_464 = arith.mulf %gather3A_288, %gather3A_453 : vector<16xf32>
      %sub3A_465 = arith.subf %add3A_302, %mul3A_464 : vector<16xf32>
      %mul3A_466 = arith.mulf %gather3A_292, %gather3A_458 : vector<16xf32>
      %sub3A_467 = arith.subf %add3A_308, %mul3A_466 : vector<16xf32>
      %mul3A_468 = arith.mulf %sub3A_465, %sub3A_467 : vector<16xf32>
      %mul3A_469 = arith.mulf %gather3A_296, %gather3A_463 : vector<16xf32>
      %sub3A_470 = arith.subf %add3A_314, %mul3A_469 : vector<16xf32>
      %mul3A_471 = arith.mulf %mul3A_468, %sub3A_470 : vector<16xf32>
      %sub3A_472 = arith.constant 1.000000e+00 : f32
      %sub3A_473 = vector.broadcast %sub3A_472 : f32 to vector<16xf32>
      %sub3A_474 = arith.subf %sub3A_473, %mul3A_471 : vector<16xf32>
      %mul3A_475 = arith.mulf %scan3A_264, %sub3A_474 : vector<16xf32>
      %gather3A_476 = arith.constant 6 : i32
      %gather3A_477 = arith.constant 0 : i32
      %gather3A_478 = tpu.memref_slice %arg8[%gather3A_476, %gather3A_477] : memref<32x2000xf32, #tpu.memory_space<vmem>> -> memref<1x2000xf32, #tpu.memory_space<vmem>>
      %gather3A_479 = tpu.memref_squeeze %gather3A_478 : memref<1x2000xf32, #tpu.memory_space<vmem>> -> memref<2000xf32, #tpu.memory_space<vmem>>
      %gather3A_480 = tpu.vector_load_idx %gather3A_479[%gather3A_279] : memref<2000xf32, #tpu.memory_space<vmem>>[vector<16xi32>], vector<16xf32>,
      %gather3A_481 = arith.constant 6 : i32
      %gather3A_482 = arith.constant 0 : i32
      %gather3A_483 = tpu.memref_slice %arg8[%gather3A_481, %gather3A_482] : memref<32x2000xf32, #tpu.memory_space<vmem>> -> memref<1x2000xf32, #tpu.memory_space<vmem>>
      %gather3A_484 = tpu.memref_squeeze %gather3A_483 : memref<1x2000xf32, #tpu.memory_space<vmem>> -> memref<2000xf32, #tpu.memory_space<vmem>>
      %gather3A_485 = tpu.vector_load_idx %gather3A_484[%gather3A_283] : memref<2000xf32, #tpu.memory_space<vmem>>[vector<16xi32>], vector<16xf32>,
      %gather3A_486 = arith.constant 6 : i32
      %gather3A_487 = arith.constant 0 : i32
      %gather3A_488 = tpu.memref_slice %arg8[%gather3A_486, %gather3A_487] : memref<32x2000xf32, #tpu.memory_space<vmem>> -> memref<1x2000xf32, #tpu.memory_space<vmem>>
      %gather3A_489 = tpu.memref_squeeze %gather3A_488 : memref<1x2000xf32, #tpu.memory_space<vmem>> -> memref<2000xf32, #tpu.memory_space<vmem>>
      %gather3A_490 = tpu.vector_load_idx %gather3A_489[%gather3A_287] : memref<2000xf32, #tpu.memory_space<vmem>>[vector<16xi32>], vector<16xf32>,
      %mul3A_491 = arith.mulf %gather3A_288, %gather3A_480 : vector<16xf32>
      %sub3A_492 = arith.subf %add3A_302, %mul3A_491 : vector<16xf32>
      %mul3A_493 = arith.mulf %gather3A_292, %gather3A_485 : vector<16xf32>
      %sub3A_494 = arith.subf %add3A_308, %mul3A_493 : vector<16xf32>
      %mul3A_495 = arith.mulf %sub3A_492, %sub3A_494 : vector<16xf32>
      %mul3A_496 = arith.mulf %gather3A_296, %gather3A_490 : vector<16xf32>
      %sub3A_497 = arith.subf %add3A_314, %mul3A_496 : vector<16xf32>
      %mul3A_498 = arith.mulf %mul3A_495, %sub3A_497 : vector<16xf32>
      %sub3A_499 = arith.constant 1.000000e+00 : f32
      %sub3A_500 = vector.broadcast %sub3A_499 : f32 to vector<16xf32>
      %sub3A_501 = arith.subf %sub3A_500, %mul3A_498 : vector<16xf32>
      %mul3A_502 = arith.mulf %scan3A_265, %sub3A_501 : vector<16xf32>
      %gather3A_503 = arith.constant 7 : i32
      %gather3A_504 = arith.constant 0 : i32
      %gather3A_505 = tpu.memref_slice %arg8[%gather3A_503, %gather3A_504] : memref<32x2000xf32, #tpu.memory_space<vmem>> -> memref<1x2000xf32, #tpu.memory_space<vmem>>
      %gather3A_506 = tpu.memref_squeeze %gather3A_505 : memref<1x2000xf32, #tpu.memory_space<vmem>> -> memref<2000xf32, #tpu.memory_space<vmem>>
      %gather3A_507 = tpu.vector_load_idx %gather3A_506[%gather3A_279] : memref<2000xf32, #tpu.memory_space<vmem>>[vector<16xi32>], vector<16xf32>,
      %gather3A_508 = arith.constant 7 : i32
      %gather3A_509 = arith.constant 0 : i32
      %gather3A_510 = tpu.memref_slice %arg8[%gather3A_508, %gather3A_509] : memref<32x2000xf32, #tpu.memory_space<vmem>> -> memref<1x2000xf32, #tpu.memory_space<vmem>>
      %gather3A_511 = tpu.memref_squeeze %gather3A_510 : memref<1x2000xf32, #tpu.memory_space<vmem>> -> memref<2000xf32, #tpu.memory_space<vmem>>
      %gather3A_512 = tpu.vector_load_idx %gather3A_511[%gather3A_283] : memref<2000xf32, #tpu.memory_space<vmem>>[vector<16xi32>], vector<16xf32>,
      %gather3A_513 = arith.constant 7 : i32
      %gather3A_514 = arith.constant 0 : i32
      %gather3A_515 = tpu.memref_slice %arg8[%gather3A_513, %gather3A_514] : memref<32x2000xf32, #tpu.memory_space<vmem>> -> memref<1x2000xf32, #tpu.memory_space<vmem>>
      %gather3A_516 = tpu.memref_squeeze %gather3A_515 : memref<1x2000xf32, #tpu.memory_space<vmem>> -> memref<2000xf32, #tpu.memory_space<vmem>>
      %gather3A_517 = tpu.vector_load_idx %gather3A_516[%gather3A_287] : memref<2000xf32, #tpu.memory_space<vmem>>[vector<16xi32>], vector<16xf32>,
      %mul3A_518 = arith.mulf %gather3A_288, %gather3A_507 : vector<16xf32>
      %sub3A_519 = arith.subf %add3A_302, %mul3A_518 : vector<16xf32>
      %mul3A_520 = arith.mulf %gather3A_292, %gather3A_512 : vector<16xf32>
      %sub3A_521 = arith.subf %add3A_308, %mul3A_520 : vector<16xf32>
      %mul3A_522 = arith.mulf %sub3A_519, %sub3A_521 : vector<16xf32>
      %mul3A_523 = arith.mulf %gather3A_296, %gather3A_517 : vector<16xf32>
      %sub3A_524 = arith.subf %add3A_314, %mul3A_523 : vector<16xf32>
      %mul3A_525 = arith.mulf %mul3A_522, %sub3A_524 : vector<16xf32>
      %sub3A_526 = arith.constant 1.000000e+00 : f32
      %sub3A_527 = vector.broadcast %sub3A_526 : f32 to vector<16xf32>
      %sub3A_528 = arith.subf %sub3A_527, %mul3A_525 : vector<16xf32>
      %mul3A_529 = arith.mulf %scan3A_266, %sub3A_528 : vector<16xf32>
      %gather3A_530 = arith.constant 8 : i32
      %gather3A_531 = arith.constant 0 : i32
      %gather3A_532 = tpu.memref_slice %arg8[%gather3A_530, %gather3A_531] : memref<32x2000xf32, #tpu.memory_space<vmem>> -> memref<1x2000xf32, #tpu.memory_space<vmem>>
      %gather3A_533 = tpu.memref_squeeze %gather3A_532 : memref<1x2000xf32, #tpu.memory_space<vmem>> -> memref<2000xf32, #tpu.memory_space<vmem>>
      %gather3A_534 = tpu.vector_load_idx %gather3A_533[%gather3A_279] : memref<2000xf32, #tpu.memory_space<vmem>>[vector<16xi32>], vector<16xf32>,
      %gather3A_535 = arith.constant 8 : i32
      %gather3A_536 = arith.constant 0 : i32
      %gather3A_537 = tpu.memref_slice %arg8[%gather3A_535, %gather3A_536] : memref<32x2000xf32, #tpu.memory_space<vmem>> -> memref<1x2000xf32, #tpu.memory_space<vmem>>
      %gather3A_538 = tpu.memref_squeeze %gather3A_537 : memref<1x2000xf32, #tpu.memory_space<vmem>> -> memref<2000xf32, #tpu.memory_space<vmem>>
      %gather3A_539 = tpu.vector_load_idx %gather3A_538[%gather3A_283] : memref<2000xf32, #tpu.memory_space<vmem>>[vector<16xi32>], vector<16xf32>,
      %gather3A_540 = arith.constant 8 : i32
      %gather3A_541 = arith.constant 0 : i32
      %gather3A_542 = tpu.memref_slice %arg8[%gather3A_540, %gather3A_541] : memref<32x2000xf32, #tpu.memory_space<vmem>> -> memref<1x2000xf32, #tpu.memory_space<vmem>>
      %gather3A_543 = tpu.memref_squeeze %gather3A_542 : memref<1x2000xf32, #tpu.memory_space<vmem>> -> memref<2000xf32, #tpu.memory_space<vmem>>
      %gather3A_544 = tpu.vector_load_idx %gather3A_543[%gather3A_287] : memref<2000xf32, #tpu.memory_space<vmem>>[vector<16xi32>], vector<16xf32>,
      %mul3A_545 = arith.mulf %gather3A_288, %gather3A_534 : vector<16xf32>
      %sub3A_546 = arith.subf %add3A_302, %mul3A_545 : vector<16xf32>
      %mul3A_547 = arith.mulf %gather3A_292, %gather3A_539 : vector<16xf32>
      %sub3A_548 = arith.subf %add3A_308, %mul3A_547 : vector<16xf32>
      %mul3A_549 = arith.mulf %sub3A_546, %sub3A_548 : vector<16xf32>
      %mul3A_550 = arith.mulf %gather3A_296, %gather3A_544 : vector<16xf32>
      %sub3A_551 = arith.subf %add3A_314, %mul3A_550 : vector<16xf32>
      %mul3A_552 = arith.mulf %mul3A_549, %sub3A_551 : vector<16xf32>
      %sub3A_553 = arith.constant 1.000000e+00 : f32
      %sub3A_554 = vector.broadcast %sub3A_553 : f32 to vector<16xf32>
      %sub3A_555 = arith.subf %sub3A_554, %mul3A_552 : vector<16xf32>
      %mul3A_556 = arith.mulf %scan3A_267, %sub3A_555 : vector<16xf32>
      %gather3A_557 = arith.constant 9 : i32
      %gather3A_558 = arith.constant 0 : i32
      %gather3A_559 = tpu.memref_slice %arg8[%gather3A_557, %gather3A_558] : memref<32x2000xf32, #tpu.memory_space<vmem>> -> memref<1x2000xf32, #tpu.memory_space<vmem>>
      %gather3A_560 = tpu.memref_squeeze %gather3A_559 : memref<1x2000xf32, #tpu.memory_space<vmem>> -> memref<2000xf32, #tpu.memory_space<vmem>>
      %gather3A_561 = tpu.vector_load_idx %gather3A_560[%gather3A_279] : memref<2000xf32, #tpu.memory_space<vmem>>[vector<16xi32>], vector<16xf32>,
      %gather3A_562 = arith.constant 9 : i32
      %gather3A_563 = arith.constant 0 : i32
      %gather3A_564 = tpu.memref_slice %arg8[%gather3A_562, %gather3A_563] : memref<32x2000xf32, #tpu.memory_space<vmem>> -> memref<1x2000xf32, #tpu.memory_space<vmem>>
      %gather3A_565 = tpu.memref_squeeze %gather3A_564 : memref<1x2000xf32, #tpu.memory_space<vmem>> -> memref<2000xf32, #tpu.memory_space<vmem>>
      %gather3A_566 = tpu.vector_load_idx %gather3A_565[%gather3A_283] : memref<2000xf32, #tpu.memory_space<vmem>>[vector<16xi32>], vector<16xf32>,
      %gather3A_567 = arith.constant 9 : i32
      %gather3A_568 = arith.constant 0 : i32
      %gather3A_569 = tpu.memref_slice %arg8[%gather3A_567, %gather3A_568] : memref<32x2000xf32, #tpu.memory_space<vmem>> -> memref<1x2000xf32, #tpu.memory_space<vmem>>
      %gather3A_570 = tpu.memref_squeeze %gather3A_569 : memref<1x2000xf32, #tpu.memory_space<vmem>> -> memref<2000xf32, #tpu.memory_space<vmem>>
      %gather3A_571 = tpu.vector_load_idx %gather3A_570[%gather3A_287] : memref<2000xf32, #tpu.memory_space<vmem>>[vector<16xi32>], vector<16xf32>,
      %mul3A_572 = arith.mulf %gather3A_288, %gather3A_561 : vector<16xf32>
      %sub3A_573 = arith.subf %add3A_302, %mul3A_572 : vector<16xf32>
      %mul3A_574 = arith.mulf %gather3A_292, %gather3A_566 : vector<16xf32>
      %sub3A_575 = arith.subf %add3A_308, %mul3A_574 : vector<16xf32>
      %mul3A_576 = arith.mulf %sub3A_573, %sub3A_575 : vector<16xf32>
      %mul3A_577 = arith.mulf %gather3A_296, %gather3A_571 : vector<16xf32>
      %sub3A_578 = arith.subf %add3A_314, %mul3A_577 : vector<16xf32>
      %mul3A_579 = arith.mulf %mul3A_576, %sub3A_578 : vector<16xf32>
      %sub3A_580 = arith.constant 1.000000e+00 : f32
      %sub3A_581 = vector.broadcast %sub3A_580 : f32 to vector<16xf32>
      %sub3A_582 = arith.subf %sub3A_581, %mul3A_579 : vector<16xf32>
      %mul3A_583 = arith.mulf %scan3A_268, %sub3A_582 : vector<16xf32>
      %gather3A_584 = arith.constant 10 : i32
      %gather3A_585 = arith.constant 0 : i32
      %gather3A_586 = tpu.memref_slice %arg8[%gather3A_584, %gather3A_585] : memref<32x2000xf32, #tpu.memory_space<vmem>> -> memref<1x2000xf32, #tpu.memory_space<vmem>>
      %gather3A_587 = tpu.memref_squeeze %gather3A_586 : memref<1x2000xf32, #tpu.memory_space<vmem>> -> memref<2000xf32, #tpu.memory_space<vmem>>
      %gather3A_588 = tpu.vector_load_idx %gather3A_587[%gather3A_279] : memref<2000xf32, #tpu.memory_space<vmem>>[vector<16xi32>], vector<16xf32>,
      %gather3A_589 = arith.constant 10 : i32
      %gather3A_590 = arith.constant 0 : i32
      %gather3A_591 = tpu.memref_slice %arg8[%gather3A_589, %gather3A_590] : memref<32x2000xf32, #tpu.memory_space<vmem>> -> memref<1x2000xf32, #tpu.memory_space<vmem>>
      %gather3A_592 = tpu.memref_squeeze %gather3A_591 : memref<1x2000xf32, #tpu.memory_space<vmem>> -> memref<2000xf32, #tpu.memory_space<vmem>>
      %gather3A_593 = tpu.vector_load_idx %gather3A_592[%gather3A_283] : memref<2000xf32, #tpu.memory_space<vmem>>[vector<16xi32>], vector<16xf32>,
      %gather3A_594 = arith.constant 10 : i32
      %gather3A_595 = arith.constant 0 : i32
      %gather3A_596 = tpu.memref_slice %arg8[%gather3A_594, %gather3A_595] : memref<32x2000xf32, #tpu.memory_space<vmem>> -> memref<1x2000xf32, #tpu.memory_space<vmem>>
      %gather3A_597 = tpu.memref_squeeze %gather3A_596 : memref<1x2000xf32, #tpu.memory_space<vmem>> -> memref<2000xf32, #tpu.memory_space<vmem>>
      %gather3A_598 = tpu.vector_load_idx %gather3A_597[%gather3A_287] : memref<2000xf32, #tpu.memory_space<vmem>>[vector<16xi32>], vector<16xf32>,
      %mul3A_599 = arith.mulf %gather3A_288, %gather3A_588 : vector<16xf32>
      %sub3A_600 = arith.subf %add3A_302, %mul3A_599 : vector<16xf32>
      %mul3A_601 = arith.mulf %gather3A_292, %gather3A_593 : vector<16xf32>
      %sub3A_602 = arith.subf %add3A_308, %mul3A_601 : vector<16xf32>
      %mul3A_603 = arith.mulf %sub3A_600, %sub3A_602 : vector<16xf32>
      %mul3A_604 = arith.mulf %gather3A_296, %gather3A_598 : vector<16xf32>
      %sub3A_605 = arith.subf %add3A_314, %mul3A_604 : vector<16xf32>
      %mul3A_606 = arith.mulf %mul3A_603, %sub3A_605 : vector<16xf32>
      %sub3A_607 = arith.constant 1.000000e+00 : f32
      %sub3A_608 = vector.broadcast %sub3A_607 : f32 to vector<16xf32>
      %sub3A_609 = arith.subf %sub3A_608, %mul3A_606 : vector<16xf32>
      %mul3A_610 = arith.mulf %scan3A_269, %sub3A_609 : vector<16xf32>
      %gather3A_611 = arith.constant 11 : i32
      %gather3A_612 = arith.constant 0 : i32
      %gather3A_613 = tpu.memref_slice %arg8[%gather3A_611, %gather3A_612] : memref<32x2000xf32, #tpu.memory_space<vmem>> -> memref<1x2000xf32, #tpu.memory_space<vmem>>
      %gather3A_614 = tpu.memref_squeeze %gather3A_613 : memref<1x2000xf32, #tpu.memory_space<vmem>> -> memref<2000xf32, #tpu.memory_space<vmem>>
      %gather3A_615 = tpu.vector_load_idx %gather3A_614[%gather3A_279] : memref<2000xf32, #tpu.memory_space<vmem>>[vector<16xi32>], vector<16xf32>,
      %gather3A_616 = arith.constant 11 : i32
      %gather3A_617 = arith.constant 0 : i32
      %gather3A_618 = tpu.memref_slice %arg8[%gather3A_616, %gather3A_617] : memref<32x2000xf32, #tpu.memory_space<vmem>> -> memref<1x2000xf32, #tpu.memory_space<vmem>>
      %gather3A_619 = tpu.memref_squeeze %gather3A_618 : memref<1x2000xf32, #tpu.memory_space<vmem>> -> memref<2000xf32, #tpu.memory_space<vmem>>
      %gather3A_620 = tpu.vector_load_idx %gather3A_619[%gather3A_283] : memref<2000xf32, #tpu.memory_space<vmem>>[vector<16xi32>], vector<16xf32>,
      %gather3A_621 = arith.constant 11 : i32
      %gather3A_622 = arith.constant 0 : i32
      %gather3A_623 = tpu.memref_slice %arg8[%gather3A_621, %gather3A_622] : memref<32x2000xf32, #tpu.memory_space<vmem>> -> memref<1x2000xf32, #tpu.memory_space<vmem>>
      %gather3A_624 = tpu.memref_squeeze %gather3A_623 : memref<1x2000xf32, #tpu.memory_space<vmem>> -> memref<2000xf32, #tpu.memory_space<vmem>>
      %gather3A_625 = tpu.vector_load_idx %gather3A_624[%gather3A_287] : memref<2000xf32, #tpu.memory_space<vmem>>[vector<16xi32>], vector<16xf32>,
      %mul3A_626 = arith.mulf %gather3A_288, %gather3A_615 : vector<16xf32>
      %sub3A_627 = arith.subf %add3A_302, %mul3A_626 : vector<16xf32>
      %mul3A_628 = arith.mulf %gather3A_292, %gather3A_620 : vector<16xf32>
      %sub3A_629 = arith.subf %add3A_308, %mul3A_628 : vector<16xf32>
      %mul3A_630 = arith.mulf %sub3A_627, %sub3A_629 : vector<16xf32>
      %mul3A_631 = arith.mulf %gather3A_296, %gather3A_625 : vector<16xf32>
      %sub3A_632 = arith.subf %add3A_314, %mul3A_631 : vector<16xf32>
      %mul3A_633 = arith.mulf %mul3A_630, %sub3A_632 : vector<16xf32>
      %sub3A_634 = arith.constant 1.000000e+00 : f32
      %sub3A_635 = vector.broadcast %sub3A_634 : f32 to vector<16xf32>
      %sub3A_636 = arith.subf %sub3A_635, %mul3A_633 : vector<16xf32>
      %mul3A_637 = arith.mulf %scan3A_270, %sub3A_636 : vector<16xf32>
      %gather3A_638 = arith.constant 12 : i32
      %gather3A_639 = arith.constant 0 : i32
      %gather3A_640 = tpu.memref_slice %arg8[%gather3A_638, %gather3A_639] : memref<32x2000xf32, #tpu.memory_space<vmem>> -> memref<1x2000xf32, #tpu.memory_space<vmem>>
      %gather3A_641 = tpu.memref_squeeze %gather3A_640 : memref<1x2000xf32, #tpu.memory_space<vmem>> -> memref<2000xf32, #tpu.memory_space<vmem>>
      %gather3A_642 = tpu.vector_load_idx %gather3A_641[%gather3A_279] : memref<2000xf32, #tpu.memory_space<vmem>>[vector<16xi32>], vector<16xf32>,
      %gather3A_643 = arith.constant 12 : i32
      %gather3A_644 = arith.constant 0 : i32
      %gather3A_645 = tpu.memref_slice %arg8[%gather3A_643, %gather3A_644] : memref<32x2000xf32, #tpu.memory_space<vmem>> -> memref<1x2000xf32, #tpu.memory_space<vmem>>
      %gather3A_646 = tpu.memref_squeeze %gather3A_645 : memref<1x2000xf32, #tpu.memory_space<vmem>> -> memref<2000xf32, #tpu.memory_space<vmem>>
      %gather3A_647 = tpu.vector_load_idx %gather3A_646[%gather3A_283] : memref<2000xf32, #tpu.memory_space<vmem>>[vector<16xi32>], vector<16xf32>,
      %gather3A_648 = arith.constant 12 : i32
      %gather3A_649 = arith.constant 0 : i32
      %gather3A_650 = tpu.memref_slice %arg8[%gather3A_648, %gather3A_649] : memref<32x2000xf32, #tpu.memory_space<vmem>> -> memref<1x2000xf32, #tpu.memory_space<vmem>>
      %gather3A_651 = tpu.memref_squeeze %gather3A_650 : memref<1x2000xf32, #tpu.memory_space<vmem>> -> memref<2000xf32, #tpu.memory_space<vmem>>
      %gather3A_652 = tpu.vector_load_idx %gather3A_651[%gather3A_287] : memref<2000xf32, #tpu.memory_space<vmem>>[vector<16xi32>], vector<16xf32>,
      %mul3A_653 = arith.mulf %gather3A_288, %gather3A_642 : vector<16xf32>
      %sub3A_654 = arith.subf %add3A_302, %mul3A_653 : vector<16xf32>
      %mul3A_655 = arith.mulf %gather3A_292, %gather3A_647 : vector<16xf32>
      %sub3A_656 = arith.subf %add3A_308, %mul3A_655 : vector<16xf32>
      %mul3A_657 = arith.mulf %sub3A_654, %sub3A_656 : vector<16xf32>
      %mul3A_658 = arith.mulf %gather3A_296, %gather3A_652 : vector<16xf32>
      %sub3A_659 = arith.subf %add3A_314, %mul3A_658 : vector<16xf32>
      %mul3A_660 = arith.mulf %mul3A_657, %sub3A_659 : vector<16xf32>
      %sub3A_661 = arith.constant 1.000000e+00 : f32
      %sub3A_662 = vector.broadcast %sub3A_661 : f32 to vector<16xf32>
      %sub3A_663 = arith.subf %sub3A_662, %mul3A_660 : vector<16xf32>
      %mul3A_664 = arith.mulf %scan3A_271, %sub3A_663 : vector<16xf32>
      %gather3A_665 = arith.constant 13 : i32
      %gather3A_666 = arith.constant 0 : i32
      %gather3A_667 = tpu.memref_slice %arg8[%gather3A_665, %gather3A_666] : memref<32x2000xf32, #tpu.memory_space<vmem>> -> memref<1x2000xf32, #tpu.memory_space<vmem>>
      %gather3A_668 = tpu.memref_squeeze %gather3A_667 : memref<1x2000xf32, #tpu.memory_space<vmem>> -> memref<2000xf32, #tpu.memory_space<vmem>>
      %gather3A_669 = tpu.vector_load_idx %gather3A_668[%gather3A_279] : memref<2000xf32, #tpu.memory_space<vmem>>[vector<16xi32>], vector<16xf32>,
      %gather3A_670 = arith.constant 13 : i32
      %gather3A_671 = arith.constant 0 : i32
      %gather3A_672 = tpu.memref_slice %arg8[%gather3A_670, %gather3A_671] : memref<32x2000xf32, #tpu.memory_space<vmem>> -> memref<1x2000xf32, #tpu.memory_space<vmem>>
      %gather3A_673 = tpu.memref_squeeze %gather3A_672 : memref<1x2000xf32, #tpu.memory_space<vmem>> -> memref<2000xf32, #tpu.memory_space<vmem>>
      %gather3A_674 = tpu.vector_load_idx %gather3A_673[%gather3A_283] : memref<2000xf32, #tpu.memory_space<vmem>>[vector<16xi32>], vector<16xf32>,
      %gather3A_675 = arith.constant 13 : i32
      %gather3A_676 = arith.constant 0 : i32
      %gather3A_677 = tpu.memref_slice %arg8[%gather3A_675, %gather3A_676] : memref<32x2000xf32, #tpu.memory_space<vmem>> -> memref<1x2000xf32, #tpu.memory_space<vmem>>
      %gather3A_678 = tpu.memref_squeeze %gather3A_677 : memref<1x2000xf32, #tpu.memory_space<vmem>> -> memref<2000xf32, #tpu.memory_space<vmem>>
      %gather3A_679 = tpu.vector_load_idx %gather3A_678[%gather3A_287] : memref<2000xf32, #tpu.memory_space<vmem>>[vector<16xi32>], vector<16xf32>,
      %mul3A_680 = arith.mulf %gather3A_288, %gather3A_669 : vector<16xf32>
      %sub3A_681 = arith.subf %add3A_302, %mul3A_680 : vector<16xf32>
      %mul3A_682 = arith.mulf %gather3A_292, %gather3A_674 : vector<16xf32>
      %sub3A_683 = arith.subf %add3A_308, %mul3A_682 : vector<16xf32>
      %mul3A_684 = arith.mulf %sub3A_681, %sub3A_683 : vector<16xf32>
      %mul3A_685 = arith.mulf %gather3A_296, %gather3A_679 : vector<16xf32>
      %sub3A_686 = arith.subf %add3A_314, %mul3A_685 : vector<16xf32>
      %mul3A_687 = arith.mulf %mul3A_684, %sub3A_686 : vector<16xf32>
      %sub3A_688 = arith.constant 1.000000e+00 : f32
      %sub3A_689 = vector.broadcast %sub3A_688 : f32 to vector<16xf32>
      %sub3A_690 = arith.subf %sub3A_689, %mul3A_687 : vector<16xf32>
      %mul3A_691 = arith.mulf %scan3A_272, %sub3A_690 : vector<16xf32>
      %gather3A_692 = arith.constant 14 : i32
      %gather3A_693 = arith.constant 0 : i32
      %gather3A_694 = tpu.memref_slice %arg8[%gather3A_692, %gather3A_693] : memref<32x2000xf32, #tpu.memory_space<vmem>> -> memref<1x2000xf32, #tpu.memory_space<vmem>>
      %gather3A_695 = tpu.memref_squeeze %gather3A_694 : memref<1x2000xf32, #tpu.memory_space<vmem>> -> memref<2000xf32, #tpu.memory_space<vmem>>
      %gather3A_696 = tpu.vector_load_idx %gather3A_695[%gather3A_279] : memref<2000xf32, #tpu.memory_space<vmem>>[vector<16xi32>], vector<16xf32>,
      %gather3A_697 = arith.constant 14 : i32
      %gather3A_698 = arith.constant 0 : i32
      %gather3A_699 = tpu.memref_slice %arg8[%gather3A_697, %gather3A_698] : memref<32x2000xf32, #tpu.memory_space<vmem>> -> memref<1x2000xf32, #tpu.memory_space<vmem>>
      %gather3A_700 = tpu.memref_squeeze %gather3A_699 : memref<1x2000xf32, #tpu.memory_space<vmem>> -> memref<2000xf32, #tpu.memory_space<vmem>>
      %gather3A_701 = tpu.vector_load_idx %gather3A_700[%gather3A_283] : memref<2000xf32, #tpu.memory_space<vmem>>[vector<16xi32>], vector<16xf32>,
      %gather3A_702 = arith.constant 14 : i32
      %gather3A_703 = arith.constant 0 : i32
      %gather3A_704 = tpu.memref_slice %arg8[%gather3A_702, %gather3A_703] : memref<32x2000xf32, #tpu.memory_space<vmem>> -> memref<1x2000xf32, #tpu.memory_space<vmem>>
      %gather3A_705 = tpu.memref_squeeze %gather3A_704 : memref<1x2000xf32, #tpu.memory_space<vmem>> -> memref<2000xf32, #tpu.memory_space<vmem>>
      %gather3A_706 = tpu.vector_load_idx %gather3A_705[%gather3A_287] : memref<2000xf32, #tpu.memory_space<vmem>>[vector<16xi32>], vector<16xf32>,
      %mul3A_707 = arith.mulf %gather3A_288, %gather3A_696 : vector<16xf32>
      %sub3A_708 = arith.subf %add3A_302, %mul3A_707 : vector<16xf32>
      %mul3A_709 = arith.mulf %gather3A_292, %gather3A_701 : vector<16xf32>
      %sub3A_710 = arith.subf %add3A_308, %mul3A_709 : vector<16xf32>
      %mul3A_711 = arith.mulf %sub3A_708, %sub3A_710 : vector<16xf32>
      %mul3A_712 = arith.mulf %gather3A_296, %gather3A_706 : vector<16xf32>
      %sub3A_713 = arith.subf %add3A_314, %mul3A_712 : vector<16xf32>
      %mul3A_714 = arith.mulf %mul3A_711, %sub3A_713 : vector<16xf32>
      %sub3A_715 = arith.constant 1.000000e+00 : f32
      %sub3A_716 = vector.broadcast %sub3A_715 : f32 to vector<16xf32>
      %sub3A_717 = arith.subf %sub3A_716, %mul3A_714 : vector<16xf32>
      %mul3A_718 = arith.mulf %scan3A_273, %sub3A_717 : vector<16xf32>
      %gather3A_719 = arith.constant 15 : i32
      %gather3A_720 = arith.constant 0 : i32
      %gather3A_721 = tpu.memref_slice %arg8[%gather3A_719, %gather3A_720] : memref<32x2000xf32, #tpu.memory_space<vmem>> -> memref<1x2000xf32, #tpu.memory_space<vmem>>
      %gather3A_722 = tpu.memref_squeeze %gather3A_721 : memref<1x2000xf32, #tpu.memory_space<vmem>> -> memref<2000xf32, #tpu.memory_space<vmem>>
      %gather3A_723 = tpu.vector_load_idx %gather3A_722[%gather3A_279] : memref<2000xf32, #tpu.memory_space<vmem>>[vector<16xi32>], vector<16xf32>,
      %gather3A_724 = arith.constant 15 : i32
      %gather3A_725 = arith.constant 0 : i32
      %gather3A_726 = tpu.memref_slice %arg8[%gather3A_724, %gather3A_725] : memref<32x2000xf32, #tpu.memory_space<vmem>> -> memref<1x2000xf32, #tpu.memory_space<vmem>>
      %gather3A_727 = tpu.memref_squeeze %gather3A_726 : memref<1x2000xf32, #tpu.memory_space<vmem>> -> memref<2000xf32, #tpu.memory_space<vmem>>
      %gather3A_728 = tpu.vector_load_idx %gather3A_727[%gather3A_283] : memref<2000xf32, #tpu.memory_space<vmem>>[vector<16xi32>], vector<16xf32>,
      %gather3A_729 = arith.constant 15 : i32
      %gather3A_730 = arith.constant 0 : i32
      %gather3A_731 = tpu.memref_slice %arg8[%gather3A_729, %gather3A_730] : memref<32x2000xf32, #tpu.memory_space<vmem>> -> memref<1x2000xf32, #tpu.memory_space<vmem>>
      %gather3A_732 = tpu.memref_squeeze %gather3A_731 : memref<1x2000xf32, #tpu.memory_space<vmem>> -> memref<2000xf32, #tpu.memory_space<vmem>>
      %gather3A_733 = tpu.vector_load_idx %gather3A_732[%gather3A_287] : memref<2000xf32, #tpu.memory_space<vmem>>[vector<16xi32>], vector<16xf32>,
      %mul3A_734 = arith.mulf %gather3A_288, %gather3A_723 : vector<16xf32>
      %sub3A_735 = arith.subf %add3A_302, %mul3A_734 : vector<16xf32>
      %mul3A_736 = arith.mulf %gather3A_292, %gather3A_728 : vector<16xf32>
      %sub3A_737 = arith.subf %add3A_308, %mul3A_736 : vector<16xf32>
      %mul3A_738 = arith.mulf %sub3A_735, %sub3A_737 : vector<16xf32>
      %mul3A_739 = arith.mulf %gather3A_296, %gather3A_733 : vector<16xf32>
      %sub3A_740 = arith.subf %add3A_314, %mul3A_739 : vector<16xf32>
      %mul3A_741 = arith.mulf %mul3A_738, %sub3A_740 : vector<16xf32>
      %sub3A_742 = arith.constant 1.000000e+00 : f32
      %sub3A_743 = vector.broadcast %sub3A_742 : f32 to vector<16xf32>
      %sub3A_744 = arith.subf %sub3A_743, %mul3A_741 : vector<16xf32>
      %mul3A_745 = arith.mulf %scan3A_274, %sub3A_744 : vector<16xf32>
      scf.yield %mul3A_340, %mul3A_367, %mul3A_394, %mul3A_421, %mul3A_448, %mul3A_475, %mul3A_502, %mul3A_529, %mul3A_556, %mul3A_583, %mul3A_610, %mul3A_637, %mul3A_664, %mul3A_691, %mul3A_718, %mul3A_745 : vector<16xf32>, vector<16xf32>, vector<16xf32>, vector<16xf32>, vector<16xf32>, vector<16xf32>, vector<16xf32>, vector<16xf32>, vector<16xf32>, vector<16xf32>, vector<16xf32>, vector<16xf32>, vector<16xf32>, vector<16xf32>, vector<16xf32>, vector<16xf32>
    }
    %scan3A_20 = arith.constant 500 : i32
    %swap3A = arith.constant 0 : index
    %swap3A_21 = tpu.vector_load %arg11[%swap3A] {strides = array<i32>} : memref<512xf32, #tpu.memory_space<vmem>>, vector<16xf32>,
    tpu.vector_store %arg11[%swap3A], %scan3A_19#0 {strides = array<i32>} : memref<512xf32, #tpu.memory_space<vmem>>, vector<16xf32>,
    %swap3A_22 = arith.constant 16 : index
    %swap3A_23 = tpu.vector_load %arg11[%swap3A_22] {strides = array<i32>} : memref<512xf32, #tpu.memory_space<vmem>>, vector<16xf32>,
    tpu.vector_store %arg11[%swap3A_22], %scan3A_19#1 {strides = array<i32>} : memref<512xf32, #tpu.memory_space<vmem>>, vector<16xf32>,
    %swap3A_24 = arith.constant 32 : index
    %swap3A_25 = tpu.vector_load %arg11[%swap3A_24] {strides = array<i32>} : memref<512xf32, #tpu.memory_space<vmem>>, vector<16xf32>,
    tpu.vector_store %arg11[%swap3A_24], %scan3A_19#2 {strides = array<i32>} : memref<512xf32, #tpu.memory_space<vmem>>, vector<16xf32>,
    %swap3A_26 = arith.constant 48 : index
    %swap3A_27 = tpu.vector_load %arg11[%swap3A_26] {strides = array<i32>} : memref<512xf32, #tpu.memory_space<vmem>>, vector<16xf32>,
    tpu.vector_store %arg11[%swap3A_26], %scan3A_19#3 {strides = array<i32>} : memref<512xf32, #tpu.memory_space<vmem>>, vector<16xf32>,
    %swap3A_28 = arith.constant 64 : index
    %swap3A_29 = tpu.vector_load %arg11[%swap3A_28] {strides = array<i32>} : memref<512xf32, #tpu.memory_space<vmem>>, vector<16xf32>,
    tpu.vector_store %arg11[%swap3A_28], %scan3A_19#4 {strides = array<i32>} : memref<512xf32, #tpu.memory_space<vmem>>, vector<16xf32>,
    %swap3A_30 = arith.constant 80 : index
    %swap3A_31 = tpu.vector_load %arg11[%swap3A_30] {strides = array<i32>} : memref<512xf32, #tpu.memory_space<vmem>>, vector<16xf32>,
    tpu.vector_store %arg11[%swap3A_30], %scan3A_19#5 {strides = array<i32>} : memref<512xf32, #tpu.memory_space<vmem>>, vector<16xf32>,
    %swap3A_32 = arith.constant 96 : index
    %swap3A_33 = tpu.vector_load %arg11[%swap3A_32] {strides = array<i32>} : memref<512xf32, #tpu.memory_space<vmem>>, vector<16xf32>,
    tpu.vector_store %arg11[%swap3A_32], %scan3A_19#6 {strides = array<i32>} : memref<512xf32, #tpu.memory_space<vmem>>, vector<16xf32>,
    %swap3A_34 = arith.constant 112 : index
    %swap3A_35 = tpu.vector_load %arg11[%swap3A_34] {strides = array<i32>} : memref<512xf32, #tpu.memory_space<vmem>>, vector<16xf32>,
    tpu.vector_store %arg11[%swap3A_34], %scan3A_19#7 {strides = array<i32>} : memref<512xf32, #tpu.memory_space<vmem>>, vector<16xf32>,
    %swap3A_36 = arith.constant 128 : index
    %swap3A_37 = tpu.vector_load %arg11[%swap3A_36] {strides = array<i32>} : memref<512xf32, #tpu.memory_space<vmem>>, vector<16xf32>,
    tpu.vector_store %arg11[%swap3A_36], %scan3A_19#8 {strides = array<i32>} : memref<512xf32, #tpu.memory_space<vmem>>, vector<16xf32>,
    %swap3A_38 = arith.constant 144 : index
    %swap3A_39 = tpu.vector_load %arg11[%swap3A_38] {strides = array<i32>} : memref<512xf32, #tpu.memory_space<vmem>>, vector<16xf32>,
    tpu.vector_store %arg11[%swap3A_38], %scan3A_19#9 {strides = array<i32>} : memref<512xf32, #tpu.memory_space<vmem>>, vector<16xf32>,
    %swap3A_40 = arith.constant 160 : index
    %swap3A_41 = tpu.vector_load %arg11[%swap3A_40] {strides = array<i32>} : memref<512xf32, #tpu.memory_space<vmem>>, vector<16xf32>,
    tpu.vector_store %arg11[%swap3A_40], %scan3A_19#10 {strides = array<i32>} : memref<512xf32, #tpu.memory_space<vmem>>, vector<16xf32>,
    %swap3A_42 = arith.constant 176 : index
    %swap3A_43 = tpu.vector_load %arg11[%swap3A_42] {strides = array<i32>} : memref<512xf32, #tpu.memory_space<vmem>>, vector<16xf32>,
    tpu.vector_store %arg11[%swap3A_42], %scan3A_19#11 {strides = array<i32>} : memref<512xf32, #tpu.memory_space<vmem>>, vector<16xf32>,
    %swap3A_44 = arith.constant 192 : index
    %swap3A_45 = tpu.vector_load %arg11[%swap3A_44] {strides = array<i32>} : memref<512xf32, #tpu.memory_space<vmem>>, vector<16xf32>,
    tpu.vector_store %arg11[%swap3A_44], %scan3A_19#12 {strides = array<i32>} : memref<512xf32, #tpu.memory_space<vmem>>, vector<16xf32>,
    %swap3A_46 = arith.constant 208 : index
    %swap3A_47 = tpu.vector_load %arg11[%swap3A_46] {strides = array<i32>} : memref<512xf32, #tpu.memory_space<vmem>>, vector<16xf32>,
    tpu.vector_store %arg11[%swap3A_46], %scan3A_19#13 {strides = array<i32>} : memref<512xf32, #tpu.memory_space<vmem>>, vector<16xf32>,
    %swap3A_48 = arith.constant 224 : index
    %swap3A_49 = tpu.vector_load %arg11[%swap3A_48] {strides = array<i32>} : memref<512xf32, #tpu.memory_space<vmem>>, vector<16xf32>,
    tpu.vector_store %arg11[%swap3A_48], %scan3A_19#14 {strides = array<i32>} : memref<512xf32, #tpu.memory_space<vmem>>, vector<16xf32>,
    %swap3A_50 = arith.constant 240 : index
    %swap3A_51 = tpu.vector_load %arg11[%swap3A_50] {strides = array<i32>} : memref<512xf32, #tpu.memory_space<vmem>>, vector<16xf32>,
    tpu.vector_store %arg11[%swap3A_50], %scan3A_19#15 {strides = array<i32>} : memref<512xf32, #tpu.memory_space<vmem>>, vector<16xf32>,
    %scan3A_52 = arith.constant 0 : i32
    %scan3A_53 = arith.constant 500 : i32
    %scan3A_54 = arith.addi %scan3A_52, %scan3A_53 : i32
    %scan3A_55 = arith.constant 1 : i32
    %scan3A_56:16 = scf.for %scan3A_258 = %scan3A_52 to %scan3A_54 step %scan3A_55 iter_args(%scan3A_259 = %broadcast_in_dim3A_11, %scan3A_260 = %broadcast_in_dim3A_11, %scan3A_261 = %broadcast_in_dim3A_11, %scan3A_262 = %broadcast_in_dim3A_11, %scan3A_263 = %broadcast_in_dim3A_11, %scan3A_264 = %broadcast_in_dim3A_11, %scan3A_265 = %broadcast_in_dim3A_11, %scan3A_266 = %broadcast_in_dim3A_11, %scan3A_267 = %broadcast_in_dim3A_11, %scan3A_268 = %broadcast_in_dim3A_11, %scan3A_269 = %broadcast_in_dim3A_11, %scan3A_270 = %broadcast_in_dim3A_11, %scan3A_271 = %broadcast_in_dim3A_11, %scan3A_272 = %broadcast_in_dim3A_11, %scan3A_273 = %broadcast_in_dim3A_11, %scan3A_274 = %broadcast_in_dim3A_11) -> (vector<16xf32>, vector<16xf32>, vector<16xf32>, vector<16xf32>, vector<16xf32>, vector<16xf32>, vector<16xf32>, vector<16xf32>, vector<16xf32>, vector<16xf32>, vector<16xf32>, vector<16xf32>, vector<16xf32>, vector<16xf32>, vector<16xf32>, vector<16xf32>)  : i32 {
      %mul3A_275 = arith.constant 48 : i32
      %mul3A_276 = arith.muli %scan3A_258, %mul3A_275 : i32
      %add3A_277 = vector.broadcast %mul3A_276 : i32 to vector<16xi32>
      %add3A_278 = arith.addi %mul3A_14, %add3A_277 : vector<16xi32>
      %gather3A_279 = tpu.vector_load_idx %arg9[%add3A_278] : memref<24000xi32, #tpu.memory_space<vmem>>[vector<16xi32>], vector<16xi32>,
      %add3A_280 = arith.constant 1 : i32
      %add3A_281 = vector.broadcast %add3A_280 : i32 to vector<16xi32>
      %add3A_282 = arith.addi %add3A_278, %add3A_281 : vector<16xi32>
      %gather3A_283 = tpu.vector_load_idx %arg9[%add3A_282] : memref<24000xi32, #tpu.memory_space<vmem>>[vector<16xi32>], vector<16xi32>,
      %add3A_284 = arith.constant 2 : i32
      %add3A_285 = vector.broadcast %add3A_284 : i32 to vector<16xi32>
      %add3A_286 = arith.addi %add3A_278, %add3A_285 : vector<16xi32>
      %gather3A_287 = tpu.vector_load_idx %arg9[%add3A_286] : memref<24000xi32, #tpu.memory_space<vmem>>[vector<16xi32>], vector<16xi32>,
      %gather3A_288 = tpu.vector_load_idx %arg10[%add3A_278] : memref<24000xf32, #tpu.memory_space<vmem>>[vector<16xi32>], vector<16xf32>,
      %add3A_289 = arith.constant 1 : i32
      %add3A_290 = vector.broadcast %add3A_289 : i32 to vector<16xi32>
      %add3A_291 = arith.addi %add3A_278, %add3A_290 : vector<16xi32>
      %gather3A_292 = tpu.vector_load_idx %arg10[%add3A_291] : memref<24000xf32, #tpu.memory_space<vmem>>[vector<16xi32>], vector<16xf32>,
      %add3A_293 = arith.constant 2 : i32
      %add3A_294 = vector.broadcast %add3A_293 : i32 to vector<16xi32>
      %add3A_295 = arith.addi %add3A_278, %add3A_294 : vector<16xi32>
      %gather3A_296 = tpu.vector_load_idx %arg10[%add3A_295] : memref<24000xf32, #tpu.memory_space<vmem>>[vector<16xi32>], vector<16xf32>,
      %mul3A_297 = arith.constant 5.000000e-01 : f32
      %mul3A_298 = vector.broadcast %mul3A_297 : f32 to vector<16xf32>
      %mul3A_299 = arith.mulf %mul3A_298, %gather3A_288 : vector<16xf32>
      %add3A_300 = arith.constant 5.000000e-01 : f32
      %add3A_301 = vector.broadcast %add3A_300 : f32 to vector<16xf32>
      %add3A_302 = arith.addf %add3A_301, %mul3A_299 : vector<16xf32>
      %mul3A_303 = arith.constant 5.000000e-01 : f32
      %mul3A_304 = vector.broadcast %mul3A_303 : f32 to vector<16xf32>
      %mul3A_305 = arith.mulf %mul3A_304, %gather3A_292 : vector<16xf32>
      %add3A_306 = arith.constant 5.000000e-01 : f32
      %add3A_307 = vector.broadcast %add3A_306 : f32 to vector<16xf32>
      %add3A_308 = arith.addf %add3A_307, %mul3A_305 : vector<16xf32>
      %mul3A_309 = arith.constant 5.000000e-01 : f32
      %mul3A_310 = vector.broadcast %mul3A_309 : f32 to vector<16xf32>
      %mul3A_311 = arith.mulf %mul3A_310, %gather3A_296 : vector<16xf32>
      %add3A_312 = arith.constant 5.000000e-01 : f32
      %add3A_313 = vector.broadcast %add3A_312 : f32 to vector<16xf32>
      %add3A_314 = arith.addf %add3A_313, %mul3A_311 : vector<16xf32>
      %gather3A_315 = arith.constant 16 : i32
      %gather3A_316 = arith.constant 0 : i32
      %gather3A_317 = tpu.memref_slice %arg8[%gather3A_315, %gather3A_316] : memref<32x2000xf32, #tpu.memory_space<vmem>> -> memref<1x2000xf32, #tpu.memory_space<vmem>>
      %gather3A_318 = tpu.memref_squeeze %gather3A_317 : memref<1x2000xf32, #tpu.memory_space<vmem>> -> memref<2000xf32, #tpu.memory_space<vmem>>
      %gather3A_319 = tpu.vector_load_idx %gather3A_318[%gather3A_279] : memref<2000xf32, #tpu.memory_space<vmem>>[vector<16xi32>], vector<16xf32>,
      %gather3A_320 = arith.constant 16 : i32
      %gather3A_321 = arith.constant 0 : i32
      %gather3A_322 = tpu.memref_slice %arg8[%gather3A_320, %gather3A_321] : memref<32x2000xf32, #tpu.memory_space<vmem>> -> memref<1x2000xf32, #tpu.memory_space<vmem>>
      %gather3A_323 = tpu.memref_squeeze %gather3A_322 : memref<1x2000xf32, #tpu.memory_space<vmem>> -> memref<2000xf32, #tpu.memory_space<vmem>>
      %gather3A_324 = tpu.vector_load_idx %gather3A_323[%gather3A_283] : memref<2000xf32, #tpu.memory_space<vmem>>[vector<16xi32>], vector<16xf32>,
      %gather3A_325 = arith.constant 16 : i32
      %gather3A_326 = arith.constant 0 : i32
      %gather3A_327 = tpu.memref_slice %arg8[%gather3A_325, %gather3A_326] : memref<32x2000xf32, #tpu.memory_space<vmem>> -> memref<1x2000xf32, #tpu.memory_space<vmem>>
      %gather3A_328 = tpu.memref_squeeze %gather3A_327 : memref<1x2000xf32, #tpu.memory_space<vmem>> -> memref<2000xf32, #tpu.memory_space<vmem>>
      %gather3A_329 = tpu.vector_load_idx %gather3A_328[%gather3A_287] : memref<2000xf32, #tpu.memory_space<vmem>>[vector<16xi32>], vector<16xf32>,
      %mul3A_330 = arith.mulf %gather3A_288, %gather3A_319 : vector<16xf32>
      %sub3A = arith.subf %add3A_302, %mul3A_330 : vector<16xf32>
      %mul3A_331 = arith.mulf %gather3A_292, %gather3A_324 : vector<16xf32>
      %sub3A_332 = arith.subf %add3A_308, %mul3A_331 : vector<16xf32>
      %mul3A_333 = arith.mulf %sub3A, %sub3A_332 : vector<16xf32>
      %mul3A_334 = arith.mulf %gather3A_296, %gather3A_329 : vector<16xf32>
      %sub3A_335 = arith.subf %add3A_314, %mul3A_334 : vector<16xf32>
      %mul3A_336 = arith.mulf %mul3A_333, %sub3A_335 : vector<16xf32>
      %sub3A_337 = arith.constant 1.000000e+00 : f32
      %sub3A_338 = vector.broadcast %sub3A_337 : f32 to vector<16xf32>
      %sub3A_339 = arith.subf %sub3A_338, %mul3A_336 : vector<16xf32>
      %mul3A_340 = arith.mulf %scan3A_259, %sub3A_339 : vector<16xf32>
      %gather3A_341 = arith.constant 17 : i32
      %gather3A_342 = arith.constant 0 : i32
      %gather3A_343 = tpu.memref_slice %arg8[%gather3A_341, %gather3A_342] : memref<32x2000xf32, #tpu.memory_space<vmem>> -> memref<1x2000xf32, #tpu.memory_space<vmem>>
      %gather3A_344 = tpu.memref_squeeze %gather3A_343 : memref<1x2000xf32, #tpu.memory_space<vmem>> -> memref<2000xf32, #tpu.memory_space<vmem>>
      %gather3A_345 = tpu.vector_load_idx %gather3A_344[%gather3A_279] : memref<2000xf32, #tpu.memory_space<vmem>>[vector<16xi32>], vector<16xf32>,
      %gather3A_346 = arith.constant 17 : i32
      %gather3A_347 = arith.constant 0 : i32
      %gather3A_348 = tpu.memref_slice %arg8[%gather3A_346, %gather3A_347] : memref<32x2000xf32, #tpu.memory_space<vmem>> -> memref<1x2000xf32, #tpu.memory_space<vmem>>
      %gather3A_349 = tpu.memref_squeeze %gather3A_348 : memref<1x2000xf32, #tpu.memory_space<vmem>> -> memref<2000xf32, #tpu.memory_space<vmem>>
      %gather3A_350 = tpu.vector_load_idx %gather3A_349[%gather3A_283] : memref<2000xf32, #tpu.memory_space<vmem>>[vector<16xi32>], vector<16xf32>,
      %gather3A_351 = arith.constant 17 : i32
      %gather3A_352 = arith.constant 0 : i32
      %gather3A_353 = tpu.memref_slice %arg8[%gather3A_351, %gather3A_352] : memref<32x2000xf32, #tpu.memory_space<vmem>> -> memref<1x2000xf32, #tpu.memory_space<vmem>>
      %gather3A_354 = tpu.memref_squeeze %gather3A_353 : memref<1x2000xf32, #tpu.memory_space<vmem>> -> memref<2000xf32, #tpu.memory_space<vmem>>
      %gather3A_355 = tpu.vector_load_idx %gather3A_354[%gather3A_287] : memref<2000xf32, #tpu.memory_space<vmem>>[vector<16xi32>], vector<16xf32>,
      %mul3A_356 = arith.mulf %gather3A_288, %gather3A_345 : vector<16xf32>
      %sub3A_357 = arith.subf %add3A_302, %mul3A_356 : vector<16xf32>
      %mul3A_358 = arith.mulf %gather3A_292, %gather3A_350 : vector<16xf32>
      %sub3A_359 = arith.subf %add3A_308, %mul3A_358 : vector<16xf32>
      %mul3A_360 = arith.mulf %sub3A_357, %sub3A_359 : vector<16xf32>
      %mul3A_361 = arith.mulf %gather3A_296, %gather3A_355 : vector<16xf32>
      %sub3A_362 = arith.subf %add3A_314, %mul3A_361 : vector<16xf32>
      %mul3A_363 = arith.mulf %mul3A_360, %sub3A_362 : vector<16xf32>
      %sub3A_364 = arith.constant 1.000000e+00 : f32
      %sub3A_365 = vector.broadcast %sub3A_364 : f32 to vector<16xf32>
      %sub3A_366 = arith.subf %sub3A_365, %mul3A_363 : vector<16xf32>
      %mul3A_367 = arith.mulf %scan3A_260, %sub3A_366 : vector<16xf32>
      %gather3A_368 = arith.constant 18 : i32
      %gather3A_369 = arith.constant 0 : i32
      %gather3A_370 = tpu.memref_slice %arg8[%gather3A_368, %gather3A_369] : memref<32x2000xf32, #tpu.memory_space<vmem>> -> memref<1x2000xf32, #tpu.memory_space<vmem>>
      %gather3A_371 = tpu.memref_squeeze %gather3A_370 : memref<1x2000xf32, #tpu.memory_space<vmem>> -> memref<2000xf32, #tpu.memory_space<vmem>>
      %gather3A_372 = tpu.vector_load_idx %gather3A_371[%gather3A_279] : memref<2000xf32, #tpu.memory_space<vmem>>[vector<16xi32>], vector<16xf32>,
      %gather3A_373 = arith.constant 18 : i32
      %gather3A_374 = arith.constant 0 : i32
      %gather3A_375 = tpu.memref_slice %arg8[%gather3A_373, %gather3A_374] : memref<32x2000xf32, #tpu.memory_space<vmem>> -> memref<1x2000xf32, #tpu.memory_space<vmem>>
      %gather3A_376 = tpu.memref_squeeze %gather3A_375 : memref<1x2000xf32, #tpu.memory_space<vmem>> -> memref<2000xf32, #tpu.memory_space<vmem>>
      %gather3A_377 = tpu.vector_load_idx %gather3A_376[%gather3A_283] : memref<2000xf32, #tpu.memory_space<vmem>>[vector<16xi32>], vector<16xf32>,
      %gather3A_378 = arith.constant 18 : i32
      %gather3A_379 = arith.constant 0 : i32
      %gather3A_380 = tpu.memref_slice %arg8[%gather3A_378, %gather3A_379] : memref<32x2000xf32, #tpu.memory_space<vmem>> -> memref<1x2000xf32, #tpu.memory_space<vmem>>
      %gather3A_381 = tpu.memref_squeeze %gather3A_380 : memref<1x2000xf32, #tpu.memory_space<vmem>> -> memref<2000xf32, #tpu.memory_space<vmem>>
      %gather3A_382 = tpu.vector_load_idx %gather3A_381[%gather3A_287] : memref<2000xf32, #tpu.memory_space<vmem>>[vector<16xi32>], vector<16xf32>,
      %mul3A_383 = arith.mulf %gather3A_288, %gather3A_372 : vector<16xf32>
      %sub3A_384 = arith.subf %add3A_302, %mul3A_383 : vector<16xf32>
      %mul3A_385 = arith.mulf %gather3A_292, %gather3A_377 : vector<16xf32>
      %sub3A_386 = arith.subf %add3A_308, %mul3A_385 : vector<16xf32>
      %mul3A_387 = arith.mulf %sub3A_384, %sub3A_386 : vector<16xf32>
      %mul3A_388 = arith.mulf %gather3A_296, %gather3A_382 : vector<16xf32>
      %sub3A_389 = arith.subf %add3A_314, %mul3A_388 : vector<16xf32>
      %mul3A_390 = arith.mulf %mul3A_387, %sub3A_389 : vector<16xf32>
      %sub3A_391 = arith.constant 1.000000e+00 : f32
      %sub3A_392 = vector.broadcast %sub3A_391 : f32 to vector<16xf32>
      %sub3A_393 = arith.subf %sub3A_392, %mul3A_390 : vector<16xf32>
      %mul3A_394 = arith.mulf %scan3A_261, %sub3A_393 : vector<16xf32>
      %gather3A_395 = arith.constant 19 : i32
      %gather3A_396 = arith.constant 0 : i32
      %gather3A_397 = tpu.memref_slice %arg8[%gather3A_395, %gather3A_396] : memref<32x2000xf32, #tpu.memory_space<vmem>> -> memref<1x2000xf32, #tpu.memory_space<vmem>>
      %gather3A_398 = tpu.memref_squeeze %gather3A_397 : memref<1x2000xf32, #tpu.memory_space<vmem>> -> memref<2000xf32, #tpu.memory_space<vmem>>
      %gather3A_399 = tpu.vector_load_idx %gather3A_398[%gather3A_279] : memref<2000xf32, #tpu.memory_space<vmem>>[vector<16xi32>], vector<16xf32>,
      %gather3A_400 = arith.constant 19 : i32
      %gather3A_401 = arith.constant 0 : i32
      %gather3A_402 = tpu.memref_slice %arg8[%gather3A_400, %gather3A_401] : memref<32x2000xf32, #tpu.memory_space<vmem>> -> memref<1x2000xf32, #tpu.memory_space<vmem>>
      %gather3A_403 = tpu.memref_squeeze %gather3A_402 : memref<1x2000xf32, #tpu.memory_space<vmem>> -> memref<2000xf32, #tpu.memory_space<vmem>>
      %gather3A_404 = tpu.vector_load_idx %gather3A_403[%gather3A_283] : memref<2000xf32, #tpu.memory_space<vmem>>[vector<16xi32>], vector<16xf32>,
      %gather3A_405 = arith.constant 19 : i32
      %gather3A_406 = arith.constant 0 : i32
      %gather3A_407 = tpu.memref_slice %arg8[%gather3A_405, %gather3A_406] : memref<32x2000xf32, #tpu.memory_space<vmem>> -> memref<1x2000xf32, #tpu.memory_space<vmem>>
      %gather3A_408 = tpu.memref_squeeze %gather3A_407 : memref<1x2000xf32, #tpu.memory_space<vmem>> -> memref<2000xf32, #tpu.memory_space<vmem>>
      %gather3A_409 = tpu.vector_load_idx %gather3A_408[%gather3A_287] : memref<2000xf32, #tpu.memory_space<vmem>>[vector<16xi32>], vector<16xf32>,
      %mul3A_410 = arith.mulf %gather3A_288, %gather3A_399 : vector<16xf32>
      %sub3A_411 = arith.subf %add3A_302, %mul3A_410 : vector<16xf32>
      %mul3A_412 = arith.mulf %gather3A_292, %gather3A_404 : vector<16xf32>
      %sub3A_413 = arith.subf %add3A_308, %mul3A_412 : vector<16xf32>
      %mul3A_414 = arith.mulf %sub3A_411, %sub3A_413 : vector<16xf32>
      %mul3A_415 = arith.mulf %gather3A_296, %gather3A_409 : vector<16xf32>
      %sub3A_416 = arith.subf %add3A_314, %mul3A_415 : vector<16xf32>
      %mul3A_417 = arith.mulf %mul3A_414, %sub3A_416 : vector<16xf32>
      %sub3A_418 = arith.constant 1.000000e+00 : f32
      %sub3A_419 = vector.broadcast %sub3A_418 : f32 to vector<16xf32>
      %sub3A_420 = arith.subf %sub3A_419, %mul3A_417 : vector<16xf32>
      %mul3A_421 = arith.mulf %scan3A_262, %sub3A_420 : vector<16xf32>
      %gather3A_422 = arith.constant 20 : i32
      %gather3A_423 = arith.constant 0 : i32
      %gather3A_424 = tpu.memref_slice %arg8[%gather3A_422, %gather3A_423] : memref<32x2000xf32, #tpu.memory_space<vmem>> -> memref<1x2000xf32, #tpu.memory_space<vmem>>
      %gather3A_425 = tpu.memref_squeeze %gather3A_424 : memref<1x2000xf32, #tpu.memory_space<vmem>> -> memref<2000xf32, #tpu.memory_space<vmem>>
      %gather3A_426 = tpu.vector_load_idx %gather3A_425[%gather3A_279] : memref<2000xf32, #tpu.memory_space<vmem>>[vector<16xi32>], vector<16xf32>,
      %gather3A_427 = arith.constant 20 : i32
      %gather3A_428 = arith.constant 0 : i32
      %gather3A_429 = tpu.memref_slice %arg8[%gather3A_427, %gather3A_428] : memref<32x2000xf32, #tpu.memory_space<vmem>> -> memref<1x2000xf32, #tpu.memory_space<vmem>>
      %gather3A_430 = tpu.memref_squeeze %gather3A_429 : memref<1x2000xf32, #tpu.memory_space<vmem>> -> memref<2000xf32, #tpu.memory_space<vmem>>
      %gather3A_431 = tpu.vector_load_idx %gather3A_430[%gather3A_283] : memref<2000xf32, #tpu.memory_space<vmem>>[vector<16xi32>], vector<16xf32>,
      %gather3A_432 = arith.constant 20 : i32
      %gather3A_433 = arith.constant 0 : i32
      %gather3A_434 = tpu.memref_slice %arg8[%gather3A_432, %gather3A_433] : memref<32x2000xf32, #tpu.memory_space<vmem>> -> memref<1x2000xf32, #tpu.memory_space<vmem>>
      %gather3A_435 = tpu.memref_squeeze %gather3A_434 : memref<1x2000xf32, #tpu.memory_space<vmem>> -> memref<2000xf32, #tpu.memory_space<vmem>>
      %gather3A_436 = tpu.vector_load_idx %gather3A_435[%gather3A_287] : memref<2000xf32, #tpu.memory_space<vmem>>[vector<16xi32>], vector<16xf32>,
      %mul3A_437 = arith.mulf %gather3A_288, %gather3A_426 : vector<16xf32>
      %sub3A_438 = arith.subf %add3A_302, %mul3A_437 : vector<16xf32>
      %mul3A_439 = arith.mulf %gather3A_292, %gather3A_431 : vector<16xf32>
      %sub3A_440 = arith.subf %add3A_308, %mul3A_439 : vector<16xf32>
      %mul3A_441 = arith.mulf %sub3A_438, %sub3A_440 : vector<16xf32>
      %mul3A_442 = arith.mulf %gather3A_296, %gather3A_436 : vector<16xf32>
      %sub3A_443 = arith.subf %add3A_314, %mul3A_442 : vector<16xf32>
      %mul3A_444 = arith.mulf %mul3A_441, %sub3A_443 : vector<16xf32>
      %sub3A_445 = arith.constant 1.000000e+00 : f32
      %sub3A_446 = vector.broadcast %sub3A_445 : f32 to vector<16xf32>
      %sub3A_447 = arith.subf %sub3A_446, %mul3A_444 : vector<16xf32>
      %mul3A_448 = arith.mulf %scan3A_263, %sub3A_447 : vector<16xf32>
      %gather3A_449 = arith.constant 21 : i32
      %gather3A_450 = arith.constant 0 : i32
      %gather3A_451 = tpu.memref_slice %arg8[%gather3A_449, %gather3A_450] : memref<32x2000xf32, #tpu.memory_space<vmem>> -> memref<1x2000xf32, #tpu.memory_space<vmem>>
      %gather3A_452 = tpu.memref_squeeze %gather3A_451 : memref<1x2000xf32, #tpu.memory_space<vmem>> -> memref<2000xf32, #tpu.memory_space<vmem>>
      %gather3A_453 = tpu.vector_load_idx %gather3A_452[%gather3A_279] : memref<2000xf32, #tpu.memory_space<vmem>>[vector<16xi32>], vector<16xf32>,
      %gather3A_454 = arith.constant 21 : i32
      %gather3A_455 = arith.constant 0 : i32
      %gather3A_456 = tpu.memref_slice %arg8[%gather3A_454, %gather3A_455] : memref<32x2000xf32, #tpu.memory_space<vmem>> -> memref<1x2000xf32, #tpu.memory_space<vmem>>
      %gather3A_457 = tpu.memref_squeeze %gather3A_456 : memref<1x2000xf32, #tpu.memory_space<vmem>> -> memref<2000xf32, #tpu.memory_space<vmem>>
      %gather3A_458 = tpu.vector_load_idx %gather3A_457[%gather3A_283] : memref<2000xf32, #tpu.memory_space<vmem>>[vector<16xi32>], vector<16xf32>,
      %gather3A_459 = arith.constant 21 : i32
      %gather3A_460 = arith.constant 0 : i32
      %gather3A_461 = tpu.memref_slice %arg8[%gather3A_459, %gather3A_460] : memref<32x2000xf32, #tpu.memory_space<vmem>> -> memref<1x2000xf32, #tpu.memory_space<vmem>>
      %gather3A_462 = tpu.memref_squeeze %gather3A_461 : memref<1x2000xf32, #tpu.memory_space<vmem>> -> memref<2000xf32, #tpu.memory_space<vmem>>
      %gather3A_463 = tpu.vector_load_idx %gather3A_462[%gather3A_287] : memref<2000xf32, #tpu.memory_space<vmem>>[vector<16xi32>], vector<16xf32>,
      %mul3A_464 = arith.mulf %gather3A_288, %gather3A_453 : vector<16xf32>
      %sub3A_465 = arith.subf %add3A_302, %mul3A_464 : vector<16xf32>
      %mul3A_466 = arith.mulf %gather3A_292, %gather3A_458 : vector<16xf32>
      %sub3A_467 = arith.subf %add3A_308, %mul3A_466 : vector<16xf32>
      %mul3A_468 = arith.mulf %sub3A_465, %sub3A_467 : vector<16xf32>
      %mul3A_469 = arith.mulf %gather3A_296, %gather3A_463 : vector<16xf32>
      %sub3A_470 = arith.subf %add3A_314, %mul3A_469 : vector<16xf32>
      %mul3A_471 = arith.mulf %mul3A_468, %sub3A_470 : vector<16xf32>
      %sub3A_472 = arith.constant 1.000000e+00 : f32
      %sub3A_473 = vector.broadcast %sub3A_472 : f32 to vector<16xf32>
      %sub3A_474 = arith.subf %sub3A_473, %mul3A_471 : vector<16xf32>
      %mul3A_475 = arith.mulf %scan3A_264, %sub3A_474 : vector<16xf32>
      %gather3A_476 = arith.constant 22 : i32
      %gather3A_477 = arith.constant 0 : i32
      %gather3A_478 = tpu.memref_slice %arg8[%gather3A_476, %gather3A_477] : memref<32x2000xf32, #tpu.memory_space<vmem>> -> memref<1x2000xf32, #tpu.memory_space<vmem>>
      %gather3A_479 = tpu.memref_squeeze %gather3A_478 : memref<1x2000xf32, #tpu.memory_space<vmem>> -> memref<2000xf32, #tpu.memory_space<vmem>>
      %gather3A_480 = tpu.vector_load_idx %gather3A_479[%gather3A_279] : memref<2000xf32, #tpu.memory_space<vmem>>[vector<16xi32>], vector<16xf32>,
      %gather3A_481 = arith.constant 22 : i32
      %gather3A_482 = arith.constant 0 : i32
      %gather3A_483 = tpu.memref_slice %arg8[%gather3A_481, %gather3A_482] : memref<32x2000xf32, #tpu.memory_space<vmem>> -> memref<1x2000xf32, #tpu.memory_space<vmem>>
      %gather3A_484 = tpu.memref_squeeze %gather3A_483 : memref<1x2000xf32, #tpu.memory_space<vmem>> -> memref<2000xf32, #tpu.memory_space<vmem>>
      %gather3A_485 = tpu.vector_load_idx %gather3A_484[%gather3A_283] : memref<2000xf32, #tpu.memory_space<vmem>>[vector<16xi32>], vector<16xf32>,
      %gather3A_486 = arith.constant 22 : i32
      %gather3A_487 = arith.constant 0 : i32
      %gather3A_488 = tpu.memref_slice %arg8[%gather3A_486, %gather3A_487] : memref<32x2000xf32, #tpu.memory_space<vmem>> -> memref<1x2000xf32, #tpu.memory_space<vmem>>
      %gather3A_489 = tpu.memref_squeeze %gather3A_488 : memref<1x2000xf32, #tpu.memory_space<vmem>> -> memref<2000xf32, #tpu.memory_space<vmem>>
      %gather3A_490 = tpu.vector_load_idx %gather3A_489[%gather3A_287] : memref<2000xf32, #tpu.memory_space<vmem>>[vector<16xi32>], vector<16xf32>,
      %mul3A_491 = arith.mulf %gather3A_288, %gather3A_480 : vector<16xf32>
      %sub3A_492 = arith.subf %add3A_302, %mul3A_491 : vector<16xf32>
      %mul3A_493 = arith.mulf %gather3A_292, %gather3A_485 : vector<16xf32>
      %sub3A_494 = arith.subf %add3A_308, %mul3A_493 : vector<16xf32>
      %mul3A_495 = arith.mulf %sub3A_492, %sub3A_494 : vector<16xf32>
      %mul3A_496 = arith.mulf %gather3A_296, %gather3A_490 : vector<16xf32>
      %sub3A_497 = arith.subf %add3A_314, %mul3A_496 : vector<16xf32>
      %mul3A_498 = arith.mulf %mul3A_495, %sub3A_497 : vector<16xf32>
      %sub3A_499 = arith.constant 1.000000e+00 : f32
      %sub3A_500 = vector.broadcast %sub3A_499 : f32 to vector<16xf32>
      %sub3A_501 = arith.subf %sub3A_500, %mul3A_498 : vector<16xf32>
      %mul3A_502 = arith.mulf %scan3A_265, %sub3A_501 : vector<16xf32>
      %gather3A_503 = arith.constant 23 : i32
      %gather3A_504 = arith.constant 0 : i32
      %gather3A_505 = tpu.memref_slice %arg8[%gather3A_503, %gather3A_504] : memref<32x2000xf32, #tpu.memory_space<vmem>> -> memref<1x2000xf32, #tpu.memory_space<vmem>>
      %gather3A_506 = tpu.memref_squeeze %gather3A_505 : memref<1x2000xf32, #tpu.memory_space<vmem>> -> memref<2000xf32, #tpu.memory_space<vmem>>
      %gather3A_507 = tpu.vector_load_idx %gather3A_506[%gather3A_279] : memref<2000xf32, #tpu.memory_space<vmem>>[vector<16xi32>], vector<16xf32>,
      %gather3A_508 = arith.constant 23 : i32
      %gather3A_509 = arith.constant 0 : i32
      %gather3A_510 = tpu.memref_slice %arg8[%gather3A_508, %gather3A_509] : memref<32x2000xf32, #tpu.memory_space<vmem>> -> memref<1x2000xf32, #tpu.memory_space<vmem>>
      %gather3A_511 = tpu.memref_squeeze %gather3A_510 : memref<1x2000xf32, #tpu.memory_space<vmem>> -> memref<2000xf32, #tpu.memory_space<vmem>>
      %gather3A_512 = tpu.vector_load_idx %gather3A_511[%gather3A_283] : memref<2000xf32, #tpu.memory_space<vmem>>[vector<16xi32>], vector<16xf32>,
      %gather3A_513 = arith.constant 23 : i32
      %gather3A_514 = arith.constant 0 : i32
      %gather3A_515 = tpu.memref_slice %arg8[%gather3A_513, %gather3A_514] : memref<32x2000xf32, #tpu.memory_space<vmem>> -> memref<1x2000xf32, #tpu.memory_space<vmem>>
      %gather3A_516 = tpu.memref_squeeze %gather3A_515 : memref<1x2000xf32, #tpu.memory_space<vmem>> -> memref<2000xf32, #tpu.memory_space<vmem>>
      %gather3A_517 = tpu.vector_load_idx %gather3A_516[%gather3A_287] : memref<2000xf32, #tpu.memory_space<vmem>>[vector<16xi32>], vector<16xf32>,
      %mul3A_518 = arith.mulf %gather3A_288, %gather3A_507 : vector<16xf32>
      %sub3A_519 = arith.subf %add3A_302, %mul3A_518 : vector<16xf32>
      %mul3A_520 = arith.mulf %gather3A_292, %gather3A_512 : vector<16xf32>
      %sub3A_521 = arith.subf %add3A_308, %mul3A_520 : vector<16xf32>
      %mul3A_522 = arith.mulf %sub3A_519, %sub3A_521 : vector<16xf32>
      %mul3A_523 = arith.mulf %gather3A_296, %gather3A_517 : vector<16xf32>
      %sub3A_524 = arith.subf %add3A_314, %mul3A_523 : vector<16xf32>
      %mul3A_525 = arith.mulf %mul3A_522, %sub3A_524 : vector<16xf32>
      %sub3A_526 = arith.constant 1.000000e+00 : f32
      %sub3A_527 = vector.broadcast %sub3A_526 : f32 to vector<16xf32>
      %sub3A_528 = arith.subf %sub3A_527, %mul3A_525 : vector<16xf32>
      %mul3A_529 = arith.mulf %scan3A_266, %sub3A_528 : vector<16xf32>
      %gather3A_530 = arith.constant 24 : i32
      %gather3A_531 = arith.constant 0 : i32
      %gather3A_532 = tpu.memref_slice %arg8[%gather3A_530, %gather3A_531] : memref<32x2000xf32, #tpu.memory_space<vmem>> -> memref<1x2000xf32, #tpu.memory_space<vmem>>
      %gather3A_533 = tpu.memref_squeeze %gather3A_532 : memref<1x2000xf32, #tpu.memory_space<vmem>> -> memref<2000xf32, #tpu.memory_space<vmem>>
      %gather3A_534 = tpu.vector_load_idx %gather3A_533[%gather3A_279] : memref<2000xf32, #tpu.memory_space<vmem>>[vector<16xi32>], vector<16xf32>,
      %gather3A_535 = arith.constant 24 : i32
      %gather3A_536 = arith.constant 0 : i32
      %gather3A_537 = tpu.memref_slice %arg8[%gather3A_535, %gather3A_536] : memref<32x2000xf32, #tpu.memory_space<vmem>> -> memref<1x2000xf32, #tpu.memory_space<vmem>>
      %gather3A_538 = tpu.memref_squeeze %gather3A_537 : memref<1x2000xf32, #tpu.memory_space<vmem>> -> memref<2000xf32, #tpu.memory_space<vmem>>
      %gather3A_539 = tpu.vector_load_idx %gather3A_538[%gather3A_283] : memref<2000xf32, #tpu.memory_space<vmem>>[vector<16xi32>], vector<16xf32>,
      %gather3A_540 = arith.constant 24 : i32
      %gather3A_541 = arith.constant 0 : i32
      %gather3A_542 = tpu.memref_slice %arg8[%gather3A_540, %gather3A_541] : memref<32x2000xf32, #tpu.memory_space<vmem>> -> memref<1x2000xf32, #tpu.memory_space<vmem>>
      %gather3A_543 = tpu.memref_squeeze %gather3A_542 : memref<1x2000xf32, #tpu.memory_space<vmem>> -> memref<2000xf32, #tpu.memory_space<vmem>>
      %gather3A_544 = tpu.vector_load_idx %gather3A_543[%gather3A_287] : memref<2000xf32, #tpu.memory_space<vmem>>[vector<16xi32>], vector<16xf32>,
      %mul3A_545 = arith.mulf %gather3A_288, %gather3A_534 : vector<16xf32>
      %sub3A_546 = arith.subf %add3A_302, %mul3A_545 : vector<16xf32>
      %mul3A_547 = arith.mulf %gather3A_292, %gather3A_539 : vector<16xf32>
      %sub3A_548 = arith.subf %add3A_308, %mul3A_547 : vector<16xf32>
      %mul3A_549 = arith.mulf %sub3A_546, %sub3A_548 : vector<16xf32>
      %mul3A_550 = arith.mulf %gather3A_296, %gather3A_544 : vector<16xf32>
      %sub3A_551 = arith.subf %add3A_314, %mul3A_550 : vector<16xf32>
      %mul3A_552 = arith.mulf %mul3A_549, %sub3A_551 : vector<16xf32>
      %sub3A_553 = arith.constant 1.000000e+00 : f32
      %sub3A_554 = vector.broadcast %sub3A_553 : f32 to vector<16xf32>
      %sub3A_555 = arith.subf %sub3A_554, %mul3A_552 : vector<16xf32>
      %mul3A_556 = arith.mulf %scan3A_267, %sub3A_555 : vector<16xf32>
      %gather3A_557 = arith.constant 25 : i32
      %gather3A_558 = arith.constant 0 : i32
      %gather3A_559 = tpu.memref_slice %arg8[%gather3A_557, %gather3A_558] : memref<32x2000xf32, #tpu.memory_space<vmem>> -> memref<1x2000xf32, #tpu.memory_space<vmem>>
      %gather3A_560 = tpu.memref_squeeze %gather3A_559 : memref<1x2000xf32, #tpu.memory_space<vmem>> -> memref<2000xf32, #tpu.memory_space<vmem>>
      %gather3A_561 = tpu.vector_load_idx %gather3A_560[%gather3A_279] : memref<2000xf32, #tpu.memory_space<vmem>>[vector<16xi32>], vector<16xf32>,
      %gather3A_562 = arith.constant 25 : i32
      %gather3A_563 = arith.constant 0 : i32
      %gather3A_564 = tpu.memref_slice %arg8[%gather3A_562, %gather3A_563] : memref<32x2000xf32, #tpu.memory_space<vmem>> -> memref<1x2000xf32, #tpu.memory_space<vmem>>
      %gather3A_565 = tpu.memref_squeeze %gather3A_564 : memref<1x2000xf32, #tpu.memory_space<vmem>> -> memref<2000xf32, #tpu.memory_space<vmem>>
      %gather3A_566 = tpu.vector_load_idx %gather3A_565[%gather3A_283] : memref<2000xf32, #tpu.memory_space<vmem>>[vector<16xi32>], vector<16xf32>,
      %gather3A_567 = arith.constant 25 : i32
      %gather3A_568 = arith.constant 0 : i32
      %gather3A_569 = tpu.memref_slice %arg8[%gather3A_567, %gather3A_568] : memref<32x2000xf32, #tpu.memory_space<vmem>> -> memref<1x2000xf32, #tpu.memory_space<vmem>>
      %gather3A_570 = tpu.memref_squeeze %gather3A_569 : memref<1x2000xf32, #tpu.memory_space<vmem>> -> memref<2000xf32, #tpu.memory_space<vmem>>
      %gather3A_571 = tpu.vector_load_idx %gather3A_570[%gather3A_287] : memref<2000xf32, #tpu.memory_space<vmem>>[vector<16xi32>], vector<16xf32>,
      %mul3A_572 = arith.mulf %gather3A_288, %gather3A_561 : vector<16xf32>
      %sub3A_573 = arith.subf %add3A_302, %mul3A_572 : vector<16xf32>
      %mul3A_574 = arith.mulf %gather3A_292, %gather3A_566 : vector<16xf32>
      %sub3A_575 = arith.subf %add3A_308, %mul3A_574 : vector<16xf32>
      %mul3A_576 = arith.mulf %sub3A_573, %sub3A_575 : vector<16xf32>
      %mul3A_577 = arith.mulf %gather3A_296, %gather3A_571 : vector<16xf32>
      %sub3A_578 = arith.subf %add3A_314, %mul3A_577 : vector<16xf32>
      %mul3A_579 = arith.mulf %mul3A_576, %sub3A_578 : vector<16xf32>
      %sub3A_580 = arith.constant 1.000000e+00 : f32
      %sub3A_581 = vector.broadcast %sub3A_580 : f32 to vector<16xf32>
      %sub3A_582 = arith.subf %sub3A_581, %mul3A_579 : vector<16xf32>
      %mul3A_583 = arith.mulf %scan3A_268, %sub3A_582 : vector<16xf32>
      %gather3A_584 = arith.constant 26 : i32
      %gather3A_585 = arith.constant 0 : i32
      %gather3A_586 = tpu.memref_slice %arg8[%gather3A_584, %gather3A_585] : memref<32x2000xf32, #tpu.memory_space<vmem>> -> memref<1x2000xf32, #tpu.memory_space<vmem>>
      %gather3A_587 = tpu.memref_squeeze %gather3A_586 : memref<1x2000xf32, #tpu.memory_space<vmem>> -> memref<2000xf32, #tpu.memory_space<vmem>>
      %gather3A_588 = tpu.vector_load_idx %gather3A_587[%gather3A_279] : memref<2000xf32, #tpu.memory_space<vmem>>[vector<16xi32>], vector<16xf32>,
      %gather3A_589 = arith.constant 26 : i32
      %gather3A_590 = arith.constant 0 : i32
      %gather3A_591 = tpu.memref_slice %arg8[%gather3A_589, %gather3A_590] : memref<32x2000xf32, #tpu.memory_space<vmem>> -> memref<1x2000xf32, #tpu.memory_space<vmem>>
      %gather3A_592 = tpu.memref_squeeze %gather3A_591 : memref<1x2000xf32, #tpu.memory_space<vmem>> -> memref<2000xf32, #tpu.memory_space<vmem>>
      %gather3A_593 = tpu.vector_load_idx %gather3A_592[%gather3A_283] : memref<2000xf32, #tpu.memory_space<vmem>>[vector<16xi32>], vector<16xf32>,
      %gather3A_594 = arith.constant 26 : i32
      %gather3A_595 = arith.constant 0 : i32
      %gather3A_596 = tpu.memref_slice %arg8[%gather3A_594, %gather3A_595] : memref<32x2000xf32, #tpu.memory_space<vmem>> -> memref<1x2000xf32, #tpu.memory_space<vmem>>
      %gather3A_597 = tpu.memref_squeeze %gather3A_596 : memref<1x2000xf32, #tpu.memory_space<vmem>> -> memref<2000xf32, #tpu.memory_space<vmem>>
      %gather3A_598 = tpu.vector_load_idx %gather3A_597[%gather3A_287] : memref<2000xf32, #tpu.memory_space<vmem>>[vector<16xi32>], vector<16xf32>,
      %mul3A_599 = arith.mulf %gather3A_288, %gather3A_588 : vector<16xf32>
      %sub3A_600 = arith.subf %add3A_302, %mul3A_599 : vector<16xf32>
      %mul3A_601 = arith.mulf %gather3A_292, %gather3A_593 : vector<16xf32>
      %sub3A_602 = arith.subf %add3A_308, %mul3A_601 : vector<16xf32>
      %mul3A_603 = arith.mulf %sub3A_600, %sub3A_602 : vector<16xf32>
      %mul3A_604 = arith.mulf %gather3A_296, %gather3A_598 : vector<16xf32>
      %sub3A_605 = arith.subf %add3A_314, %mul3A_604 : vector<16xf32>
      %mul3A_606 = arith.mulf %mul3A_603, %sub3A_605 : vector<16xf32>
      %sub3A_607 = arith.constant 1.000000e+00 : f32
      %sub3A_608 = vector.broadcast %sub3A_607 : f32 to vector<16xf32>
      %sub3A_609 = arith.subf %sub3A_608, %mul3A_606 : vector<16xf32>
      %mul3A_610 = arith.mulf %scan3A_269, %sub3A_609 : vector<16xf32>
      %gather3A_611 = arith.constant 27 : i32
      %gather3A_612 = arith.constant 0 : i32
      %gather3A_613 = tpu.memref_slice %arg8[%gather3A_611, %gather3A_612] : memref<32x2000xf32, #tpu.memory_space<vmem>> -> memref<1x2000xf32, #tpu.memory_space<vmem>>
      %gather3A_614 = tpu.memref_squeeze %gather3A_613 : memref<1x2000xf32, #tpu.memory_space<vmem>> -> memref<2000xf32, #tpu.memory_space<vmem>>
      %gather3A_615 = tpu.vector_load_idx %gather3A_614[%gather3A_279] : memref<2000xf32, #tpu.memory_space<vmem>>[vector<16xi32>], vector<16xf32>,
      %gather3A_616 = arith.constant 27 : i32
      %gather3A_617 = arith.constant 0 : i32
      %gather3A_618 = tpu.memref_slice %arg8[%gather3A_616, %gather3A_617] : memref<32x2000xf32, #tpu.memory_space<vmem>> -> memref<1x2000xf32, #tpu.memory_space<vmem>>
      %gather3A_619 = tpu.memref_squeeze %gather3A_618 : memref<1x2000xf32, #tpu.memory_space<vmem>> -> memref<2000xf32, #tpu.memory_space<vmem>>
      %gather3A_620 = tpu.vector_load_idx %gather3A_619[%gather3A_283] : memref<2000xf32, #tpu.memory_space<vmem>>[vector<16xi32>], vector<16xf32>,
      %gather3A_621 = arith.constant 27 : i32
      %gather3A_622 = arith.constant 0 : i32
      %gather3A_623 = tpu.memref_slice %arg8[%gather3A_621, %gather3A_622] : memref<32x2000xf32, #tpu.memory_space<vmem>> -> memref<1x2000xf32, #tpu.memory_space<vmem>>
      %gather3A_624 = tpu.memref_squeeze %gather3A_623 : memref<1x2000xf32, #tpu.memory_space<vmem>> -> memref<2000xf32, #tpu.memory_space<vmem>>
      %gather3A_625 = tpu.vector_load_idx %gather3A_624[%gather3A_287] : memref<2000xf32, #tpu.memory_space<vmem>>[vector<16xi32>], vector<16xf32>,
      %mul3A_626 = arith.mulf %gather3A_288, %gather3A_615 : vector<16xf32>
      %sub3A_627 = arith.subf %add3A_302, %mul3A_626 : vector<16xf32>
      %mul3A_628 = arith.mulf %gather3A_292, %gather3A_620 : vector<16xf32>
      %sub3A_629 = arith.subf %add3A_308, %mul3A_628 : vector<16xf32>
      %mul3A_630 = arith.mulf %sub3A_627, %sub3A_629 : vector<16xf32>
      %mul3A_631 = arith.mulf %gather3A_296, %gather3A_625 : vector<16xf32>
      %sub3A_632 = arith.subf %add3A_314, %mul3A_631 : vector<16xf32>
      %mul3A_633 = arith.mulf %mul3A_630, %sub3A_632 : vector<16xf32>
      %sub3A_634 = arith.constant 1.000000e+00 : f32
      %sub3A_635 = vector.broadcast %sub3A_634 : f32 to vector<16xf32>
      %sub3A_636 = arith.subf %sub3A_635, %mul3A_633 : vector<16xf32>
      %mul3A_637 = arith.mulf %scan3A_270, %sub3A_636 : vector<16xf32>
      %gather3A_638 = arith.constant 28 : i32
      %gather3A_639 = arith.constant 0 : i32
      %gather3A_640 = tpu.memref_slice %arg8[%gather3A_638, %gather3A_639] : memref<32x2000xf32, #tpu.memory_space<vmem>> -> memref<1x2000xf32, #tpu.memory_space<vmem>>
      %gather3A_641 = tpu.memref_squeeze %gather3A_640 : memref<1x2000xf32, #tpu.memory_space<vmem>> -> memref<2000xf32, #tpu.memory_space<vmem>>
      %gather3A_642 = tpu.vector_load_idx %gather3A_641[%gather3A_279] : memref<2000xf32, #tpu.memory_space<vmem>>[vector<16xi32>], vector<16xf32>,
      %gather3A_643 = arith.constant 28 : i32
      %gather3A_644 = arith.constant 0 : i32
      %gather3A_645 = tpu.memref_slice %arg8[%gather3A_643, %gather3A_644] : memref<32x2000xf32, #tpu.memory_space<vmem>> -> memref<1x2000xf32, #tpu.memory_space<vmem>>
      %gather3A_646 = tpu.memref_squeeze %gather3A_645 : memref<1x2000xf32, #tpu.memory_space<vmem>> -> memref<2000xf32, #tpu.memory_space<vmem>>
      %gather3A_647 = tpu.vector_load_idx %gather3A_646[%gather3A_283] : memref<2000xf32, #tpu.memory_space<vmem>>[vector<16xi32>], vector<16xf32>,
      %gather3A_648 = arith.constant 28 : i32
      %gather3A_649 = arith.constant 0 : i32
      %gather3A_650 = tpu.memref_slice %arg8[%gather3A_648, %gather3A_649] : memref<32x2000xf32, #tpu.memory_space<vmem>> -> memref<1x2000xf32, #tpu.memory_space<vmem>>
      %gather3A_651 = tpu.memref_squeeze %gather3A_650 : memref<1x2000xf32, #tpu.memory_space<vmem>> -> memref<2000xf32, #tpu.memory_space<vmem>>
      %gather3A_652 = tpu.vector_load_idx %gather3A_651[%gather3A_287] : memref<2000xf32, #tpu.memory_space<vmem>>[vector<16xi32>], vector<16xf32>,
      %mul3A_653 = arith.mulf %gather3A_288, %gather3A_642 : vector<16xf32>
      %sub3A_654 = arith.subf %add3A_302, %mul3A_653 : vector<16xf32>
      %mul3A_655 = arith.mulf %gather3A_292, %gather3A_647 : vector<16xf32>
      %sub3A_656 = arith.subf %add3A_308, %mul3A_655 : vector<16xf32>
      %mul3A_657 = arith.mulf %sub3A_654, %sub3A_656 : vector<16xf32>
      %mul3A_658 = arith.mulf %gather3A_296, %gather3A_652 : vector<16xf32>
      %sub3A_659 = arith.subf %add3A_314, %mul3A_658 : vector<16xf32>
      %mul3A_660 = arith.mulf %mul3A_657, %sub3A_659 : vector<16xf32>
      %sub3A_661 = arith.constant 1.000000e+00 : f32
      %sub3A_662 = vector.broadcast %sub3A_661 : f32 to vector<16xf32>
      %sub3A_663 = arith.subf %sub3A_662, %mul3A_660 : vector<16xf32>
      %mul3A_664 = arith.mulf %scan3A_271, %sub3A_663 : vector<16xf32>
      %gather3A_665 = arith.constant 29 : i32
      %gather3A_666 = arith.constant 0 : i32
      %gather3A_667 = tpu.memref_slice %arg8[%gather3A_665, %gather3A_666] : memref<32x2000xf32, #tpu.memory_space<vmem>> -> memref<1x2000xf32, #tpu.memory_space<vmem>>
      %gather3A_668 = tpu.memref_squeeze %gather3A_667 : memref<1x2000xf32, #tpu.memory_space<vmem>> -> memref<2000xf32, #tpu.memory_space<vmem>>
      %gather3A_669 = tpu.vector_load_idx %gather3A_668[%gather3A_279] : memref<2000xf32, #tpu.memory_space<vmem>>[vector<16xi32>], vector<16xf32>,
      %gather3A_670 = arith.constant 29 : i32
      %gather3A_671 = arith.constant 0 : i32
      %gather3A_672 = tpu.memref_slice %arg8[%gather3A_670, %gather3A_671] : memref<32x2000xf32, #tpu.memory_space<vmem>> -> memref<1x2000xf32, #tpu.memory_space<vmem>>
      %gather3A_673 = tpu.memref_squeeze %gather3A_672 : memref<1x2000xf32, #tpu.memory_space<vmem>> -> memref<2000xf32, #tpu.memory_space<vmem>>
      %gather3A_674 = tpu.vector_load_idx %gather3A_673[%gather3A_283] : memref<2000xf32, #tpu.memory_space<vmem>>[vector<16xi32>], vector<16xf32>,
      %gather3A_675 = arith.constant 29 : i32
      %gather3A_676 = arith.constant 0 : i32
      %gather3A_677 = tpu.memref_slice %arg8[%gather3A_675, %gather3A_676] : memref<32x2000xf32, #tpu.memory_space<vmem>> -> memref<1x2000xf32, #tpu.memory_space<vmem>>
      %gather3A_678 = tpu.memref_squeeze %gather3A_677 : memref<1x2000xf32, #tpu.memory_space<vmem>> -> memref<2000xf32, #tpu.memory_space<vmem>>
      %gather3A_679 = tpu.vector_load_idx %gather3A_678[%gather3A_287] : memref<2000xf32, #tpu.memory_space<vmem>>[vector<16xi32>], vector<16xf32>,
      %mul3A_680 = arith.mulf %gather3A_288, %gather3A_669 : vector<16xf32>
      %sub3A_681 = arith.subf %add3A_302, %mul3A_680 : vector<16xf32>
      %mul3A_682 = arith.mulf %gather3A_292, %gather3A_674 : vector<16xf32>
      %sub3A_683 = arith.subf %add3A_308, %mul3A_682 : vector<16xf32>
      %mul3A_684 = arith.mulf %sub3A_681, %sub3A_683 : vector<16xf32>
      %mul3A_685 = arith.mulf %gather3A_296, %gather3A_679 : vector<16xf32>
      %sub3A_686 = arith.subf %add3A_314, %mul3A_685 : vector<16xf32>
      %mul3A_687 = arith.mulf %mul3A_684, %sub3A_686 : vector<16xf32>
      %sub3A_688 = arith.constant 1.000000e+00 : f32
      %sub3A_689 = vector.broadcast %sub3A_688 : f32 to vector<16xf32>
      %sub3A_690 = arith.subf %sub3A_689, %mul3A_687 : vector<16xf32>
      %mul3A_691 = arith.mulf %scan3A_272, %sub3A_690 : vector<16xf32>
      %gather3A_692 = arith.constant 30 : i32
      %gather3A_693 = arith.constant 0 : i32
      %gather3A_694 = tpu.memref_slice %arg8[%gather3A_692, %gather3A_693] : memref<32x2000xf32, #tpu.memory_space<vmem>> -> memref<1x2000xf32, #tpu.memory_space<vmem>>
      %gather3A_695 = tpu.memref_squeeze %gather3A_694 : memref<1x2000xf32, #tpu.memory_space<vmem>> -> memref<2000xf32, #tpu.memory_space<vmem>>
      %gather3A_696 = tpu.vector_load_idx %gather3A_695[%gather3A_279] : memref<2000xf32, #tpu.memory_space<vmem>>[vector<16xi32>], vector<16xf32>,
      %gather3A_697 = arith.constant 30 : i32
      %gather3A_698 = arith.constant 0 : i32
      %gather3A_699 = tpu.memref_slice %arg8[%gather3A_697, %gather3A_698] : memref<32x2000xf32, #tpu.memory_space<vmem>> -> memref<1x2000xf32, #tpu.memory_space<vmem>>
      %gather3A_700 = tpu.memref_squeeze %gather3A_699 : memref<1x2000xf32, #tpu.memory_space<vmem>> -> memref<2000xf32, #tpu.memory_space<vmem>>
      %gather3A_701 = tpu.vector_load_idx %gather3A_700[%gather3A_283] : memref<2000xf32, #tpu.memory_space<vmem>>[vector<16xi32>], vector<16xf32>,
      %gather3A_702 = arith.constant 30 : i32
      %gather3A_703 = arith.constant 0 : i32
      %gather3A_704 = tpu.memref_slice %arg8[%gather3A_702, %gather3A_703] : memref<32x2000xf32, #tpu.memory_space<vmem>> -> memref<1x2000xf32, #tpu.memory_space<vmem>>
      %gather3A_705 = tpu.memref_squeeze %gather3A_704 : memref<1x2000xf32, #tpu.memory_space<vmem>> -> memref<2000xf32, #tpu.memory_space<vmem>>
      %gather3A_706 = tpu.vector_load_idx %gather3A_705[%gather3A_287] : memref<2000xf32, #tpu.memory_space<vmem>>[vector<16xi32>], vector<16xf32>,
      %mul3A_707 = arith.mulf %gather3A_288, %gather3A_696 : vector<16xf32>
      %sub3A_708 = arith.subf %add3A_302, %mul3A_707 : vector<16xf32>
      %mul3A_709 = arith.mulf %gather3A_292, %gather3A_701 : vector<16xf32>
      %sub3A_710 = arith.subf %add3A_308, %mul3A_709 : vector<16xf32>
      %mul3A_711 = arith.mulf %sub3A_708, %sub3A_710 : vector<16xf32>
      %mul3A_712 = arith.mulf %gather3A_296, %gather3A_706 : vector<16xf32>
      %sub3A_713 = arith.subf %add3A_314, %mul3A_712 : vector<16xf32>
      %mul3A_714 = arith.mulf %mul3A_711, %sub3A_713 : vector<16xf32>
      %sub3A_715 = arith.constant 1.000000e+00 : f32
      %sub3A_716 = vector.broadcast %sub3A_715 : f32 to vector<16xf32>
      %sub3A_717 = arith.subf %sub3A_716, %mul3A_714 : vector<16xf32>
      %mul3A_718 = arith.mulf %scan3A_273, %sub3A_717 : vector<16xf32>
      %gather3A_719 = arith.constant 31 : i32
      %gather3A_720 = arith.constant 0 : i32
      %gather3A_721 = tpu.memref_slice %arg8[%gather3A_719, %gather3A_720] : memref<32x2000xf32, #tpu.memory_space<vmem>> -> memref<1x2000xf32, #tpu.memory_space<vmem>>
      %gather3A_722 = tpu.memref_squeeze %gather3A_721 : memref<1x2000xf32, #tpu.memory_space<vmem>> -> memref<2000xf32, #tpu.memory_space<vmem>>
      %gather3A_723 = tpu.vector_load_idx %gather3A_722[%gather3A_279] : memref<2000xf32, #tpu.memory_space<vmem>>[vector<16xi32>], vector<16xf32>,
      %gather3A_724 = arith.constant 31 : i32
      %gather3A_725 = arith.constant 0 : i32
      %gather3A_726 = tpu.memref_slice %arg8[%gather3A_724, %gather3A_725] : memref<32x2000xf32, #tpu.memory_space<vmem>> -> memref<1x2000xf32, #tpu.memory_space<vmem>>
      %gather3A_727 = tpu.memref_squeeze %gather3A_726 : memref<1x2000xf32, #tpu.memory_space<vmem>> -> memref<2000xf32, #tpu.memory_space<vmem>>
      %gather3A_728 = tpu.vector_load_idx %gather3A_727[%gather3A_283] : memref<2000xf32, #tpu.memory_space<vmem>>[vector<16xi32>], vector<16xf32>,
      %gather3A_729 = arith.constant 31 : i32
      %gather3A_730 = arith.constant 0 : i32
      %gather3A_731 = tpu.memref_slice %arg8[%gather3A_729, %gather3A_730] : memref<32x2000xf32, #tpu.memory_space<vmem>> -> memref<1x2000xf32, #tpu.memory_space<vmem>>
      %gather3A_732 = tpu.memref_squeeze %gather3A_731 : memref<1x2000xf32, #tpu.memory_space<vmem>> -> memref<2000xf32, #tpu.memory_space<vmem>>
      %gather3A_733 = tpu.vector_load_idx %gather3A_732[%gather3A_287] : memref<2000xf32, #tpu.memory_space<vmem>>[vector<16xi32>], vector<16xf32>,
      %mul3A_734 = arith.mulf %gather3A_288, %gather3A_723 : vector<16xf32>
      %sub3A_735 = arith.subf %add3A_302, %mul3A_734 : vector<16xf32>
      %mul3A_736 = arith.mulf %gather3A_292, %gather3A_728 : vector<16xf32>
      %sub3A_737 = arith.subf %add3A_308, %mul3A_736 : vector<16xf32>
      %mul3A_738 = arith.mulf %sub3A_735, %sub3A_737 : vector<16xf32>
      %mul3A_739 = arith.mulf %gather3A_296, %gather3A_733 : vector<16xf32>
      %sub3A_740 = arith.subf %add3A_314, %mul3A_739 : vector<16xf32>
      %mul3A_741 = arith.mulf %mul3A_738, %sub3A_740 : vector<16xf32>
      %sub3A_742 = arith.constant 1.000000e+00 : f32
      %sub3A_743 = vector.broadcast %sub3A_742 : f32 to vector<16xf32>
      %sub3A_744 = arith.subf %sub3A_743, %mul3A_741 : vector<16xf32>
      %mul3A_745 = arith.mulf %scan3A_274, %sub3A_744 : vector<16xf32>
      scf.yield %mul3A_340, %mul3A_367, %mul3A_394, %mul3A_421, %mul3A_448, %mul3A_475, %mul3A_502, %mul3A_529, %mul3A_556, %mul3A_583, %mul3A_610, %mul3A_637, %mul3A_664, %mul3A_691, %mul3A_718, %mul3A_745 : vector<16xf32>, vector<16xf32>, vector<16xf32>, vector<16xf32>, vector<16xf32>, vector<16xf32>, vector<16xf32>, vector<16xf32>, vector<16xf32>, vector<16xf32>, vector<16xf32>, vector<16xf32>, vector<16xf32>, vector<16xf32>, vector<16xf32>, vector<16xf32>
    }
    %scan3A_57 = arith.constant 500 : i32
    %swap3A_58 = arith.constant 256 : index
    %swap3A_59 = tpu.vector_load %arg11[%swap3A_58] {strides = array<i32>} : memref<512xf32, #tpu.memory_space<vmem>>, vector<16xf32>,
    tpu.vector_store %arg11[%swap3A_58], %scan3A_56#0 {strides = array<i32>} : memref<512xf32, #tpu.memory_space<vmem>>, vector<16xf32>,
    %swap3A_60 = arith.constant 272 : index
    %swap3A_61 = tpu.vector_load %arg11[%swap3A_60] {strides = array<i32>} : memref<512xf32, #tpu.memory_space<vmem>>, vector<16xf32>,
    tpu.vector_store %arg11[%swap3A_60], %scan3A_56#1 {strides = array<i32>} : memref<512xf32, #tpu.memory_space<vmem>>, vector<16xf32>,
    %swap3A_62 = arith.constant 288 : index
    %swap3A_63 = tpu.vector_load %arg11[%swap3A_62] {strides = array<i32>} : memref<512xf32, #tpu.memory_space<vmem>>, vector<16xf32>,
    tpu.vector_store %arg11[%swap3A_62], %scan3A_56#2 {strides = array<i32>} : memref<512xf32, #tpu.memory_space<vmem>>, vector<16xf32>,
    %swap3A_64 = arith.constant 304 : index
    %swap3A_65 = tpu.vector_load %arg11[%swap3A_64] {strides = array<i32>} : memref<512xf32, #tpu.memory_space<vmem>>, vector<16xf32>,
    tpu.vector_store %arg11[%swap3A_64], %scan3A_56#3 {strides = array<i32>} : memref<512xf32, #tpu.memory_space<vmem>>, vector<16xf32>,
    %swap3A_66 = arith.constant 320 : index
    %swap3A_67 = tpu.vector_load %arg11[%swap3A_66] {strides = array<i32>} : memref<512xf32, #tpu.memory_space<vmem>>, vector<16xf32>,
    tpu.vector_store %arg11[%swap3A_66], %scan3A_56#4 {strides = array<i32>} : memref<512xf32, #tpu.memory_space<vmem>>, vector<16xf32>,
    %swap3A_68 = arith.constant 336 : index
    %swap3A_69 = tpu.vector_load %arg11[%swap3A_68] {strides = array<i32>} : memref<512xf32, #tpu.memory_space<vmem>>, vector<16xf32>,
    tpu.vector_store %arg11[%swap3A_68], %scan3A_56#5 {strides = array<i32>} : memref<512xf32, #tpu.memory_space<vmem>>, vector<16xf32>,
    %swap3A_70 = arith.constant 352 : index
    %swap3A_71 = tpu.vector_load %arg11[%swap3A_70] {strides = array<i32>} : memref<512xf32, #tpu.memory_space<vmem>>, vector<16xf32>,
    tpu.vector_store %arg11[%swap3A_70], %scan3A_56#6 {strides = array<i32>} : memref<512xf32, #tpu.memory_space<vmem>>, vector<16xf32>,
    %swap3A_72 = arith.constant 368 : index
    %swap3A_73 = tpu.vector_load %arg11[%swap3A_72] {strides = array<i32>} : memref<512xf32, #tpu.memory_space<vmem>>, vector<16xf32>,
    tpu.vector_store %arg11[%swap3A_72], %scan3A_56#7 {strides = array<i32>} : memref<512xf32, #tpu.memory_space<vmem>>, vector<16xf32>,
    %swap3A_74 = arith.constant 384 : index
    %swap3A_75 = tpu.vector_load %arg11[%swap3A_74] {strides = array<i32>} : memref<512xf32, #tpu.memory_space<vmem>>, vector<16xf32>,
    tpu.vector_store %arg11[%swap3A_74], %scan3A_56#8 {strides = array<i32>} : memref<512xf32, #tpu.memory_space<vmem>>, vector<16xf32>,
    %swap3A_76 = arith.constant 400 : index
    %swap3A_77 = tpu.vector_load %arg11[%swap3A_76] {strides = array<i32>} : memref<512xf32, #tpu.memory_space<vmem>>, vector<16xf32>,
    tpu.vector_store %arg11[%swap3A_76], %scan3A_56#9 {strides = array<i32>} : memref<512xf32, #tpu.memory_space<vmem>>, vector<16xf32>,
    %swap3A_78 = arith.constant 416 : index
    %swap3A_79 = tpu.vector_load %arg11[%swap3A_78] {strides = array<i32>} : memref<512xf32, #tpu.memory_space<vmem>>, vector<16xf32>,
    tpu.vector_store %arg11[%swap3A_78], %scan3A_56#10 {strides = array<i32>} : memref<512xf32, #tpu.memory_space<vmem>>, vector<16xf32>,
    %swap3A_80 = arith.constant 432 : index
    %swap3A_81 = tpu.vector_load %arg11[%swap3A_80] {strides = array<i32>} : memref<512xf32, #tpu.memory_space<vmem>>, vector<16xf32>,
    tpu.vector_store %arg11[%swap3A_80], %scan3A_56#11 {strides = array<i32>} : memref<512xf32, #tpu.memory_space<vmem>>, vector<16xf32>,
    %swap3A_82 = arith.constant 448 : index
    %swap3A_83 = tpu.vector_load %arg11[%swap3A_82] {strides = array<i32>} : memref<512xf32, #tpu.memory_space<vmem>>, vector<16xf32>,
    tpu.vector_store %arg11[%swap3A_82], %scan3A_56#12 {strides = array<i32>} : memref<512xf32, #tpu.memory_space<vmem>>, vector<16xf32>,
    %swap3A_84 = arith.constant 464 : index
    %swap3A_85 = tpu.vector_load %arg11[%swap3A_84] {strides = array<i32>} : memref<512xf32, #tpu.memory_space<vmem>>, vector<16xf32>,
    tpu.vector_store %arg11[%swap3A_84], %scan3A_56#13 {strides = array<i32>} : memref<512xf32, #tpu.memory_space<vmem>>, vector<16xf32>,
    %swap3A_86 = arith.constant 480 : index
    %swap3A_87 = tpu.vector_load %arg11[%swap3A_86] {strides = array<i32>} : memref<512xf32, #tpu.memory_space<vmem>>, vector<16xf32>,
    tpu.vector_store %arg11[%swap3A_86], %scan3A_56#14 {strides = array<i32>} : memref<512xf32, #tpu.memory_space<vmem>>, vector<16xf32>,
    %swap3A_88 = arith.constant 496 : index
    %swap3A_89 = tpu.vector_load %arg11[%swap3A_88] {strides = array<i32>} : memref<512xf32, #tpu.memory_space<vmem>>, vector<16xf32>,
    tpu.vector_store %arg11[%swap3A_88], %scan3A_56#15 {strides = array<i32>} : memref<512xf32, #tpu.memory_space<vmem>>, vector<16xf32>,
    %iota3A_90 = tpu.iota {dimensions = array<i32: 0>} : vector<16xi32>
    %mul3A_91 = arith.constant 16 : i32
    %mul3A_92 = vector.broadcast %mul3A_91 : i32 to vector<16xi32>
    %mul3A_93 = arith.muli %iota3A_90, %mul3A_92 : vector<16xi32>
    %add3A_94 = arith.constant 0 : i32
    %add3A_95 = vector.broadcast %add3A_94 : i32 to vector<16xi32>
    %add3A_96 = arith.addi %mul3A_93, %add3A_95 : vector<16xi32>
    %gather3A = tpu.vector_load_idx %arg11[%add3A_96] : memref<512xf32, #tpu.memory_space<vmem>>[vector<16xi32>], vector<16xf32>,
    %add3A_97 = arith.constant 1 : i32
    %add3A_98 = vector.broadcast %add3A_97 : i32 to vector<16xi32>
    %add3A_99 = arith.addi %add3A_96, %add3A_98 : vector<16xi32>
    %gather3A_100 = tpu.vector_load_idx %arg11[%add3A_99] : memref<512xf32, #tpu.memory_space<vmem>>[vector<16xi32>], vector<16xf32>,
    %mul3A_101 = arith.mulf %gather3A, %gather3A_100 : vector<16xf32>
    %add3A_102 = arith.constant 2 : i32
    %add3A_103 = vector.broadcast %add3A_102 : i32 to vector<16xi32>
    %add3A_104 = arith.addi %add3A_96, %add3A_103 : vector<16xi32>
    %gather3A_105 = tpu.vector_load_idx %arg11[%add3A_104] : memref<512xf32, #tpu.memory_space<vmem>>[vector<16xi32>], vector<16xf32>,
    %mul3A_106 = arith.mulf %mul3A_101, %gather3A_105 : vector<16xf32>
    %add3A_107 = arith.constant 3 : i32
    %add3A_108 = vector.broadcast %add3A_107 : i32 to vector<16xi32>
    %add3A_109 = arith.addi %add3A_96, %add3A_108 : vector<16xi32>
    %gather3A_110 = tpu.vector_load_idx %arg11[%add3A_109] : memref<512xf32, #tpu.memory_space<vmem>>[vector<16xi32>], vector<16xf32>,
    %mul3A_111 = arith.mulf %mul3A_106, %gather3A_110 : vector<16xf32>
    %add3A_112 = arith.constant 4 : i32
    %add3A_113 = vector.broadcast %add3A_112 : i32 to vector<16xi32>
    %add3A_114 = arith.addi %add3A_96, %add3A_113 : vector<16xi32>
    %gather3A_115 = tpu.vector_load_idx %arg11[%add3A_114] : memref<512xf32, #tpu.memory_space<vmem>>[vector<16xi32>], vector<16xf32>,
    %mul3A_116 = arith.mulf %mul3A_111, %gather3A_115 : vector<16xf32>
    %add3A_117 = arith.constant 5 : i32
    %add3A_118 = vector.broadcast %add3A_117 : i32 to vector<16xi32>
    %add3A_119 = arith.addi %add3A_96, %add3A_118 : vector<16xi32>
    %gather3A_120 = tpu.vector_load_idx %arg11[%add3A_119] : memref<512xf32, #tpu.memory_space<vmem>>[vector<16xi32>], vector<16xf32>,
    %mul3A_121 = arith.mulf %mul3A_116, %gather3A_120 : vector<16xf32>
    %add3A_122 = arith.constant 6 : i32
    %add3A_123 = vector.broadcast %add3A_122 : i32 to vector<16xi32>
    %add3A_124 = arith.addi %add3A_96, %add3A_123 : vector<16xi32>
    %gather3A_125 = tpu.vector_load_idx %arg11[%add3A_124] : memref<512xf32, #tpu.memory_space<vmem>>[vector<16xi32>], vector<16xf32>,
    %mul3A_126 = arith.mulf %mul3A_121, %gather3A_125 : vector<16xf32>
    %add3A_127 = arith.constant 7 : i32
    %add3A_128 = vector.broadcast %add3A_127 : i32 to vector<16xi32>
    %add3A_129 = arith.addi %add3A_96, %add3A_128 : vector<16xi32>
    %gather3A_130 = tpu.vector_load_idx %arg11[%add3A_129] : memref<512xf32, #tpu.memory_space<vmem>>[vector<16xi32>], vector<16xf32>,
    %mul3A_131 = arith.mulf %mul3A_126, %gather3A_130 : vector<16xf32>
    %add3A_132 = arith.constant 8 : i32
    %add3A_133 = vector.broadcast %add3A_132 : i32 to vector<16xi32>
    %add3A_134 = arith.addi %add3A_96, %add3A_133 : vector<16xi32>
    %gather3A_135 = tpu.vector_load_idx %arg11[%add3A_134] : memref<512xf32, #tpu.memory_space<vmem>>[vector<16xi32>], vector<16xf32>,
    %mul3A_136 = arith.mulf %mul3A_131, %gather3A_135 : vector<16xf32>
    %add3A_137 = arith.constant 9 : i32
    %add3A_138 = vector.broadcast %add3A_137 : i32 to vector<16xi32>
    %add3A_139 = arith.addi %add3A_96, %add3A_138 : vector<16xi32>
    %gather3A_140 = tpu.vector_load_idx %arg11[%add3A_139] : memref<512xf32, #tpu.memory_space<vmem>>[vector<16xi32>], vector<16xf32>,
    %mul3A_141 = arith.mulf %mul3A_136, %gather3A_140 : vector<16xf32>
    %add3A_142 = arith.constant 10 : i32
    %add3A_143 = vector.broadcast %add3A_142 : i32 to vector<16xi32>
    %add3A_144 = arith.addi %add3A_96, %add3A_143 : vector<16xi32>
    %gather3A_145 = tpu.vector_load_idx %arg11[%add3A_144] : memref<512xf32, #tpu.memory_space<vmem>>[vector<16xi32>], vector<16xf32>,
    %mul3A_146 = arith.mulf %mul3A_141, %gather3A_145 : vector<16xf32>
    %add3A_147 = arith.constant 11 : i32
    %add3A_148 = vector.broadcast %add3A_147 : i32 to vector<16xi32>
    %add3A_149 = arith.addi %add3A_96, %add3A_148 : vector<16xi32>
    %gather3A_150 = tpu.vector_load_idx %arg11[%add3A_149] : memref<512xf32, #tpu.memory_space<vmem>>[vector<16xi32>], vector<16xf32>,
    %mul3A_151 = arith.mulf %mul3A_146, %gather3A_150 : vector<16xf32>
    %add3A_152 = arith.constant 12 : i32
    %add3A_153 = vector.broadcast %add3A_152 : i32 to vector<16xi32>
    %add3A_154 = arith.addi %add3A_96, %add3A_153 : vector<16xi32>
    %gather3A_155 = tpu.vector_load_idx %arg11[%add3A_154] : memref<512xf32, #tpu.memory_space<vmem>>[vector<16xi32>], vector<16xf32>,
    %mul3A_156 = arith.mulf %mul3A_151, %gather3A_155 : vector<16xf32>
    %add3A_157 = arith.constant 13 : i32
    %add3A_158 = vector.broadcast %add3A_157 : i32 to vector<16xi32>
    %add3A_159 = arith.addi %add3A_96, %add3A_158 : vector<16xi32>
    %gather3A_160 = tpu.vector_load_idx %arg11[%add3A_159] : memref<512xf32, #tpu.memory_space<vmem>>[vector<16xi32>], vector<16xf32>,
    %mul3A_161 = arith.mulf %mul3A_156, %gather3A_160 : vector<16xf32>
    %add3A_162 = arith.constant 14 : i32
    %add3A_163 = vector.broadcast %add3A_162 : i32 to vector<16xi32>
    %add3A_164 = arith.addi %add3A_96, %add3A_163 : vector<16xi32>
    %gather3A_165 = tpu.vector_load_idx %arg11[%add3A_164] : memref<512xf32, #tpu.memory_space<vmem>>[vector<16xi32>], vector<16xf32>,
    %mul3A_166 = arith.mulf %mul3A_161, %gather3A_165 : vector<16xf32>
    %add3A_167 = arith.constant 15 : i32
    %add3A_168 = vector.broadcast %add3A_167 : i32 to vector<16xi32>
    %add3A_169 = arith.addi %add3A_96, %add3A_168 : vector<16xi32>
    %gather3A_170 = tpu.vector_load_idx %arg11[%add3A_169] : memref<512xf32, #tpu.memory_space<vmem>>[vector<16xi32>], vector<16xf32>,
    %mul3A_171 = arith.mulf %mul3A_166, %gather3A_170 : vector<16xf32>
    %swap3A_172 = arith.constant 0 : index
    %swap3A_173 = tpu.vector_load %arg12[%swap3A_172] {strides = array<i32>} : memref<32xf32, #tpu.memory_space<vmem>>, vector<16xf32>,
    tpu.vector_store %arg12[%swap3A_172], %mul3A_171 {strides = array<i32>} : memref<32xf32, #tpu.memory_space<vmem>>, vector<16xf32>,
    %mul3A_174 = arith.constant 16 : i32
    %mul3A_175 = vector.broadcast %mul3A_174 : i32 to vector<16xi32>
    %mul3A_176 = arith.muli %iota3A_90, %mul3A_175 : vector<16xi32>
    %add3A_177 = arith.constant 256 : i32
    %add3A_178 = vector.broadcast %add3A_177 : i32 to vector<16xi32>
    %add3A_179 = arith.addi %mul3A_176, %add3A_178 : vector<16xi32>
    %gather3A_180 = tpu.vector_load_idx %arg11[%add3A_179] : memref<512xf32, #tpu.memory_space<vmem>>[vector<16xi32>], vector<16xf32>,
    %add3A_181 = arith.constant 1 : i32
    %add3A_182 = vector.broadcast %add3A_181 : i32 to vector<16xi32>
    %add3A_183 = arith.addi %add3A_179, %add3A_182 : vector<16xi32>
    %gather3A_184 = tpu.vector_load_idx %arg11[%add3A_183] : memref<512xf32, #tpu.memory_space<vmem>>[vector<16xi32>], vector<16xf32>,
    %mul3A_185 = arith.mulf %gather3A_180, %gather3A_184 : vector<16xf32>
    %add3A_186 = arith.constant 2 : i32
    %add3A_187 = vector.broadcast %add3A_186 : i32 to vector<16xi32>
    %add3A_188 = arith.addi %add3A_179, %add3A_187 : vector<16xi32>
    %gather3A_189 = tpu.vector_load_idx %arg11[%add3A_188] : memref<512xf32, #tpu.memory_space<vmem>>[vector<16xi32>], vector<16xf32>,
    %mul3A_190 = arith.mulf %mul3A_185, %gather3A_189 : vector<16xf32>
    %add3A_191 = arith.constant 3 : i32
    %add3A_192 = vector.broadcast %add3A_191 : i32 to vector<16xi32>
    %add3A_193 = arith.addi %add3A_179, %add3A_192 : vector<16xi32>
    %gather3A_194 = tpu.vector_load_idx %arg11[%add3A_193] : memref<512xf32, #tpu.memory_space<vmem>>[vector<16xi32>], vector<16xf32>,
    %mul3A_195 = arith.mulf %mul3A_190, %gather3A_194 : vector<16xf32>
    %add3A_196 = arith.constant 4 : i32
    %add3A_197 = vector.broadcast %add3A_196 : i32 to vector<16xi32>
    %add3A_198 = arith.addi %add3A_179, %add3A_197 : vector<16xi32>
    %gather3A_199 = tpu.vector_load_idx %arg11[%add3A_198] : memref<512xf32, #tpu.memory_space<vmem>>[vector<16xi32>], vector<16xf32>,
    %mul3A_200 = arith.mulf %mul3A_195, %gather3A_199 : vector<16xf32>
    %add3A_201 = arith.constant 5 : i32
    %add3A_202 = vector.broadcast %add3A_201 : i32 to vector<16xi32>
    %add3A_203 = arith.addi %add3A_179, %add3A_202 : vector<16xi32>
    %gather3A_204 = tpu.vector_load_idx %arg11[%add3A_203] : memref<512xf32, #tpu.memory_space<vmem>>[vector<16xi32>], vector<16xf32>,
    %mul3A_205 = arith.mulf %mul3A_200, %gather3A_204 : vector<16xf32>
    %add3A_206 = arith.constant 6 : i32
    %add3A_207 = vector.broadcast %add3A_206 : i32 to vector<16xi32>
    %add3A_208 = arith.addi %add3A_179, %add3A_207 : vector<16xi32>
    %gather3A_209 = tpu.vector_load_idx %arg11[%add3A_208] : memref<512xf32, #tpu.memory_space<vmem>>[vector<16xi32>], vector<16xf32>,
    %mul3A_210 = arith.mulf %mul3A_205, %gather3A_209 : vector<16xf32>
    %add3A_211 = arith.constant 7 : i32
    %add3A_212 = vector.broadcast %add3A_211 : i32 to vector<16xi32>
    %add3A_213 = arith.addi %add3A_179, %add3A_212 : vector<16xi32>
    %gather3A_214 = tpu.vector_load_idx %arg11[%add3A_213] : memref<512xf32, #tpu.memory_space<vmem>>[vector<16xi32>], vector<16xf32>,
    %mul3A_215 = arith.mulf %mul3A_210, %gather3A_214 : vector<16xf32>
    %add3A_216 = arith.constant 8 : i32
    %add3A_217 = vector.broadcast %add3A_216 : i32 to vector<16xi32>
    %add3A_218 = arith.addi %add3A_179, %add3A_217 : vector<16xi32>
    %gather3A_219 = tpu.vector_load_idx %arg11[%add3A_218] : memref<512xf32, #tpu.memory_space<vmem>>[vector<16xi32>], vector<16xf32>,
    %mul3A_220 = arith.mulf %mul3A_215, %gather3A_219 : vector<16xf32>
    %add3A_221 = arith.constant 9 : i32
    %add3A_222 = vector.broadcast %add3A_221 : i32 to vector<16xi32>
    %add3A_223 = arith.addi %add3A_179, %add3A_222 : vector<16xi32>
    %gather3A_224 = tpu.vector_load_idx %arg11[%add3A_223] : memref<512xf32, #tpu.memory_space<vmem>>[vector<16xi32>], vector<16xf32>,
    %mul3A_225 = arith.mulf %mul3A_220, %gather3A_224 : vector<16xf32>
    %add3A_226 = arith.constant 10 : i32
    %add3A_227 = vector.broadcast %add3A_226 : i32 to vector<16xi32>
    %add3A_228 = arith.addi %add3A_179, %add3A_227 : vector<16xi32>
    %gather3A_229 = tpu.vector_load_idx %arg11[%add3A_228] : memref<512xf32, #tpu.memory_space<vmem>>[vector<16xi32>], vector<16xf32>,
    %mul3A_230 = arith.mulf %mul3A_225, %gather3A_229 : vector<16xf32>
    %add3A_231 = arith.constant 11 : i32
    %add3A_232 = vector.broadcast %add3A_231 : i32 to vector<16xi32>
    %add3A_233 = arith.addi %add3A_179, %add3A_232 : vector<16xi32>
    %gather3A_234 = tpu.vector_load_idx %arg11[%add3A_233] : memref<512xf32, #tpu.memory_space<vmem>>[vector<16xi32>], vector<16xf32>,
    %mul3A_235 = arith.mulf %mul3A_230, %gather3A_234 : vector<16xf32>
    %add3A_236 = arith.constant 12 : i32
    %add3A_237 = vector.broadcast %add3A_236 : i32 to vector<16xi32>
    %add3A_238 = arith.addi %add3A_179, %add3A_237 : vector<16xi32>
    %gather3A_239 = tpu.vector_load_idx %arg11[%add3A_238] : memref<512xf32, #tpu.memory_space<vmem>>[vector<16xi32>], vector<16xf32>,
    %mul3A_240 = arith.mulf %mul3A_235, %gather3A_239 : vector<16xf32>
    %add3A_241 = arith.constant 13 : i32
    %add3A_242 = vector.broadcast %add3A_241 : i32 to vector<16xi32>
    %add3A_243 = arith.addi %add3A_179, %add3A_242 : vector<16xi32>
    %gather3A_244 = tpu.vector_load_idx %arg11[%add3A_243] : memref<512xf32, #tpu.memory_space<vmem>>[vector<16xi32>], vector<16xf32>,
    %mul3A_245 = arith.mulf %mul3A_240, %gather3A_244 : vector<16xf32>
    %add3A_246 = arith.constant 14 : i32
    %add3A_247 = vector.broadcast %add3A_246 : i32 to vector<16xi32>
    %add3A_248 = arith.addi %add3A_179, %add3A_247 : vector<16xi32>
    %gather3A_249 = tpu.vector_load_idx %arg11[%add3A_248] : memref<512xf32, #tpu.memory_space<vmem>>[vector<16xi32>], vector<16xf32>,
    %mul3A_250 = arith.mulf %mul3A_245, %gather3A_249 : vector<16xf32>
    %add3A_251 = arith.constant 15 : i32
    %add3A_252 = vector.broadcast %add3A_251 : i32 to vector<16xi32>
    %add3A_253 = arith.addi %add3A_179, %add3A_252 : vector<16xi32>
    %gather3A_254 = tpu.vector_load_idx %arg11[%add3A_253] : memref<512xf32, #tpu.memory_space<vmem>>[vector<16xi32>], vector<16xf32>,
    %mul3A_255 = arith.mulf %mul3A_250, %gather3A_254 : vector<16xf32>
    %swap3A_256 = arith.constant 16 : index
    %swap3A_257 = tpu.vector_load %arg12[%swap3A_256] {strides = array<i32>} : memref<32xf32, #tpu.memory_space<vmem>>, vector<16xf32>,
    tpu.vector_store %arg12[%swap3A_256], %mul3A_255 {strides = array<i32>} : memref<32xf32, #tpu.memory_space<vmem>>, vector<16xf32>,
    "tpu.region"() ({
      %run_scoped3A = tpu.sem_alloc : memref<!tpu.dma_semaphore, #tpu.memory_space<semaphore_mem>>
      %dma_start3A_258 = tpu.memref_slice %arg6[%mul3A_2] : memref<1024xf32, #tpu.memory_space<hbm>> -> memref<32xf32, #tpu.memory_space<hbm>>
      %dma_start3A_259 = tpu.memref_slice %arg6[%mul3A_2] : memref<1024xf32, #tpu.memory_space<hbm>> -> memref<32xf32, #tpu.memory_space<hbm>>
      tpu.enqueue_dma source(%arg12 : memref<32xf32, #tpu.memory_space<vmem>>) target(%dma_start3A_259 : memref<32xf32, #tpu.memory_space<hbm>>) target_semaphore(%run_scoped3A : memref<!tpu.dma_semaphore, #tpu.memory_space<semaphore_mem>>)
      %dma_wait3A_260 = tpu.memref_slice %arg6[%mul3A_2] : memref<1024xf32, #tpu.memory_space<hbm>> -> memref<32xf32, #tpu.memory_space<hbm>>
      %dma_wait3A_261 = tpu.memref_slice %arg6[%mul3A_2] : memref<1024xf32, #tpu.memory_space<hbm>> -> memref<32xf32, #tpu.memory_space<hbm>>
      tpu.wait_dma2 semaphore(%run_scoped3A : memref<!tpu.dma_semaphore, #tpu.memory_space<semaphore_mem>>) src(%arg12 : memref<32xf32, #tpu.memory_space<vmem>>) dst(%dma_wait3A_261 : memref<32xf32, #tpu.memory_space<hbm>>)
      tpu.yield
    }) : () -> ()
    return
  }
}

</mosaic_0001>

<sc_bundles>
// kernel: kernel.3.cloned.1.call-start
scs
__scs_entry_jumppad:
0x0: {  	(pc) =	sbr.rel $0x88, $3  }
0x1: {  	(tag) =	ssettag $0x0;
	lr =	simm.s32 $0x1  }
0x2: {  	[smem:$0x3F9D] =	sst lr;
	_ =	strace $0xD0000000  }
0x3: {  	_ = 	snop  }
0x4: {  	_ = 	snop  }
0x5: {  	_ = 	snop  }
0x6: {  	_ = 	snop  }
0x7: {  	_ = 	snop  }
__scs_overlays_trampoline_lowered:
0x8: {  	[smem:$0x3FAC] =	sst s0  }
0x9: {  	[smem:$0x3FAD] =	sst s1  }
0xa: {  	[smem:$0x3FAE] =	sst s2  }
0xb: {  	[smem:$0x3FAF] =	sst s3  }
0xc: {  	[smem:$0x3FB0] =	sst s4  }
0xd: {  	[smem:$0x3FB1] =	sst s5  }
0xe: {  	[smem:$0x3FB2] =	sst s6  }
0xf: {  	[smem:$0x3FB3] =	sst s7  }
0x10: {  	[smem:$0x3FB4] =	sst s8  }
0x11: {  	[smem:$0x3FB5] =	sst s9;
	s0 =	simm.s32 @!p0 $0x0  }
0x12: {  	s1 =	sld [smem:$0x3F9B];
	s0 =	simm.s32 @p0 $0x1  }
0x13: {  	[smem:$0x3FB6] =	sst s0;
	s0 =	simm.s32 @!p1 $0x0  }
0x14: {  	s2 =	sld [smem:$0x3F9A];
	s0 =	simm.s32 @p1 $0x1  }
0x15: {  	[smem:$0x3FB7] =	sst s0;
	s0 =	simm.s32 @!p2 $0x0  }
0x16: {  	s3 =	sld [smem:$0x3FDB];
	s0 =	simm.s32 @p2 $0x1  }
0x17: {  	s4 =	simm.s32 $0x1BF5;
	[smem:$0x3FB9] =	sst s0  }
0x18: {  	s0 =	sld [smem:$0x3F9C];
	_ =	swait.ge [sflag:s4], $0x0  }
0x19: {  	s7 =	sld [smem:$0x3F9D]  }
0x1a: {  	s8 =	sadd.s32 $0xFFFFE003, lr  }
0x1b: {  	s9 =	sadd.s32 $0xFFFFFEF7, lr;
	s5 =	simm.s32 $0xFFFFFFFF;
	p2 =	slt.u32 s8, $0xFFFFF086  }
0x1c: {  	p1 =	slt.u32 s9, $0xF7A;
	s5 =	simm.s32 @!p2 $0x0  }
0x1d: {  	s5 =	simm.s32 @p1 $0x1;
	p0 =	seq.s32 s7, s2  }
0x1e: {  	s7 =	smul.u32 @!p0 $0xF7A, s2;
	p2 =	seq.s32 @!p0 s5, $0x0  }
0x1f: {  	s9 =	smul.u32 $0xF7A, s1;
	s8 =	simm.s32 @!p0 $0x1BF5;
	p2 =	por !p2, p0  }
0x20: {  	[sflag:s8] =	ssyncset.s32 @!p0 $0xFFFFF086;
	s6 =	sadd.s32 @!p0 s3, s7;
	s7 =	simm.s32 @!p0 $0x108  }
0x21: {  	s3 =	sadd.s32 s3, s9;
	s6 =	sadd.s32 @!p0 $0x88, s6;
	s7 =	simm.s32 @p2 $0x1082  }
0x22: {  	[simem:s7], [sflag:s8] =	dma.local @!p0 [hbm:s6], $0xF7A  }
0x23: {  	s9 =	sor.u32 $0xD0000000, s2;
	s6 =	simm.s32 $0x108;
	_ =	swait.ge @!p0 [sflag:s8], $0x0  }
0x24: {  	s3 =	sadd.s32 $0x88, s3;
	s6 =	simm.s32 @!p1 $0x1082;
	[sflag:s4] =	ssyncset.s32 $0xFFFFF086  }
0x25: {  	[simem:s6], [sflag:s4] =	dma.local [hbm:s3], $0xF7A  }
0x26: {  	[smem:$0x3F9D] =	sst s1;
	(tag) =	ssettag s2;
	_ =	strace s9  }
0x27: {  	s1 =	sld [smem:$0x3FAD]  }
0x28: {  	s2 =	sld [smem:$0x3FAE]  }
0x29: {  	s4 =	sld [smem:$0x3FB0]  }
0x2a: {  	p0 =	seq.s32 s5, $0x0;
	s5 =	sld [smem:$0x3FB1]  }
0x2b: {  	s6 =	sld [smem:$0x3FB2]  }
0x2c: {  	s7 =	sld [smem:$0x3FB3]  }
0x2d: {  	s3 =	simm.s32 $0x108;
	s8 =	sld [smem:$0x3FB4]  }
0x2e: {  	s3 =	simm.s32 @!p0 $0x1082;
	s9 =	sld [smem:$0x3FB5]  }
0x2f: {  	lr =	sadd.s32 s0, s3;
	s0 =	sld [smem:$0x3FAC]  }
0x30: {  	s3 =	sld [smem:$0x3FAF]  }
0x31: {  	[smem:$0x3FB8] =	sst s10  }
0x32: {  	s10 =	sld [smem:$0x3FB6];
	_ =	sdelay $0x3  }
0x33: {  	p0 =	seq.s32 s10, $0x1;
	s10 =	sld [smem:$0x3FB8];
	_ =	sdelay $0x3  }
0x34: {  	[smem:$0x3FB8] =	sst s10  }
0x35: {  	s10 =	sld [smem:$0x3FB7];
	_ =	sdelay $0x3  }
0x36: {  	p1 =	seq.s32 s10, $0x1;
	s10 =	sld [smem:$0x3FB8];
	_ =	sdelay $0x3  }
0x37: {  	[smem:$0x3FB8] =	sst s10  }
0x38: {  	s10 =	sld [smem:$0x3FB9]  }
0x39: {  	_ = 	snop;
	(pc) =	sbr.ind lr, $3  }
0x3a: {  	_ = 	snop  }
0x3b: {  	_ = 	snop  }
0x3c: {  	p2 =	seq.s32 s10, $0x1;
	s10 =	sld [smem:$0x3FB8]  }
0x3d: {  	_ =	shalt  }
0x3e: {  	_ =	shalt  }
0x3f: {  	_ =	shalt  }
0x40: {  	_ =	shalt  }
0x41: {  	_ =	shalt  }
0x42: {  	_ =	shalt  }
0x43: {  	_ =	shalt  }
0x44: {  	_ =	shalt  }
0x45: {  	_ =	shalt  }
0x46: {  	_ =	shalt  }
0x47: {  	_ =	shalt  }
0x48: {  	_ =	shalt  }
0x49: {  	_ =	shalt  }
0x4a: {  	_ =	shalt  }
0x4b: {  	_ =	shalt  }
0x4c: {  	_ =	shalt  }
0x4d: {  	_ =	shalt  }
0x4e: {  	_ =	shalt  }
0x4f: {  	_ =	shalt  }
0x50: {  	_ =	shalt  }
0x51: {  	_ =	shalt  }
0x52: {  	_ =	shalt  }
0x53: {  	_ =	shalt  }
0x54: {  	_ =	shalt  }
0x55: {  	_ =	shalt  }
0x56: {  	_ =	shalt  }
0x57: {  	_ =	shalt  }
0x58: {  	_ =	shalt  }
0x59: {  	_ =	shalt  }
0x5a: {  	_ =	shalt  }
0x5b: {  	_ =	shalt  }
0x5c: {  	_ =	shalt  }
0x5d: {  	_ =	shalt  }
0x5e: {  	_ =	shalt  }
0x5f: {  	_ =	shalt  }
0x60: {  	_ =	shalt  }
0x61: {  	_ =	shalt  }
0x62: {  	_ =	shalt  }
0x63: {  	_ =	shalt  }
0x64: {  	_ =	shalt  }
0x65: {  	_ =	shalt  }
0x66: {  	_ =	shalt  }
0x67: {  	_ =	shalt  }
0x68: {  	_ =	shalt  }
0x69: {  	_ =	shalt  }
0x6a: {  	_ =	shalt  }
0x6b: {  	_ =	shalt  }
0x6c: {  	_ =	shalt  }
0x6d: {  	_ =	shalt  }
0x6e: {  	_ =	shalt  }
0x6f: {  	_ =	shalt  }
0x70: {  	_ =	shalt  }
0x71: {  	_ =	shalt  }
0x72: {  	_ =	shalt  }
0x73: {  	_ =	shalt  }
0x74: {  	_ =	shalt  }
0x75: {  	_ =	shalt  }
0x76: {  	_ =	shalt  }
0x77: {  	_ =	shalt  }
0x78: {  	_ =	shalt  }
0x79: {  	_ =	shalt  }
0x7a: {  	_ =	shalt  }
0x7b: {  	_ =	shalt  }
0x7c: {  	_ =	shalt  }
0x7d: {  	_ =	shalt  }
0x7e: {  	_ =	shalt  }
0x7f: {  	_ =	shalt  }
0x80: {  	_ =	shalt  }
0x81: {  	_ =	shalt  }
0x82: {  	_ =	shalt  }
0x83: {  	_ =	shalt  }
0x84: {  	_ =	shalt  }
0x85: {  	_ =	shalt  }
0x86: {  	_ =	shalt  }
0x87: {  	_ =	shalt  }
.Lfunc_end0:
.L_simem_size_0:
called_computation_lowered:
.L_overlay_start_0:
0x88: {  	s2 =	sld [smem:$0x3FD9]  }
0x89: {  	s3 =	sld [smem:$0x3FFE];
	_ =	sdelay $0x1  }
0x8a: {  	s1 =	srdreg.scid  }
0x8b: {  	s0 =	sand.u32 $0x1, s1  }
0x8c: {  	s17 =	sshll.u32 s0, $0xA;
	s2 =	sadd.s32 s3, s2  }
0x8d: {  	s2 =	sadd.s32 s2, s17  }
0x8e: {  	[smem:$0x3FC4] =	sst s2  }
0x8f: {  	_ = 	snop  }
0x90: {  	s2 =	sld [smem:$0x3FC9]  }
0x91: {  	s18 =	sld [smem:$0x3FD0];
	(tm) =	ssettm $0x1  }
0x92: {  	s4 =	sld [smem:$0x3FFB];
	_ =	sdelay $0x3  }
0x93: {  	_ =	strace s4  }
0x94: {  	s4 =	sld [smem:$0x3FFC];
	_ =	sdelay $0x3  }
0x95: {  	_ =	strace s4  }
0x96: {  	s4 =	sld [smem:$0x3FFD];
	_ =	sdelay $0x3  }
0x97: {  	_ =	strace s4  }
0x98: {  	_ =	strace $0x8FFFFFFF  }
0x99: {  	s19 =	sld [smem:$0x3FDB];
	_ =	sdelay $0x1  }
0x9a: {  	s5 =	simm.s32 $_scs_section_size  }
0x9b: {  	s6 =	simm.s32 $_size__tile_overlayer_lowered;
	s7 =	simm.s32 $_tile_overlayer_lowered  }
0x9c: {  	s22 =	simm.s32 $0x1BFF;
	s21 =	sshll.u32 s7, $0x1;
	s4 =	sadd.s32 s5, s19  }
0x9d: {  	s8 =	simm.s32 $0x0;
	s20 =	sshll.u32 s6, $0x1;
	s6 =	sadd.s32 s21, s4  }
0x9e: {  	[timem:s8], [sflag:s22] =	dma.local [hbm:s6], s20  }
0x9f: {  	_ =	swait.ge [sflag:s22], s20  }
0xa0: {  	s5 =	ssub.s32 $0x0, s20;
	[sflag:s22] =	ssyncset.done $0x0  }
0xa1: {  	[sflag:s22] =	ssyncadd.s32 s5;
	_ =	sdelay $0x1  }
0xa2: {  	s23 =	simm.s32 $0x1B8B  }
0xa3: {  	_ =	swait.ge [sflag:s23], $0x1  }
0xa4: {  	[sflag:s23] =	ssyncset.done $0x0  }
0xa5: {  	s25 =	simm.s32 $0x1B8E;
	s24 =	sld [smem:$0x3FFE];
	[sflag:s23] =	ssyncadd.s32 $0xFFFFFFFF  }
0xa6: {  	s26 =	simm.s32 $execute0_lowered;
	[smem:$0x3FD2] =	sst s25  }
0xa7: {  	s6 =	sshll.u32 s26, $0x1;
	_ =	strace $0x80000046;
	[dreg:$0x1] =	wrdreg $0xFFFFFFFF  }
0xa8: {  	s28 =	simm.s32 $_size_execute0_lowered;
	s4 =	sadd.s32 s4, s6;
	[dreg:$0x0] =	wrdreg $0x0  }
0xa9: {  	s6 =	sshll.u32 s28, $0x1;
	[dreg:$0x2] =	wrdreg s4  }
0xaa: {  	[dreg:$0x3] =	wrdreg s6  }
0xab: {  	[dreg:$0x4] =	wrdreg $0xC0  }
0xac: {  	_ =	task [dreg:s8], $0x5FFFF  }
0xad: {  	[dreg:$0x1] =	wrdreg $0xFFFFFFFF  }
0xae: {  	[dreg:$0x0] =	wrdreg $0x60  }
0xaf: {  	[dreg:$0x2] =	wrdreg s2  }
0xb0: {  	[dreg:$0x3] =	wrdreg s24  }
0xb1: {  	[dreg:$0x4] =	wrdreg s18  }
0xb2: {  	[dreg:$0x5] =	wrdreg $0x9  }
0xb3: {  	_ =	task.clear_ibuf [dreg:s8], $0x6FFFF;
	_ =	strace $0x90000046  }
0xb4: {  	s29 =	simm.s32 $0x9;
	_ =	strace $0x80000048  }
0xb5: {  	_ =	swait.ge [sflag:s29], $0x1  }
0xb6: {  	[sflag:s29] =	ssyncadd.s32 $0xFFFFFFFF  }
0xb7: {  	_ =	strace $0x90000048  }
0xb8: {  	_ =	sfence  }
0xb9: {  	s30 =	sld [smem:$0x0];
	_ =	sdelay $0x2  }
0xba: {  	s31 =	sshll.u32 s1, $0xD;
	s1 =	sshrl.u32 s1, $0x2  }
0xbb: {  	s3 =	sand.u32 $0x4000, s31;
	s1 =	sadd.s32 s1, s30  }
0xbc: {  	s0 =	sor.u32 s3, s0;
	s1 =	sshll.u32 s1, $0x11  }
0xbd: {  	s0 =	sor.u32 s1, s0  }
0xbe: {  	s0 =	sadd.s32 $0x8F2B, s0  }
0xbf: {  	[sflag:s0] =	ssyncadd.remote.s32 $0x1  }
0xc0: {  	_ =	sfence.sel $0xFFFF  }
0xc1: {  	[dreg:$0x0] =	wrdreg $0xFFFFFFFF;
	(pc) =	sbr.abs _section_cstart, $3  }
0xc2: {  	[dreg:$0x1] =	wrdreg $0xFFFFFFFF  }
0xc3: {  	_ =	task.clear_ibuf [dreg:s8], $0x2FFFF;
	_ =	strace $0x9FFFFFFF  }
0xc4: {  	(tm) =	ssettm $0x7FFFFFFF  }
0xc5: {  	_ =	shalt  }
tec
execute0_lowered:
.L_overlay_start_1:
0x0: {  	(tag) =	ssettag $0x1  }
0x1: {  	s0 =	rddreg [dreg:$0x0]  }
0x2: {  	s1 =	rddreg [dreg:$0x1]  }
0x3: {  	s2 =	rddreg [dreg:$0x2];
	s17 =	simm.s32 $0x0;
	s3 =	srdreg.scid  }
0x4: {  	s5 =	stileid.u32;
	s19 =	simm.s32 $0x3;
	s11 =	simm.s32 $0xFA20  }
0x5: {  	s12 =	simm.s32 $0x157E0;
	s7 =	simm.s32 $0xB3D0;
	s8 =	simm.s32 $0xBBA0  }
0x6: {  	s14 =	simm.s32 $0xC370;
	s9 =	simm.s32 $0xD310;
	s13 =	simm.s32 $0xDAE0  }
0x7: {  	s10 =	simm.s32 $0xE2B0;
	s15 =	simm.s32 $0xEA80;
	s16 =	simm.s32 $0xF250  }
0x8: {  	s21 =	simm.s32 $0xFC0;
	s28 =	simm.s32 $0x3EA0;
	s29 =	simm.s32 $0x4670  }
0x9: {  	s30 =	simm.s32 $0x4E40;
	s31 =	simm.s32 $0x5610;
	[smem:$0x7FF] =	sst s17  }
0xa: {  	s4 =	sadd.s32 $0x800, s1;
	s3 =	sand.u32 $0x1, s3;
	s5 =	sshll.u32 s5, $0x3  }
0xb: {  	s6 =	sadd.s32 $0x3FC00, s1;
	_ =	strace $0x80000047;
	[dreg:$0x4] =	wrdreg s4  }
0xc: {  	s1 =	sadd.s32 $0x3F000, s1;
	s22 =	ssub.s32 $0x2, s3;
	[dreg:$0x5] =	wrdreg s6  }
0xd: {  	v1 =	vlaneseq.u32;
	s3 =	sshll.u32 s3, $0x2;
	[dreg:$0x6] =	wrdreg s1;
	s6 =	simm.s32 $0xAC00  }
0xe: {  	v2 =	vimm.s32 $0x52741630;
	v3 =	vimm.s32 $0x63052741;
	v0 =	vmul.u32 $0x3, v1;
	s1 =	simm.s32 $0xCB40;
	s23 =	sshrl.u32 s22, $0x1;
	s3 =	sor.u32 s3, s5  }
0xf: {  	v2 =	vunpack.c.l.s4.s8 v2;
	v4 =	vunpack.c.l.s4.s8 v3;
	v3 =	vimm.s32 $0x74163052;
	s5 =	simm.s32 $0xA430;
	s24 =	ssub.s32 s22, s23;
	s0 =	sadd.s32 s0, s3  }
0x10: {  	v1 =	vmul.u32 $0x10, v1;
	v6 =	vunpack.c.l.s4.s8 v3;
	s25 =	sadd.s32 s2, s3;
	s2 =	simm.s32 $0x0;
	[dreg:$0x7] =	wrdreg s0  }
0x11: {  	v2 =	vunpack.c.0.s8.s32 v2;
	v3 =	vadd.s32 $0x1, v0;
	v4 =	vunpack.c.0.s8.s32 v4;
	s22 =	simm.s32 $0x1790;
	s23 =	simm.s32 $0x1F60;
	[dreg:$0x8] =	wrdreg s25  }
0x12: {  	v5 =	vadd.s32 $0x2, v0;
	v7 =	vor.u32 $0x1, v1;
	v8 =	vor.u32 $0x2, v1;
	s26 =	smax.u32 s24, $0x1;
	s0 =	simm.s32 $0x7550;
	s24 =	simm.s32 $0x2730  }
0x13: {  	v9 =	vor.u32 $0x3, v1;
	v10 =	vor.u32 $0x4, v1;
	v6 =	vunpack.c.0.s8.s32 v6;
	[tilespmem:$0x1FFF0] =	vst v7;
	s25 =	simm.s32 $0x2F00;
	[dreg:$0x9] =	wrdreg s26;
	s26 =	simm.s32 $0x36D0  }
.LBB2_1:
0x14: {  	[dreg:$0xa] =	wrdreg s2  }
0x15: {  	s18 =	rddreg [dreg:$0x7]  }
0x16: {  	[tilespmem:s17], [sflag:$0x3] =	stream.linear.gather [hbm4b:s18+s17], $0x20, $0x38;
	[tilespmem:$0x1B7C0] =	vst v63  }
0x17: {  	_ =	swait.ge [sflag:s19], $0x20  }
0x18: {  	[sflag:s19] =	ssyncset.done $0x0  }
0x19: {  	s2 =	simm.s32 $0x20;
	s20 =	rddreg [dreg:$0x4];
	[sflag:s19] =	ssyncadd.s32 $0xFFFFFFE0  }
0x1a: {  	[tilespmem:s2], [sflag:$0x1] =	stream.indirect.gather [hbm4b:s20+s2], $0x7D0, s17, s2, $0xb8;
	[tilespmem:$0x1B7C0] =	vst v63  }
0x1b: {  	s3 =	rddreg [dreg:$0x5]  }
0x1c: {  	[tilespmem:s11], [sflag:$0x2] =	stream.linear.gather [hbm4b:s3+s17], $0x5DC0, $0x38;
	[tilespmem:$0x1B7C0] =	vst v63  }
0x1d: {  	s4 =	rddreg [dreg:$0x6];
	s19 =	simm.s32 $0x2  }
0x1e: {  	[tilespmem:s12], [sflag:$0x2] =	stream.linear.gather [hbm4b:s4+s17], $0x5DC0, $0x38;
	[tilespmem:$0x1B7C0] =	vst v63  }
0x1f: {  	_ =	swait.ge [sflag:s19], $0x5DC0  }
0x20: {  	[sflag:s19] =	ssyncset.done $0x0  }
0x21: {  	[sflag:s19] =	ssyncadd.s32 $0xFFFFA240  }
0x22: {  	_ =	swait.ge [sflag:s19], $0x5DC0  }
0x23: {  	[sflag:s19] =	ssyncset.done $0x0  }
0x24: {  	s20 =	simm.s32 $0x1;
	[sflag:s19] =	ssyncadd.s32 $0xFFFFA240  }
0x25: {  	_ =	swait.ge [sflag:s20], $0xFA00  }
0x26: {  	[sflag:s20] =	ssyncset.done $0x0  }
0x27: {  	s17 =	simm.s32 $0x0;
	[sflag:s20] =	ssyncadd.s32 $0xFFFF0600  }
0x28: {  	v11 =	vld [tilespmem:s17+$0x20]  }
0x29: {  	v12 =	vld [tilespmem:s17+$0x7F0];
	_ =	sdelay $0x1  }
0x2a: {  	v13 =	vld [tilespmem:s17+$0xFC0]  }
0x2b: {  	v14 =	vld [tilespmem:s17+$0x1790]  }
0x2c: {  	v15 =	vld [tilespmem:s17+$0x1F60];
	v11 =	vsub.f32 $0.0e+00, v11  }
0x2d: {  	v16 =	vld [tilespmem:s17+$0x2730];
	v12 =	vsub.f32 $0.0e+00, v12  }
0x2e: {  	v17 =	vld [tilespmem:s17+$0x2F00];
	v11 =	vmul.f32 $1.442695020e+00, v11  }
0x2f: {  	v18 =	vld [tilespmem:s17+$0x36D0];
	v12 =	vmul.f32 $1.442695020e+00, v12  }
0x30: {  	v13 =	vsub.f32 $0.0e+00, v13;
	v14 =	vsub.f32 $0.0e+00, v14;
	(erf) = vpow2.f32 v11  }
0x31: {  	v15 =	vsub.f32 $0.0e+00, v15;
	(erf) = vpow2.f32 v12  }
0x32: {  	v13 =	vmul.f32 $1.442695020e+00, v13;
	v11 =	vmul.f32 $1.442695020e+00, v14;
	v14 =	vsub.f32 $0.0e+00, v16  }
0x33: {  	v12 =	vmul.f32 $1.442695020e+00, v15;
	v15 =	vsub.f32 $0.0e+00, v17  }
0x34: {  	(erf) = vpow2.f32 v13;
	v13 =	vmul.f32 $1.442695020e+00, v14;
	v14 =	vsub.f32 $0.0e+00, v18  }
0x35: {  	(erf) = vpow2.f32 v11;
	v11 =	vmul.f32 $1.442695020e+00, v15  }
0x36: {  	(erf) = vpow2.f32 v12;
	v12 =	vmul.f32 $1.442695020e+00, v14;
	_ =	sdelay $0x1  }
0x37: {  	(erf) = vpow2.f32 v13  }
0x38: {  	(erf) = vpow2.f32 v11;
	v11 =	vpop (erf)  }
0x39: {  	(erf) = vpow2.f32 v12;
	v11 =	vadd.f32 $1.000000000e+00, v11;
	v12 =	vpop (erf)  }
0x3a: {  	v12 =	vadd.f32 $1.000000000e+00, v12;
	_ =	sdelay $0x1  }
0x3b: {  	v14 =	vpop (erf)  }
0x3c: {  	v19 =	vld [tilespmem:s17+$0x65B0];
	v14 =	vadd.f32 $1.000000000e+00, v14;
	(erf) = vrcp.f32 v11;
	v11 =	vpop (erf)  }
0x3d: {  	v13 =	vld [tilespmem:s17+$0x3EA0];
	(erf) = vrcp.f32 v12;
	v11 =	vadd.f32 $1.000000000e+00, v11;
	v12 =	vpop (erf)  }
0x3e: {  	v15 =	vld [tilespmem:s17+$0x4670];
	v12 =	vadd.f32 $1.000000000e+00, v12  }
0x3f: {  	v16 =	vld [tilespmem:s17+$0x4E40]  }
0x40: {  	v17 =	vld [tilespmem:s17+$0x5610];
	(erf) = vrcp.f32 v14;
	v14 =	vpop (erf)  }
0x41: {  	v18 =	vld [tilespmem:s17+$0x5DE0];
	v14 =	vadd.f32 $1.000000000e+00, v14;
	(erf) = vrcp.f32 v11;
	v11 =	vpop (erf)  }
0x42: {  	v20 =	vld [tilespmem:s17+$0x6D80];
	v13 =	vsub.f32 $0.0e+00, v13;
	(erf) = vrcp.f32 v12;
	v11 =	vadd.f32 $1.000000000e+00, v11;
	v12 =	vpop (erf)  }
0x43: {  	v21 =	vld [tilespmem:s17+$0x7D20];
	v15 =	vsub.f32 $0.0e+00, v15;
	(erf) = vrcp.f32 v14;
	v12 =	vadd.f32 $1.000000000e+00, v12  }
0x44: {  	v13 =	vmul.f32 $1.442695020e+00, v13;
	v14 =	vsub.f32 $0.0e+00, v16;
	v16 =	vld [tilespmem:s17+$0x7550];
	(erf) = vrcp.f32 v11  }
0x45: {  	v11 =	vmul.f32 $1.442695020e+00, v15;
	v15 =	vsub.f32 $0.0e+00, v17;
	(erf) = vrcp.f32 v12  }
0x46: {  	v12 =	vmul.f32 $1.442695020e+00, v14;
	v14 =	vsub.f32 $0.0e+00, v18;
	(erf) = vpow2.f32 v13  }
0x47: {  	v22 =	vld [tilespmem:s17+$0x84F0];
	v13 =	vmul.f32 $1.442695020e+00, v15;
	v15 =	vsub.f32 $0.0e+00, v19;
	(erf) = vpow2.f32 v11  }
0x48: {  	v18 =	vpop (erf);
	v11 =	vmul.f32 $1.442695020e+00, v14;
	v14 =	vsub.f32 $0.0e+00, v20;
	(erf) = vpow2.f32 v12  }
0x49: {  	v19 =	vld [tilespmem:s17+$0x8CC0];
	v17 =	vpop (erf);
	v23 =	vsub.f32 $0.0e+00, v16;
	(erf) = vpow2.f32 v13;
	v13 =	vsub.f32 $0.0e+00, v21  }
0x4a: {  	v16 =	vpop (erf);
	v12 =	vmul.f32 $1.442695020e+00, v15  }
0x4b: {  	v20 =	vld [tilespmem:s17+$0x9490];
	v15 =	vpop (erf);
	(erf) = vpow2.f32 v11;
	v11 =	vmul.f32 $1.442695020e+00, v23  }
0x4c: {  	v24 =	vmul.f32 $1.442695020e+00, v14;
	v21 =	vsub.f32 $0.0e+00, v22;
	v14 =	vpop (erf);
	v22 =	vmul.f32 $1.442695020e+00, v13  }
0x4d: {  	(erf) = vpow2.f32 v12;
	v13 =	vpop (erf)  }
0x4e: {  	v19 =	vsub.f32 $0.0e+00, v19;
	(erf) = vpow2.f32 v24;
	v12 =	vpop (erf)  }
0x4f: {  	v21 =	vmul.f32 $1.442695020e+00, v21;
	(erf) = vpow2.f32 v11;
	v11 =	vpop (erf)  }
0x50: {  	v20 =	vsub.f32 $0.0e+00, v20;
	v19 =	vmul.f32 $1.442695020e+00, v19;
	(erf) = vpow2.f32 v22;
	v22 =	vpop (erf)  }
0x51: {  	(erf) = vpow2.f32 v21;
	v21 =	vadd.f32 $1.000000000e+00, v22;
	v22 =	vpop (erf)  }
0x52: {  	v20 =	vmul.f32 $1.442695020e+00, v20;
	(erf) = vpow2.f32 v19;
	v19 =	vadd.f32 $1.000000000e+00, v22;
	_ =	sdelay $0x1  }
0x53: {  	v22 =	vpop (erf);
	(erf) = vpow2.f32 v20  }
0x54: {  	v20 =	vadd.f32 $1.000000000e+00, v22;
	(erf) = vrcp.f32 v21;
	v21 =	vpop (erf)  }
0x55: {  	(erf) = vrcp.f32 v19;
	v21 =	vadd.f32 $1.000000000e+00, v21;
	v19 =	vpop (erf)  }
0x56: {  	v19 =	vadd.f32 $1.000000000e+00, v19  }
0x57: {  	v23 =	vld [tilespmem:s17+$0xA430]  }
0x58: {  	v22 =	vld [tilespmem:s17+$0x9C60];
	(erf) = vrcp.f32 v20;
	v20 =	vpop (erf)  }
0x59: {  	v20 =	vadd.f32 $1.000000000e+00, v20;
	(erf) = vrcp.f32 v21;
	v21 =	vpop (erf)  }
0x5a: {  	(erf) = vrcp.f32 v19;
	v21 =	vadd.f32 $1.000000000e+00, v21;
	v19 =	vpop (erf)  }
0x5b: {  	v24 =	vld [tilespmem:s17+$0xAC00];
	v19 =	vadd.f32 $1.000000000e+00, v19  }
0x5c: {  	v25 =	vld [tilespmem:s17+$0xB3D0];
	v23 =	vsub.f32 $0.0e+00, v23  }
0x5d: {  	v22 =	vsub.f32 $0.0e+00, v22;
	(erf) = vrcp.f32 v20;
	v20 =	vpop (erf)  }
0x5e: {  	v33 =	vmul.f32 $1.442695020e+00, v23;
	v20 =	vadd.f32 $1.000000000e+00, v20;
	(erf) = vrcp.f32 v21;
	v21 =	vpop (erf)  }
0x5f: {  	v26 =	vld [tilespmem:s17+$0xBBA0];
	v30 =	vmul.f32 $1.442695020e+00, v22;
	(erf) = vrcp.f32 v19;
	v21 =	vadd.f32 $1.000000000e+00, v21;
	v19 =	vpop (erf)  }
0x60: {  	v31 =	vld [tilespmem:s17+$0xC370];
	v22 =	vsub.f32 $0.0e+00, v24;
	(erf) = vrcp.f32 v20;
	v27 =	vadd.f32 $1.000000000e+00, v19;
	v19 =	vpop (erf)  }
0x61: {  	v28 =	vld [tilespmem:s17+$0xCB40];
	v23 =	vsub.f32 $0.0e+00, v25;
	v29 =	vadd.f32 $1.000000000e+00, v19;
	v19 =	vpop (erf);
	(erf) = vrcp.f32 v21  }
0x62: {  	v24 =	vld [tilespmem:s17+$0xD310];
	v20 =	vpop (erf);
	(erf) = vrcp.f32 v27  }
0x63: {  	v25 =	vld [tilespmem:s17+$0xDAE0];
	v21 =	vpop (erf);
	(erf) = vrcp.f32 v29  }
0x64: {  	v32 =	vsub.f32 $0.0e+00, v26;
	v26 =	vld [tilespmem:s17+$0xE2B0];
	v29 =	vmul.f32 $1.442695020e+00, v22;
	v22 =	vpop (erf);
	(erf) = vpow2.f32 v30  }
0x65: {  	s18 =	simm.s32 $0x40;
	v31 =	vsub.f32 $0.0e+00, v31;
	v27 =	vld [tilespmem:s17+$0xEA80];
	v30 =	vmul.f32 $1.442695020e+00, v23;
	v23 =	vpop (erf);
	(erf) = vpow2.f32 v33  }
.LBB2_2:
0x66: {  	p0 =	sne.s32 s18, $0x1F00;
	[tilespmem:s17+$0x20] =	vst v18;
	v18 =	vmul.f32 $1.442695020e+00, v32;
	v7 =	vsub.f32 $0.0e+00, v28;
	v32 =	vld [tilespmem:s17+$0xF250];
	v33 =	vpop (erf);
	(erf) = vpow2.f32 v29  }
0x67: {  	[tilespmem:s17+$0x7F0] =	vst v17;
	v17 =	vmul.f32 $1.442695020e+00, v31;
	v31 =	vsub.f32 $0.0e+00, v24;
	v29 =	vpop (erf);
	(erf) = vpow2.f32 v30  }
0x68: {  	[tilespmem:s17+$0xFC0] =	vst v16;
	v16 =	vmul.f32 $1.442695020e+00, v7;
	v7 =	vsub.f32 $0.0e+00, v25;
	v28 =	vpop (erf);
	(erf) = vpow2.f32 v18  }
0x69: {  	[tilespmem:s17+$0x1790] =	vst v15;
	v30 =	vmul.f32 $1.442695020e+00, v31;
	v26 =	vsub.f32 $0.0e+00, v26;
	v24 =	vpop (erf);
	(erf) = vpow2.f32 v17  }
0x6a: {  	[tilespmem:s17+$0x1F60] =	vst v14;
	v7 =	vmul.f32 $1.442695020e+00, v7;
	v17 =	vsub.f32 $0.0e+00, v27;
	v25 =	vpop (erf);
	(erf) = vpow2.f32 v16  }
0x6b: {  	[tilespmem:s17+$0x2730] =	vst v13;
	v13 =	vmul.f32 $1.442695020e+00, v26;
	v16 =	vsub.f32 $0.0e+00, v32;
	v18 =	vpop (erf);
	(erf) = vpow2.f32 v30  }
0x6c: {  	[tilespmem:s17+$0x2F00] =	vst v12;
	v12 =	vmul.f32 $1.442695020e+00, v17;
	v15 =	vpop (erf);
	(erf) = vpow2.f32 v7  }
0x6d: {  	[tilespmem:s17+$0x36D0] =	vst v11;
	v11 =	vmul.f32 $1.442695020e+00, v16;
	v14 =	vpop (erf);
	(erf) = vpow2.f32 v13  }
0x6e: {  	[tilespmem:s17+$0x3EA0] =	vst v19;
	v7 =	vadd.f32 $1.000000000e+00, v14;
	v14 =	vpop (erf);
	(erf) = vpow2.f32 v12  }
0x6f: {  	[tilespmem:s17+$0x4670] =	vst v20;
	v16 =	vadd.f32 $1.000000000e+00, v14;
	v14 =	vpop (erf);
	(erf) = vpow2.f32 v11  }
0x70: {  	[tilespmem:s17+$0x4E40] =	vst v21;
	v14 =	vadd.f32 $1.000000000e+00, v14;
	(erf) = vrcp.f32 v7;
	v13 =	vpop (erf)  }
0x71: {  	[tilespmem:s17+$0x5610] =	vst v22;
	v7 =	vadd.f32 $1.000000000e+00, v13;
	(erf) = vrcp.f32 v16;
	v12 =	vpop (erf)  }
0x72: {  	s19 =	sshra.s32 s18, $0x2;
	[tilespmem:s17+$0x5DE0] =	vst v23;
	v17 =	vadd.f32 $1.000000000e+00, v12;
	(erf) = vrcp.f32 v14;
	v11 =	vpop (erf)  }
0x73: {  	v14 =	vld [tilespmem:s19+$0x20];
	[tilespmem:s17+$0x65B0] =	vst v33;
	v19 =	vadd.f32 $1.000000000e+00, v11;
	(erf) = vrcp.f32 v7;
	v13 =	vpop (erf)  }
0x74: {  	v16 =	vld [tilespmem:s19+$0x7F0];
	[tilespmem:s17+$0x6D80] =	vst v29;
	v7 =	vadd.f32 $1.000000000e+00, v13;
	(erf) = vrcp.f32 v17;
	v12 =	vpop (erf)  }
0x75: {  	v17 =	vld [tilespmem:s19+$0xFC0];
	[tilespmem:s17+$0x7550] =	vst v28;
	v21 =	vadd.f32 $1.000000000e+00, v12;
	(erf) = vrcp.f32 v19;
	v11 =	vpop (erf)  }
0x76: {  	v19 =	vld [tilespmem:s19+$0x1790];
	[tilespmem:s17+$0x7D20] =	vst v24;
	v22 =	vadd.f32 $1.000000000e+00, v11;
	(erf) = vrcp.f32 v7;
	v13 =	vpop (erf)  }
0x77: {  	v20 =	vld [tilespmem:s19+$0x1F60];
	[tilespmem:s17+$0x84F0] =	vst v25;
	v13 =	vadd.f32 $1.000000000e+00, v13;
	(erf) = vrcp.f32 v21;
	v12 =	vpop (erf)  }
0x78: {  	v14 =	vsub.f32 $0.0e+00, v14;
	v21 =	vld [tilespmem:s19+$0x2730];
	[tilespmem:s17+$0x8CC0] =	vst v18;
	v12 =	vadd.f32 $1.000000000e+00, v12;
	(erf) = vrcp.f32 v22;
	v11 =	vpop (erf)  }
0x79: {  	v16 =	vsub.f32 $0.0e+00, v16;
	v18 =	vld [tilespmem:s19+$0x2F00];
	[tilespmem:s17+$0x9490] =	vst v15;
	v11 =	vadd.f32 $1.000000000e+00, v11;
	v15 =	vpop (erf);
	(erf) = vrcp.f32 v13  }
0x7a: {  	v7 =	vmul.f32 $1.442695020e+00, v14;
	v14 =	vsub.f32 $0.0e+00, v17;
	v17 =	vld [tilespmem:s19+$0x36D0];
	[tilespmem:s17+$0x9C60] =	vst v15;
	v15 =	vpop (erf);
	(erf) = vrcp.f32 v12  }
0x7b: {  	v22 =	vmul.f32 $1.442695020e+00, v16;
	v16 =	vsub.f32 $0.0e+00, v19;
	[tilespmem:s17+$0xA430] =	vst v15;
	v15 =	vpop (erf);
	(erf) = vrcp.f32 v11  }
0x7c: {  	v19 =	vmul.f32 $1.442695020e+00, v14;
	v14 =	vsub.f32 $0.0e+00, v20;
	(erf) = vpow2.f32 v7;
	[tilespmem:s17+$0xAC00] =	vst v15;
	v13 =	vpop (erf)  }
0x7d: {  	v15 =	vmul.f32 $1.442695020e+00, v16;
	v16 =	vsub.f32 $0.0e+00, v21;
	(erf) = vpow2.f32 v22;
	[tilespmem:s17+$0xB3D0] =	vst v13;
	v12 =	vpop (erf)  }
0x7e: {  	v13 =	vmul.f32 $1.442695020e+00, v14;
	v14 =	vsub.f32 $0.0e+00, v18;
	(erf) = vpow2.f32 v19;
	[tilespmem:s17+$0xBBA0] =	vst v12;
	v11 =	vpop (erf)  }
0x7f: {  	v12 =	vmul.f32 $1.442695020e+00, v16;
	v16 =	vsub.f32 $0.0e+00, v17;
	(erf) = vpow2.f32 v15;
	[tilespmem:s17+$0xC370] =	vst v11;
	v11 =	vpop (erf)  }
0x80: {  	v14 =	vmul.f32 $1.442695020e+00, v14;
	(erf) = vpow2.f32 v13;
	[tilespmem:s17+$0xCB40] =	vst v11;
	v11 =	vpop (erf)  }
0x81: {  	v13 =	vmul.f32 $1.442695020e+00, v16;
	(erf) = vpow2.f32 v12;
	[tilespmem:s17+$0xD310] =	vst v11;
	v11 =	vpop (erf)  }
0x82: {  	(erf) = vpow2.f32 v14;
	[tilespmem:s17+$0xDAE0] =	vst v11;
	v11 =	vpop (erf)  }
0x83: {  	(erf) = vpow2.f32 v13;
	[tilespmem:s17+$0xE2B0] =	vst v11;
	v11 =	vpop (erf)  }
0x84: {  	[tilespmem:s17+$0xEA80] =	vst v11;
	v11 =	vpop (erf)  }
0x85: {  	v12 =	vpop (erf);
	[tilespmem:s17+$0xF250] =	vst v11;
	s17 =	smov.u32 s19  }
0x86: {  	v7 =	vadd.f32 $1.000000000e+00, v12;
	v12 =	vpop (erf)  }
0x87: {  	v17 =	vadd.f32 $1.000000000e+00, v12;
	v13 =	vld [tilespmem:s17+$0x3EA0];
	v14 =	vpop (erf)  }
0x88: {  	v18 =	vadd.f32 $1.000000000e+00, v14;
	v15 =	vld [tilespmem:s17+$0x4670];
	(erf) = vrcp.f32 v7;
	v11 =	vpop (erf)  }
0x89: {  	v7 =	vadd.f32 $1.000000000e+00, v11;
	v16 =	vld [tilespmem:s17+$0x4E40];
	(erf) = vrcp.f32 v17;
	v12 =	vpop (erf)  }
0x8a: {  	v20 =	vadd.f32 $1.000000000e+00, v12;
	v17 =	vld [tilespmem:s17+$0x5610];
	(erf) = vrcp.f32 v18;
	v14 =	vpop (erf)  }
0x8b: {  	v14 =	vadd.f32 $1.000000000e+00, v14;
	v18 =	vld [tilespmem:s17+$0x5DE0];
	(erf) = vrcp.f32 v7;
	v11 =	vpop (erf)  }
0x8c: {  	v11 =	vadd.f32 $1.000000000e+00, v11;
	v13 =	vsub.f32 $0.0e+00, v13;
	v19 =	vld [tilespmem:s17+$0x65B0];
	(erf) = vrcp.f32 v20;
	v12 =	vpop (erf)  }
0x8d: {  	v12 =	vadd.f32 $1.000000000e+00, v12;
	v15 =	vsub.f32 $0.0e+00, v15;
	v20 =	vld [tilespmem:s17+$0x6D80];
	(erf) = vrcp.f32 v14  }
0x8e: {  	v13 =	vmul.f32 $1.442695020e+00, v13;
	v14 =	vsub.f32 $0.0e+00, v16;
	v16 =	vld [tilespmem:s17+$0x7550];
	(erf) = vrcp.f32 v11  }
0x8f: {  	v11 =	vmul.f32 $1.442695020e+00, v15;
	v15 =	vsub.f32 $0.0e+00, v17;
	v21 =	vld [tilespmem:s17+$0x7D20];
	(erf) = vrcp.f32 v12  }
0x90: {  	v12 =	vmul.f32 $1.442695020e+00, v14;
	v14 =	vsub.f32 $0.0e+00, v18;
	v22 =	vld [tilespmem:s17+$0x84F0];
	(erf) = vpow2.f32 v13  }
0x91: {  	v13 =	vmul.f32 $1.442695020e+00, v15;
	v7 =	vsub.f32 $0.0e+00, v19;
	v19 =	vld [tilespmem:s17+$0x8CC0];
	v18 =	vpop (erf);
	(erf) = vpow2.f32 v11  }
0x92: {  	v11 =	vmul.f32 $1.442695020e+00, v14;
	v25 =	vsub.f32 $0.0e+00, v20;
	v20 =	vld [tilespmem:s17+$0x9490];
	v17 =	vpop (erf);
	(erf) = vpow2.f32 v12  }
0x93: {  	v12 =	vmul.f32 $1.442695020e+00, v7;
	v23 =	vsub.f32 $0.0e+00, v16;
	v16 =	vpop (erf);
	(erf) = vpow2.f32 v13  }
0x94: {  	v24 =	vmul.f32 $1.442695020e+00, v25;
	v7 =	vsub.f32 $0.0e+00, v21;
	v15 =	vpop (erf);
	(erf) = vpow2.f32 v11  }
0x95: {  	v23 =	vmul.f32 $1.442695020e+00, v23;
	v21 =	vsub.f32 $0.0e+00, v22;
	v14 =	vpop (erf);
	(erf) = vpow2.f32 v12  }
0x96: {  	v7 =	vmul.f32 $1.442695020e+00, v7;
	v19 =	vsub.f32 $0.0e+00, v19;
	v13 =	vpop (erf);
	(erf) = vpow2.f32 v24  }
0x97: {  	v21 =	vmul.f32 $1.442695020e+00, v21;
	v20 =	vsub.f32 $0.0e+00, v20;
	v12 =	vpop (erf);
	(erf) = vpow2.f32 v23  }
0x98: {  	v19 =	vmul.f32 $1.442695020e+00, v19;
	v11 =	vpop (erf);
	(erf) = vpow2.f32 v7  }
0x99: {  	v20 =	vmul.f32 $1.442695020e+00, v20;
	v22 =	vpop (erf);
	(erf) = vpow2.f32 v21  }
0x9a: {  	v7 =	vadd.f32 $1.000000000e+00, v22;
	v22 =	vpop (erf);
	(erf) = vpow2.f32 v19  }
0x9b: {  	v23 =	vadd.f32 $1.000000000e+00, v22;
	v22 =	vpop (erf);
	(erf) = vpow2.f32 v20  }
0x9c: {  	v22 =	vadd.f32 $1.000000000e+00, v22;
	(erf) = vrcp.f32 v7;
	v21 =	vpop (erf)  }
0x9d: {  	v7 =	vadd.f32 $1.000000000e+00, v21;
	(erf) = vrcp.f32 v23;
	v19 =	vpop (erf)  }
0x9e: {  	v24 =	vadd.f32 $1.000000000e+00, v19;
	(erf) = vrcp.f32 v22;
	v20 =	vpop (erf)  }
0x9f: {  	v25 =	vadd.f32 $1.000000000e+00, v20;
	v22 =	vld [tilespmem:s17+$0x9C60];
	(erf) = vrcp.f32 v7;
	v21 =	vpop (erf)  }
0xa0: {  	v7 =	vadd.f32 $1.000000000e+00, v21;
	v23 =	vld [tilespmem:s17+$0xA430];
	(erf) = vrcp.f32 v24;
	v19 =	vpop (erf)  }
0xa1: {  	v27 =	vadd.f32 $1.000000000e+00, v19;
	v24 =	vld [tilespmem:s17+$0xAC00];
	(erf) = vrcp.f32 v25;
	v20 =	vpop (erf)  }
0xa2: {  	v20 =	vadd.f32 $1.000000000e+00, v20;
	v25 =	vld [tilespmem:s17+$0xB3D0];
	(erf) = vrcp.f32 v7;
	v21 =	vpop (erf)  }
0xa3: {  	v21 =	vadd.f32 $1.000000000e+00, v21;
	v26 =	vld [tilespmem:s17+$0xBBA0];
	(erf) = vrcp.f32 v27;
	v19 =	vpop (erf)  }
0xa4: {  	v27 =	vadd.f32 $1.000000000e+00, v19;
	v22 =	vsub.f32 $0.0e+00, v22;
	v31 =	vld [tilespmem:s17+$0xC370];
	(erf) = vrcp.f32 v20;
	v19 =	vpop (erf)  }
.Ltmp0:
0xa5: {  	v29 =	vadd.f32 $1.000000000e+00, v19;
	v23 =	vsub.f32 $0.0e+00, v23;
	v28 =	vld [tilespmem:s17+$0xCB40];
	v19 =	vpop (erf);
	(erf) = vrcp.f32 v21;
	(pc) =	sbr.rel @p0 .LBB2_2-.Ltmp0, $4  }
0xa6: {  	v30 =	vmul.f32 $1.442695020e+00, v22;
	v7 =	vsub.f32 $0.0e+00, v24;
	v24 =	vld [tilespmem:s17+$0xD310];
	v20 =	vpop (erf);
	(erf) = vrcp.f32 v27  }
0xa7: {  	v33 =	vmul.f32 $1.442695020e+00, v23;
	v34 =	vsub.f32 $0.0e+00, v25;
	v25 =	vld [tilespmem:s17+$0xDAE0];
	v21 =	vpop (erf);
	(erf) = vrcp.f32 v29  }
0xa8: {  	v29 =	vmul.f32 $1.442695020e+00, v7;
	v32 =	vsub.f32 $0.0e+00, v26;
	v26 =	vld [tilespmem:s17+$0xE2B0];
	v22 =	vpop (erf);
	(erf) = vpow2.f32 v30  }
0xa9: {  	s18 =	sadd.s32 $0x40, s18;
	v30 =	vmul.f32 $1.442695020e+00, v34;
	v31 =	vsub.f32 $0.0e+00, v31;
	v27 =	vld [tilespmem:s17+$0xEA80];
	v23 =	vpop (erf);
	(erf) = vpow2.f32 v33  }
0xaa: {  	v28 =	vsub.f32 $0.0e+00, v28;
	_ =	sdelay $0x1  }
0xab: {  	[tilespmem:s17+$0x20] =	vst v18;
	v18 =	vmul.f32 $1.442695020e+00, v32;
	v33 =	vpop (erf);
	(erf) = vpow2.f32 v29;
	v24 =	vsub.f32 $0.0e+00, v24  }
0xac: {  	[tilespmem:s17+$0x7F0] =	vst v17;
	v29 =	vpop (erf);
	(erf) = vpow2.f32 v30;
	v25 =	vsub.f32 $0.0e+00, v25  }
0xad: {  	v54 =	vld [tilespmem:s17+$0xF250];
	[tilespmem:s17+$0xFC0] =	vst v16;
	v16 =	vmul.f32 $1.442695020e+00, v28;
	v28 =	vpop (erf);
	(erf) = vpow2.f32 v18;
	v18 =	vsub.f32 $0.0e+00, v26  }
0xae: {  	[tilespmem:s17+$0x1790] =	vst v15;
	v17 =	vmul.f32 $1.442695020e+00, v31;
	v15 =	vmul.f32 $1.442695020e+00, v24  }
0xaf: {  	[tilespmem:s17+$0x1F60] =	vst v14;
	v14 =	vmul.f32 $1.442695020e+00, v25;
	v24 =	vpop (erf)  }
0xb0: {  	(erf) = vpow2.f32 v17;
	v25 =	vpop (erf)  }
0xb1: {  	[tilespmem:s17+$0x2730] =	vst v13;
	v17 =	vsub.f32 $0.0e+00, v27;
	(erf) = vpow2.f32 v16;
	v13 =	vmul.f32 $1.442695020e+00, v18;
	v18 =	vpop (erf)  }
0xb2: {  	v16 =	vsub.f32 $0.0e+00, v54;
	(erf) = vpow2.f32 v15;
	v15 =	vpop (erf)  }
0xb3: {  	[tilespmem:s17+$0x2F00] =	vst v12;
	v12 =	vmul.f32 $1.442695020e+00, v17;
	(erf) = vpow2.f32 v14;
	v14 =	vpop (erf)  }
0xb4: {  	[tilespmem:s17+$0x36D0] =	vst v11;
	v11 =	vmul.f32 $1.442695020e+00, v16;
	(erf) = vpow2.f32 v13;
	v13 =	vadd.f32 $1.000000000e+00, v14;
	v14 =	vpop (erf)  }
0xb5: {  	(erf) = vpow2.f32 v12;
	v12 =	vadd.f32 $1.000000000e+00, v14;
	v14 =	vpop (erf)  }
0xb6: {  	(erf) = vpow2.f32 v11;
	v11 =	vadd.f32 $1.000000000e+00, v14;
	_ =	sdelay $0x1  }
0xb7: {  	(erf) = vrcp.f32 v13;
	v13 =	vpop (erf)  }
0xb8: {  	(erf) = vrcp.f32 v12;
	v13 =	vadd.f32 $1.000000000e+00, v13;
	v12 =	vpop (erf)  }
0xb9: {  	(erf) = vrcp.f32 v11;
	v12 =	vadd.f32 $1.000000000e+00, v12;
	v11 =	vpop (erf)  }
0xba: {  	[tilespmem:s17+$0x3EA0] =	vst v19;
	v11 =	vadd.f32 $1.000000000e+00, v11  }
0xbb: {  	[tilespmem:s17+$0x4670] =	vst v20  }
0xbc: {  	[tilespmem:s17+$0x4E40] =	vst v21;
	(erf) = vrcp.f32 v13;
	v13 =	vpop (erf)  }
0xbd: {  	[tilespmem:s17+$0x5610] =	vst v22;
	(erf) = vrcp.f32 v12;
	v13 =	vadd.f32 $1.000000000e+00, v13;
	v12 =	vpop (erf)  }
0xbe: {  	[tilespmem:s17+$0x5DE0] =	vst v23;
	(erf) = vrcp.f32 v11;
	v12 =	vadd.f32 $1.000000000e+00, v12;
	v11 =	vpop (erf)  }
0xbf: {  	[tilespmem:s17+$0x65B0] =	vst v33;
	v11 =	vadd.f32 $1.000000000e+00, v11  }
0xc0: {  	[tilespmem:s17+$0x6D80] =	vst v29  }
0xc1: {  	[tilespmem:s17+$0x7550] =	vst v28;
	(erf) = vrcp.f32 v13;
	v13 =	vpop (erf)  }
0xc2: {  	[tilespmem:s17+$0x7D20] =	vst v24;
	(erf) = vrcp.f32 v12;
	v13 =	vadd.f32 $1.000000000e+00, v13;
	v12 =	vpop (erf)  }
0xc3: {  	[tilespmem:s17+$0x84F0] =	vst v25;
	(erf) = vrcp.f32 v11;
	v12 =	vadd.f32 $1.000000000e+00, v12;
	v11 =	vpop (erf)  }
0xc4: {  	[tilespmem:s17+$0x8CC0] =	vst v18;
	v11 =	vadd.f32 $1.000000000e+00, v11  }
0xc5: {  	[tilespmem:s17+$0x9490] =	vst v15;
	v14 =	vpop (erf);
	(erf) = vrcp.f32 v13  }
0xc6: {  	[tilespmem:s17+$0x9C60] =	vst v14;
	v13 =	vpop (erf);
	(erf) = vrcp.f32 v12  }
0xc7: {  	[tilespmem:s17+$0xA430] =	vst v13;
	v12 =	vpop (erf);
	(erf) = vrcp.f32 v11  }
0xc8: {  	[tilespmem:s17+$0xAC00] =	vst v12;
	v11 =	vpop (erf)  }
0xc9: {  	[tilespmem:s17+$0xB3D0] =	vst v11;
	v11 =	vpop (erf)  }
0xca: {  	s18 =	simm.s32 $0x0;
	[tilespmem:s17+$0xBBA0] =	vst v11;
	v11 =	vpop (erf)  }
0xcb: {  	v12 =	vadd.s32 s18, v0;
	[tilespmem:s17+$0xC370] =	vst v11;
	v11 =	vpop (erf)  }
0xcc: {  	v13 =	vadd.s32 s18, v3;
	v12 =	vand.u32 $0xFFF8, v12;
	[tilespmem:s17+$0xCB40] =	vst v11;
	v11 =	vpop (erf)  }
0xcd: {  	v13 =	vand.u32 $0xFFF8, v13;
	v12 =	vor.u32 v2, v12;
	[tilespmem:s17+$0xD310] =	vst v11;
	v11 =	vpop (erf)  }
0xce: {  	v14 =	vadd.s32 s18, v5;
	v13 =	vor.u32 v4, v13;
	[tilespmem:s17+$0xDAE0] =	vst v11;
	v11 =	vpop (erf)  }
0xcf: {  	v14 =	vand.u32 $0xFFF8, v14;
	[tilespmem:s17+$0xE2B0] =	vst v11;
	v11 =	vpop (erf)  }
0xd0: {  	v14 =	vor.u32 v6, v14;
	[tilespmem:s17+$0xEA80] =	vst v11;
	v11 =	vpop (erf)  }
0xd1: {  	[tilespmem:s17+$0xF250] =	vst v11  }
0xd2: {  	v16 =	vld.idx.msk [tilespmem:v12+s11+$0x0], $0xffff  }
0xd3: {  	v17 =	vld.idx.msk [tilespmem:v13+s11+$0x0], $0xffff;
	_ =	sdelay $0x1  }
0xd4: {  	v21 =	vld.idx.msk [tilespmem:v14+s11+$0x0], $0xffff;
	_ =	sdelay $0x1  }
0xd5: {  	v15 =	vld.idx.msk [tilespmem:v14+s12+$0x0], $0xffff  }
0xd6: {  	v12 =	vld.idx.msk [tilespmem:v12+s12+$0x0], $0xffff  }
0xd7: {  	v14 =	vld.idx.msk [tilespmem:v13+s12+$0x0], $0xffff  }
0xd8: {  	v11 =	vld.idx.msk [tilespmem:v16+s0+$0x0], $0xffff  }
0xd9: {  	s19 =	simm.s32 $0x20;
	v13 =	vld.idx.msk [tilespmem:v17+s0+$0x0], $0xffff  }
0xda: {  	v18 =	vld.idx.msk [tilespmem:v16+s19+$0x0], $0xffff  }
0xdb: {  	v19 =	vld.idx.msk [tilespmem:v21+s0+$0x0], $0xffff  }
0xdc: {  	s20 =	simm.s32 $0x7F0;
	v20 =	vld.idx.msk [tilespmem:v17+s19+$0x0], $0xffff  }
0xdd: {  	v22 =	vld.idx.msk [tilespmem:v16+s20+$0x0], $0xffff  }
0xde: {  	v24 =	vld.idx.msk [tilespmem:v17+s20+$0x0], $0xffff  }
0xdf: {  	v25 =	vmul.f32 $5.000000000e-01, v14;
	v26 =	vld.idx.msk [tilespmem:v16+s21+$0x0], $0xffff  }
0xe0: {  	v27 =	vld.idx.msk [tilespmem:v17+s21+$0x0], $0xffff  }
0xe1: {  	v23 =	vmul.f32 $5.000000000e-01, v12;
	v28 =	vadd.f32 $5.000000000e-01, v25;
	v25 =	vmul.f32 $5.000000000e-01, v15;
	v55 =	vld.idx.msk [tilespmem:v16+s23+$0x0], $0xffff  }
0xe2: {  	v33 =	vld.idx.msk [tilespmem:v17+s23+$0x0], $0xffff;
	v11 =	vmul.f32 v11, v12;
	v13 =	vmul.f32 v13, v14  }
0xe3: {  	v23 =	vadd.f32 $5.000000000e-01, v23;
	v36 =	vld.idx.msk [tilespmem:v16+s25+$0x0], $0xffff;
	v18 =	vmul.f32 v18, v12;
	v19 =	vmul.f32 v19, v15  }
0xe4: {  	v29 =	vld.idx.msk [tilespmem:v16+s22+$0x0], $0xffff;
	v25 =	vadd.f32 $5.000000000e-01, v25;
	v20 =	vmul.f32 v20, v14;
	v22 =	vmul.f32 v22, v12  }
0xe5: {  	v31 =	vld.idx.msk [tilespmem:v17+s22+$0x0], $0xffff;
	v24 =	vmul.f32 v24, v14;
	v11 =	vsub.f32 v23, v11;
	v13 =	vsub.f32 v28, v13  }
0xe6: {  	v34 =	vld.idx.msk [tilespmem:v16+s24+$0x0], $0xffff;
	v26 =	vmul.f32 v26, v12;
	v32 =	vmul.f32 v55, v12;
	v18 =	vsub.f32 v23, v18  }
0xe7: {  	v39 =	vld.idx.msk [tilespmem:v16+s29+$0x0], $0xffff;
	v19 =	vsub.f32 v25, v19;
	v20 =	vsub.f32 v28, v20;
	v11 =	vmul.f32 v13, v11  }
0xe8: {  	v40 =	vld.idx.msk [tilespmem:v17+s29+$0x0], $0xffff;
	v33 =	vmul.f32 v33, v14;
	v56 =	vmul.f32 v36, v12;
	v22 =	vsub.f32 v23, v22  }
0xe9: {  	v35 =	vld.idx.msk [tilespmem:v17+s24+$0x0], $0xffff;
	s0 =	simm.s32 $0x5DE0;
	v18 =	vmul.f32 v20, v18;
	v11 =	vmul.f32 v19, v11;
	v19 =	vsub.f32 v28, v24  }
0xea: {  	v59 =	vld.idx.msk [tilespmem:v17+s0+$0x0], $0xffff;
	v24 =	vmul.f32 v27, v14;
	v27 =	vmul.f32 v29, v12  }
0xeb: {  	v20 =	vld.idx.msk [tilespmem:v17+s25+$0x0], $0xffff;
	v30 =	vmul.f32 v19, v22;
	v19 =	vmul.f32 v31, v14  }
0xec: {  	v57 =	vmul.f32 v39, v12;
	v26 =	vsub.f32 v23, v26;
	v29 =	vld.idx.msk [tilespmem:v16+s26+$0x0], $0xffff;
	v24 =	vsub.f32 v28, v24  }
0xed: {  	v58 =	vmul.f32 v40, v14;
	v22 =	vld.idx.msk [tilespmem:v17+s26+$0x0], $0xffff;
	v27 =	vsub.f32 v23, v27;
	v19 =	vsub.f32 v28, v19  }
0xee: {  	v37 =	vld.idx.msk [tilespmem:v16+s28+$0x0], $0xffff;
	v31 =	vmul.f32 v24, v26;
	v24 =	vsub.f32 v23, v32;
	v26 =	vmul.f32 v34, v12  }
0xef: {  	v38 =	vld.idx.msk [tilespmem:v17+s28+$0x0], $0xffff;
	v32 =	vmul.f32 v19, v27;
	v19 =	vsub.f32 v28, v33;
	v27 =	vmul.f32 v35, v14  }
0xf0: {  	v41 =	vld.idx.msk [tilespmem:v16+s30+$0x0], $0xffff;
	v62 =	vmul.f32 v59, v14;
	v20 =	vmul.f32 v20, v14;
	v26 =	vsub.f32 v23, v26  }
0xf1: {  	v42 =	vld.idx.msk [tilespmem:v16+s31+$0x0], $0xffff;
	v33 =	vmul.f32 v19, v24;
	v19 =	vsub.f32 v28, v27;
	v24 =	vmul.f32 v29, v12  }
0xf2: {  	v20 =	vsub.f32 v28, v20;
	v22 =	vmul.f32 v22, v14;
	v27 =	vld.idx.msk [tilespmem:v17+s30+$0x0], $0xffff;
	v29 =	vsub.f32 v23, v56  }
0xf3: {  	v34 =	vmul.f32 v19, v26;
	v19 =	vsub.f32 v23, v24;
	v24 =	vmul.f32 v37, v12;
	v26 =	vld.idx.msk [tilespmem:v17+s31+$0x0], $0xffff  }
0xf4: {  	v35 =	vmul.f32 v20, v29;
	v20 =	vsub.f32 v28, v22;
	v22 =	vmul.f32 v38, v14;
	v29 =	vld.idx.msk [tilespmem:v16+s0+$0x0], $0xffff  }
0xf5: {  	s2 =	simm.s32 $0x65B0;
	v60 =	vsub.f32 v23, v57;
	v13 =	vimm.f32 $1.000000000e+00;
	v24 =	vsub.f32 v23, v24  }
0xf6: {  	s3 =	simm.s32 $0x6D80;
	v36 =	vmul.f32 v20, v19;
	v19 =	vsub.f32 v28, v22;
	v20 =	vmul.f32 v41, v12;
	v22 =	vld.idx.msk [tilespmem:v16+s2+$0x0], $0xffff  }
0xf7: {  	v11 =	vsub.f32 $1.000000000e+00, v11;
	v38 =	vsub.f32 v28, v58;
	v16 =	vld.idx.msk [tilespmem:v16+s3+$0x0], $0xffff;
	v27 =	vmul.f32 v27, v14  }
0xf8: {  	v61 =	vld.idx.msk [tilespmem:v17+s2+$0x0], $0xffff;
	v37 =	vmul.f32 v19, v24;
	v19 =	vsub.f32 v23, v20;
	v20 =	vmul.f32 v42, v12  }
0xf9: {  	v17 =	vld.idx.msk [tilespmem:v17+s3+$0x0], $0xffff;
	v24 =	vsub.f32 v28, v27;
	v26 =	vmul.f32 v26, v14;
	v29 =	vmul.f32 v29, v12  }
0xfa: {  	v63 =	vld.idx.msk [tilespmem:v21+s20+$0x0], $0xffff;
	v11 =	vmul.f32 v11, v13;
	v38 =	vmul.f32 v38, v60;
	v20 =	vsub.f32 v23, v20  }
0xfb: {  	v27 =	vld.idx.msk [tilespmem:v21+s19+$0x0], $0xffff;
	v39 =	vmul.f32 v24, v19;
	v19 =	vsub.f32 v28, v26;
	v26 =	vsub.f32 v23, v29  }
0xfc: {  	s17 =	simm.s32 $0x30;
	v22 =	vmul.f32 v22, v12;
	v29 =	vsub.f32 v28, v62;
	v12 =	vmul.f32 v16, v12  }
0xfd: {  	v58 =	vadd.s32 s17, v3;
	v24 =	vld.idx.msk [tilespmem:v21+s21+$0x0], $0xffff;
	v40 =	vmul.f32 v19, v20;
	v19 =	vmul.f32 v61, v14  }
0xfe: {  	v16 =	vld.idx.msk [tilespmem:v21+s23+$0x0], $0xffff;
	v41 =	vmul.f32 v29, v26;
	v20 =	vsub.f32 v23, v22;
	v14 =	vmul.f32 v17, v14  }
0xff: {  	v43 =	vld.idx.msk [tilespmem:v21+s22+$0x0], $0xffff;
	v12 =	vsub.f32 v23, v12;
	v23 =	vmul.f32 v63, v15;
	v29 =	vimm.f32 $1.000000000e+00  }
0x100: {  	v17 =	vmul.f32 v27, v15;
	v27 =	vimm.f32 $1.000000000e+00;
	v19 =	vsub.f32 v28, v19  }
0x101: {  	v22 =	vld.idx.msk [tilespmem:v21+s24+$0x0], $0xffff;
	v14 =	vsub.f32 v28, v14;
	v50 =	vsub.f32 v25, v23;
	v28 =	vimm.f32 $1.000000000e+00  }
0x102: {  	v26 =	vld.idx.msk [tilespmem:v21+s25+$0x0], $0xffff;
	v23 =	vimm.f32 $1.000000000e+00;
	v17 =	vsub.f32 v25, v17;
	v24 =	vmul.f32 v24, v15  }
0x103: {  	v42 =	vmul.f32 v16, v15;
	v16 =	vimm.f32 $1.000000000e+00;
	v46 =	vmul.f32 v19, v20  }
0x104: {  	v45 =	vld.idx.msk [tilespmem:v21+s28+$0x0], $0xffff;
	v19 =	vmul.f32 v43, v15;
	v47 =	vmul.f32 v14, v12;
	v12 =	vadd.s32 s17, v0  }
0x105: {  	v43 =	vld.idx.msk [tilespmem:v21+s26+$0x0], $0xffff;
	v20 =	vimm.f32 $1.000000000e+00;
	v14 =	vimm.f32 $1.000000000e+00;
	v48 =	vmul.f32 v17, v18  }
0x106: {  	v52 =	vld.idx.msk [tilespmem:v21+s29+$0x0], $0xffff;
	v49 =	vsub.f32 v25, v24;
	v44 =	vmul.f32 v22, v15;
	v57 =	vand.u32 $0xFFF8, v12  }
0x107: {  	v53 =	vld.idx.msk [tilespmem:v21+s30+$0x0], $0xffff;
	v54 =	vmul.f32 v26, v15;
	v26 =	vimm.f32 $1.000000000e+00;
	v24 =	vimm.f32 $1.000000000e+00  }
0x108: {  	v55 =	vld.idx.msk [tilespmem:v21+s31+$0x0], $0xffff;
	v22 =	vimm.f32 $1.000000000e+00;
	v18 =	vimm.f32 $1.000000000e+00;
	v17 =	vimm.f32 $1.000000000e+00  }
0x109: {  	s4 =	simm.s32 $0x7550;
	s18 =	simm.s32 $0x60;
	v56 =	vld.idx.msk [tilespmem:v21+s0+$0x0], $0xffff;
	v12 =	vimm.f32 $1.000000000e+00;
	v51 =	vsub.f32 v25, v19;
	v19 =	vimm.f32 $1.000000000e+00  }
.LBB2_4:
0x10a: {  	p0 =	sne.s32 s18, $0x5D90;
	v57 =	vor.u32 v2, v57;
	v58 =	vand.u32 $0xFFF8, v58;
	v43 =	vmul.f32 v43, v15;
	v59 =	vld.idx.msk [tilespmem:v21+s2+$0x0], $0xffff  }
0x10b: {  	v60 =	vadd.s32 s17, v5;
	v61 =	vmul.f32 v45, v15;
	s17 =	smov.u32 s18;
	v58 =	vor.u32 v4, v58;
	v21 =	vld.idx.msk [tilespmem:v21+s3+$0x0], $0xffff  }
0x10c: {  	v42 =	vsub.f32 v25, v42;
	v45 =	vand.u32 $0xFFF8, v60;
	v52 =	vmul.f32 v52, v15  }
0x10d: {  	v62 =	vsub.f32 v25, v44;
	v60 =	vor.u32 v6, v45;
	v53 =	vmul.f32 v53, v15  }
0x10e: {  	v54 =	vsub.f32 v25, v54;
	v43 =	vsub.f32 v25, v43;
	v55 =	vmul.f32 v55, v15  }
0x10f: {  	v61 =	vsub.f32 v25, v61;
	v52 =	vsub.f32 v25, v52;
	v56 =	vmul.f32 v56, v15;
	v45 =	vld.idx.msk [tilespmem:v57+s11+$0x0], $0xffff  }
0x110: {  	v53 =	vsub.f32 v25, v53;
	v55 =	vsub.f32 v25, v55;
	v59 =	vmul.f32 v59, v15;
	v44 =	vld.idx.msk [tilespmem:v58+s11+$0x0], $0xffff  }
0x111: {  	v30 =	vmul.f32 v50, v30;
	v50 =	vsub.f32 v25, v56;
	v15 =	vmul.f32 v21, v15  }
0x112: {  	v31 =	vmul.f32 v49, v31;
	v32 =	vmul.f32 v51, v32;
	v49 =	vsub.f32 v25, v59;
	v21 =	vld.idx.msk [tilespmem:v60+s11+$0x0], $0xffff  }
0x113: {  	v33 =	vmul.f32 v42, v33;
	v34 =	vmul.f32 v62, v34;
	v25 =	vsub.f32 v25, v15  }
0x114: {  	v48 =	vsub.f32 $1.000000000e+00, v48;
	v35 =	vmul.f32 v54, v35;
	v36 =	vmul.f32 v43, v36;
	v15 =	vld.idx.msk [tilespmem:v60+s12+$0x0], $0xffff  }
0x115: {  	v30 =	vsub.f32 $1.000000000e+00, v30;
	v37 =	vmul.f32 v61, v37;
	v38 =	vmul.f32 v52, v38;
	v43 =	vld.idx.msk [tilespmem:v57+s12+$0x0], $0xffff  }
0x116: {  	v31 =	vsub.f32 $1.000000000e+00, v31;
	v39 =	vmul.f32 v53, v39;
	v40 =	vmul.f32 v55, v40;
	v42 =	vld.idx.msk [tilespmem:v58+s12+$0x0], $0xffff  }
0x117: {  	v32 =	vsub.f32 $1.000000000e+00, v32;
	v41 =	vmul.f32 v50, v41;
	v46 =	vmul.f32 v49, v46;
	v51 =	vld.idx.msk [tilespmem:v45+s4+$0x0], $0xffff  }
0x118: {  	v33 =	vsub.f32 $1.000000000e+00, v33;
	v34 =	vsub.f32 $1.000000000e+00, v34;
	v25 =	vmul.f32 v25, v47;
	v49 =	vld.idx.msk [tilespmem:v44+s4+$0x0], $0xffff  }
0x119: {  	v13 =	vmul.f32 v48, v13;
	v35 =	vsub.f32 $1.000000000e+00, v35;
	v36 =	vsub.f32 $1.000000000e+00, v36;
	v50 =	vld.idx.msk [tilespmem:v45+s19+$0x0], $0xffff  }
0x11a: {  	v29 =	vmul.f32 v30, v29;
	v37 =	vsub.f32 $1.000000000e+00, v37;
	v52 =	vsub.f32 $1.000000000e+00, v38;
	v48 =	vld.idx.msk [tilespmem:v21+s4+$0x0], $0xffff  }
0x11b: {  	v54 =	vsub.f32 $1.000000000e+00, v39;
	v38 =	vsub.f32 $1.000000000e+00, v40;
	v30 =	vmul.f32 $5.000000000e-01, v43;
	v53 =	vld.idx.msk [tilespmem:v44+s19+$0x0], $0xffff  }
0x11c: {  	v39 =	vsub.f32 $1.000000000e+00, v41;
	v40 =	vsub.f32 $1.000000000e+00, v46;
	v47 =	vmul.f32 $5.000000000e-01, v42;
	v55 =	vld.idx.msk [tilespmem:v45+s20+$0x0], $0xffff  }
0x11d: {  	v41 =	vsub.f32 $1.000000000e+00, v25;
	v46 =	vadd.f32 $5.000000000e-01, v30;
	v30 =	vmul.f32 $5.000000000e-01, v15;
	v56 =	vld.idx.msk [tilespmem:v44+s20+$0x0], $0xffff  }
0x11e: {  	v51 =	vmul.f32 v51, v43;
	v47 =	vadd.f32 $5.000000000e-01, v47;
	v49 =	vmul.f32 v49, v42;
	v57 =	vld.idx.msk [tilespmem:v45+s21+$0x0], $0xffff  }
0x11f: {  	v28 =	vmul.f32 v31, v28;
	v25 =	vadd.f32 $5.000000000e-01, v30;
	v30 =	vmul.f32 v50, v43;
	v50 =	vld.idx.msk [tilespmem:v44+s21+$0x0], $0xffff  }
0x120: {  	v51 =	vsub.f32 v46, v51;
	v49 =	vsub.f32 v47, v49;
	v48 =	vmul.f32 v48, v15;
	v31 =	vld.idx.msk [tilespmem:v45+s22+$0x0], $0xffff  }
0x121: {  	v27 =	vmul.f32 v32, v27;
	v30 =	vsub.f32 v46, v30;
	v53 =	vmul.f32 v53, v42;
	v58 =	vld.idx.msk [tilespmem:v44+s22+$0x0], $0xffff  }
0x122: {  	v32 =	vmul.f32 v55, v43;
	v49 =	vmul.f32 v49, v51;
	v48 =	vsub.f32 v25, v48;
	v55 =	vld.idx.msk [tilespmem:v45+s23+$0x0], $0xffff  }
0x123: {  	v26 =	vmul.f32 v33, v26;
	v51 =	vsub.f32 v47, v53;
	v53 =	vmul.f32 v56, v42;
	v56 =	vld.idx.msk [tilespmem:v44+s23+$0x0], $0xffff  }
0x124: {  	v32 =	vsub.f32 v46, v32;
	v33 =	vmul.f32 v57, v43;
	v49 =	vmul.f32 v48, v49;
	v57 =	vld.idx.msk [tilespmem:v45+s24+$0x0], $0xffff  }
0x125: {  	v48 =	vmul.f32 v51, v30;
	v30 =	vsub.f32 v47, v53;
	v50 =	vmul.f32 v50, v42;
	v51 =	vld.idx.msk [tilespmem:v44+s24+$0x0], $0xffff  }
0x126: {  	v33 =	vsub.f32 v46, v33;
	v31 =	vmul.f32 v31, v43;
	v49 =	vsub.f32 $1.000000000e+00, v49;
	v53 =	vld.idx.msk [tilespmem:v45+s25+$0x0], $0xffff  }
0x127: {  	v30 =	vmul.f32 v30, v32;
	v32 =	vsub.f32 v47, v50;
	v50 =	vmul.f32 v58, v42;
	v58 =	vld.idx.msk [tilespmem:v44+s25+$0x0], $0xffff  }
0x128: {  	v59 =	vsub.f32 v46, v31;
	v55 =	vmul.f32 v55, v43;
	v11 =	vmul.f32 v49, v11;
	v60 =	vld.idx.msk [tilespmem:v45+s26+$0x0], $0xffff  }
0x129: {  	v31 =	vmul.f32 v32, v33;
	v32 =	vsub.f32 v47, v50;
	v33 =	vmul.f32 v56, v42;
	v49 =	vld.idx.msk [tilespmem:v44+s26+$0x0], $0xffff  }
0x12a: {  	v24 =	vmul.f32 v34, v24;
	v50 =	vsub.f32 v46, v55;
	v55 =	vmul.f32 v57, v43;
	v56 =	vld.idx.msk [tilespmem:v45+s28+$0x0], $0xffff  }
0x12b: {  	v32 =	vmul.f32 v32, v59;
	v33 =	vsub.f32 v47, v33;
	v34 =	vmul.f32 v51, v42;
	v51 =	vld.idx.msk [tilespmem:v44+s28+$0x0], $0xffff  }
0x12c: {  	v23 =	vmul.f32 v35, v23;
	v55 =	vsub.f32 v46, v55;
	v53 =	vmul.f32 v53, v43;
	v57 =	vld.idx.msk [tilespmem:v45+s29+$0x0], $0xffff  }
0x12d: {  	v33 =	vmul.f32 v33, v50;
	v34 =	vsub.f32 v47, v34;
	v35 =	vmul.f32 v58, v42;
	v50 =	vld.idx.msk [tilespmem:v44+s29+$0x0], $0xffff  }
0x12e: {  	v22 =	vmul.f32 v36, v22;
	v53 =	vsub.f32 v46, v53;
	v58 =	vmul.f32 v60, v43;
	v59 =	vld.idx.msk [tilespmem:v45+s30+$0x0], $0xffff  }
0x12f: {  	v34 =	vmul.f32 v34, v55;
	v35 =	vsub.f32 v47, v35;
	v36 =	vmul.f32 v49, v42;
	v49 =	vld.idx.msk [tilespmem:v44+s30+$0x0], $0xffff  }
0x130: {  	v20 =	vmul.f32 v37, v20;
	v55 =	vsub.f32 v46, v58;
	v56 =	vmul.f32 v56, v43;
	v58 =	vld.idx.msk [tilespmem:v45+s31+$0x0], $0xffff  }
0x131: {  	v35 =	vmul.f32 v35, v53;
	v36 =	vsub.f32 v47, v36;
	v37 =	vmul.f32 v51, v42;
	v51 =	vld.idx.msk [tilespmem:v44+s31+$0x0], $0xffff  }
0x132: {  	v19 =	vmul.f32 v52, v19;
	v53 =	vsub.f32 v46, v56;
	v56 =	vmul.f32 v57, v43;
	v57 =	vld.idx.msk [tilespmem:v45+s0+$0x0], $0xffff  }
0x133: {  	v36 =	vmul.f32 v36, v55;
	v37 =	vsub.f32 v47, v37;
	v50 =	vmul.f32 v50, v42;
	v52 =	vld.idx.msk [tilespmem:v44+s0+$0x0], $0xffff  }
0x134: {  	v18 =	vmul.f32 v54, v18;
	v55 =	vsub.f32 v46, v56;
	v56 =	vmul.f32 v59, v43;
	v59 =	vld.idx.msk [tilespmem:v45+s2+$0x0], $0xffff  }
0x135: {  	v37 =	vmul.f32 v37, v53;
	v50 =	vsub.f32 v47, v50;
	v49 =	vmul.f32 v49, v42;
	v53 =	vld.idx.msk [tilespmem:v44+s2+$0x0], $0xffff  }
0x136: {  	v17 =	vmul.f32 v38, v17;
	v54 =	vsub.f32 v46, v56;
	v56 =	vmul.f32 v58, v43;
	v45 =	vld.idx.msk [tilespmem:v45+s3+$0x0], $0xffff  }
0x137: {  	v38 =	vmul.f32 v50, v55;
	v49 =	vsub.f32 v47, v49;
	v50 =	vmul.f32 v51, v42;
	v44 =	vld.idx.msk [tilespmem:v44+s3+$0x0], $0xffff  }
0x138: {  	v16 =	vmul.f32 v39, v16;
	v55 =	vsub.f32 v46, v56;
	v56 =	vmul.f32 v57, v43;
	v51 =	vld.idx.msk [tilespmem:v21+s19+$0x0], $0xffff  }
0x139: {  	v39 =	vmul.f32 v49, v54;
	v49 =	vsub.f32 v47, v50;
	v50 =	vmul.f32 v52, v42;
	v57 =	vld.idx.msk [tilespmem:v21+s20+$0x0], $0xffff  }
0x13a: {  	v14 =	vmul.f32 v40, v14;
	v54 =	vsub.f32 v46, v56;
	v56 =	vmul.f32 v59, v43;
	v52 =	vld.idx.msk [tilespmem:v21+s21+$0x0], $0xffff  }
0x13b: {  	v40 =	vmul.f32 v49, v55;
	v49 =	vsub.f32 v47, v50;
	v50 =	vmul.f32 v53, v42;
	v58 =	vld.idx.msk [tilespmem:v21+s22+$0x0], $0xffff  }
0x13c: {  	v12 =	vmul.f32 v41, v12;
	v55 =	vsub.f32 v46, v56;
	v43 =	vmul.f32 v45, v43;
	v53 =	vld.idx.msk [tilespmem:v21+s23+$0x0], $0xffff  }
0x13d: {  	v41 =	vmul.f32 v49, v54;
	v45 =	vsub.f32 v47, v50;
	v42 =	vmul.f32 v44, v42;
	v56 =	vld.idx.msk [tilespmem:v21+s24+$0x0], $0xffff  }
0x13e: {  	v44 =	vmul.f32 v51, v15;
	v49 =	vsub.f32 v46, v43;
	v54 =	vld.idx.msk [tilespmem:v21+s25+$0x0], $0xffff  }
0x13f: {  	v50 =	vmul.f32 v57, v15;
	v46 =	vmul.f32 v45, v55;
	v42 =	vsub.f32 v47, v42;
	v43 =	vld.idx.msk [tilespmem:v21+s26+$0x0], $0xffff  }
.Ltmp1:
0x140: {  	v44 =	vsub.f32 v25, v44;
	v51 =	vmul.f32 v52, v15;
	v45 =	vld.idx.msk [tilespmem:v21+s28+$0x0], $0xffff;
	(pc) =	sbr.rel @p0 .LBB2_4-.Ltmp1, $4  }
0x141: {  	v50 =	vsub.f32 v25, v50;
	v55 =	vmul.f32 v58, v15;
	v47 =	vmul.f32 v42, v49;
	v52 =	vld.idx.msk [tilespmem:v21+s29+$0x0], $0xffff  }
0x142: {  	v48 =	vmul.f32 v44, v48;
	v49 =	vsub.f32 v25, v51;
	v42 =	vmul.f32 v53, v15;
	v53 =	vld.idx.msk [tilespmem:v21+s30+$0x0], $0xffff  }
0x143: {  	v57 =	vadd.s32 s18, v0;
	v51 =	vsub.f32 v25, v55;
	v44 =	vmul.f32 v56, v15;
	v55 =	vld.idx.msk [tilespmem:v21+s31+$0x0], $0xffff  }
0x144: {  	s18 =	sadd.s32 $0x30, s18;
	v57 =	vand.u32 $0xFFF8, v57;
	v58 =	vadd.s32 s17, v3;
	v54 =	vmul.f32 v54, v15;
	v56 =	vld.idx.msk [tilespmem:v21+s0+$0x0], $0xffff  }
0x145: {  	_ =	sdelay $0x3  }
0x146: {  	v57 =	vor.u32 v2, v57;
	v58 =	vand.u32 $0xFFF8, v58;
	v60 =	vld.idx.msk [tilespmem:v21+s2+$0x0], $0xffff  }
0x147: {  	v59 =	vadd.s32 s17, v5;
	v61 =	vmul.f32 v43, v15;
	v62 =	vld.idx.msk [tilespmem:v21+s3+$0x0], $0xffff;
	v21 =	vmul.f32 v45, v15  }
0x148: {  	v45 =	vsub.f32 v25, v42;
	v44 =	vsub.f32 v25, v44;
	v50 =	vmul.f32 v50, v30  }
0x149: {  	v49 =	vmul.f32 v49, v31;
	v32 =	vmul.f32 v51, v32;
	v58 =	vor.u32 v4, v58  }
0x14a: {  	v59 =	vand.u32 $0xFFF8, v59;
	v52 =	vmul.f32 v52, v15;
	v54 =	vsub.f32 v25, v54  }
0x14b: {  	v59 =	vor.u32 v6, v59;
	v53 =	vmul.f32 v53, v15;
	v61 =	vsub.f32 v25, v61;
	v42 =	vld.idx.msk [tilespmem:v57+s11+$0x0], $0xffff  }
0x14c: {  	v63 =	vsub.f32 v25, v21;
	v33 =	vmul.f32 v45, v33;
	v34 =	vmul.f32 v44, v34  }
0x14d: {  	v49 =	vsub.f32 $1.000000000e+00, v49;
	v55 =	vmul.f32 v55, v15;
	v52 =	vsub.f32 v25, v52  }
0x14e: {  	v35 =	vmul.f32 v54, v35;
	v56 =	vmul.f32 v56, v15;
	v53 =	vsub.f32 v25, v53;
	v43 =	vld.idx.msk [tilespmem:v58+s11+$0x0], $0xffff  }
0x14f: {  	v36 =	vmul.f32 v61, v36;
	v37 =	vmul.f32 v63, v37;
	v34 =	vsub.f32 $1.000000000e+00, v34;
	v31 =	vld.idx.msk [tilespmem:v58+s12+$0x0], $0xffff  }
0x150: {  	v55 =	vsub.f32 v25, v55;
	v30 =	vmul.f32 v60, v15;
	v60 =	vmul.f32 v62, v15;
	v21 =	vld.idx.msk [tilespmem:v59+s11+$0x0], $0xffff  }
0x151: {  	v38 =	vmul.f32 v52, v38;
	v52 =	vsub.f32 $1.000000000e+00, v32;
	v35 =	vsub.f32 $1.000000000e+00, v35;
	v15 =	vld.idx.msk [tilespmem:v59+s12+$0x0], $0xffff  }
0x152: {  	v28 =	vmul.f32 v49, v28;
	v56 =	vsub.f32 v25, v56;
	v51 =	vsub.f32 v25, v30;
	v30 =	vld.idx.msk [tilespmem:v57+s12+$0x0], $0xffff  }
0x153: {  	v58 =	vsub.f32 $1.000000000e+00, v50;
	v39 =	vmul.f32 v53, v39;
	v36 =	vsub.f32 $1.000000000e+00, v36;
	v62 =	vld.idx.msk [tilespmem:v42+s4+$0x0], $0xffff  }
0x154: {  	v37 =	vsub.f32 $1.000000000e+00, v37;
	v24 =	vmul.f32 v34, v24;
	v25 =	vsub.f32 v25, v60;
	v53 =	vld.idx.msk [tilespmem:v42+s19+$0x0], $0xffff  }
0x155: {  	v57 =	vsub.f32 $1.000000000e+00, v48;
	v40 =	vmul.f32 v55, v40;
	v27 =	vmul.f32 v52, v27;
	v45 =	vld.idx.msk [tilespmem:v42+s20+$0x0], $0xffff  }
0x156: {  	v38 =	vsub.f32 $1.000000000e+00, v38;
	v23 =	vmul.f32 v35, v23;
	v59 =	vmul.f32 v56, v41;
	v55 =	vld.idx.msk [tilespmem:v42+s21+$0x0], $0xffff  }
0x157: {  	v39 =	vsub.f32 $1.000000000e+00, v39;
	v22 =	vmul.f32 v36, v22;
	v20 =	vmul.f32 v37, v20;
	v49 =	vld.idx.msk [tilespmem:v42+s23+$0x0], $0xffff  }
0x158: {  	v60 =	vmul.f32 v51, v46;
	v46 =	vsub.f32 $1.000000000e+00, v33;
	v61 =	vmul.f32 v25, v47;
	v52 =	vld.idx.msk [tilespmem:v42+s24+$0x0], $0xffff  }
0x159: {  	v13 =	vmul.f32 v57, v13;
	v25 =	vmul.f32 v58, v29;
	v40 =	vsub.f32 $1.000000000e+00, v40;
	v34 =	vld.idx.msk [tilespmem:v42+s29+$0x0], $0xffff  }
0x15a: {  	v19 =	vmul.f32 v38, v19;
	v56 =	vsub.f32 $1.000000000e+00, v59;
	v18 =	vmul.f32 v39, v18;
	v35 =	vld.idx.msk [tilespmem:v42+s30+$0x0], $0xffff  }
0x15b: {  	v54 =	vmul.f32 $5.000000000e-01, v31;
	v41 =	vsub.f32 $1.000000000e+00, v60;
	v26 =	vmul.f32 v46, v26;
	v36 =	vld.idx.msk [tilespmem:v42+s31+$0x0], $0xffff  }
0x15c: {  	v59 =	vsub.f32 $1.000000000e+00, v61;
	v17 =	vmul.f32 v40, v17;
	v29 =	vmul.f32 $5.000000000e-01, v30;
	v37 =	vld.idx.msk [tilespmem:v42+s0+$0x0], $0xffff  }
0x15d: {  	v57 =	vmul.f32 $5.000000000e-01, v15;
	v16 =	vmul.f32 v56, v16;
	v38 =	vld.idx.msk [tilespmem:v42+s2+$0x0], $0xffff  }
0x15e: {  	v14 =	vmul.f32 v41, v14;
	v12 =	vmul.f32 v59, v12;
	v50 =	vld.idx.msk [tilespmem:v43+s4+$0x0], $0xffff  }
0x15f: {  	v44 =	vld.idx.msk [tilespmem:v43+s19+$0x0], $0xffff;
	v48 =	vmul.f32 v62, v30;
	v53 =	vmul.f32 v53, v30  }
0x160: {  	v47 =	vld.idx.msk [tilespmem:v43+s20+$0x0], $0xffff;
	v45 =	vmul.f32 v45, v30;
	v46 =	vmul.f32 v55, v30  }
0x161: {  	v33 =	vadd.f32 $5.000000000e-01, v54;
	v54 =	vld.idx.msk [tilespmem:v43+s22+$0x0], $0xffff;
	v49 =	vmul.f32 v49, v30;
	v52 =	vmul.f32 v52, v30  }
0x162: {  	v51 =	vld.idx.msk [tilespmem:v21+s4+$0x0], $0xffff;
	v34 =	vmul.f32 v34, v30;
	v35 =	vmul.f32 v35, v30  }
0x163: {  	v32 =	vadd.f32 $5.000000000e-01, v29;
	v40 =	vld.idx.msk [tilespmem:v21+s19+$0x0], $0xffff;
	v36 =	vmul.f32 v36, v30;
	v37 =	vmul.f32 v37, v30  }
0x164: {  	v29 =	vadd.f32 $5.000000000e-01, v57;
	v41 =	vld.idx.msk [tilespmem:v21+s23+$0x0], $0xffff;
	v38 =	vmul.f32 v38, v30;
	v50 =	vmul.f32 v50, v31  }
0x165: {  	v60 =	vld.idx.msk [tilespmem:v42+s22+$0x0], $0xffff;
	v44 =	vmul.f32 v44, v31;
	v47 =	vmul.f32 v47, v31;
	v48 =	vsub.f32 v32, v48  }
0x166: {  	v58 =	vld.idx.msk [tilespmem:v43+s21+$0x0], $0xffff;
	v54 =	vmul.f32 v54, v31;
	v53 =	vsub.f32 v32, v53;
	v45 =	vsub.f32 v32, v45  }
0x167: {  	v57 =	vld.idx.msk [tilespmem:v43+s23+$0x0], $0xffff;
	v51 =	vmul.f32 v51, v15;
	v46 =	vsub.f32 v32, v46;
	v49 =	vsub.f32 v32, v49  }
0x168: {  	v55 =	vld.idx.msk [tilespmem:v42+s25+$0x0], $0xffff;
	v52 =	vsub.f32 v32, v52;
	v40 =	vmul.f32 v40, v15;
	v50 =	vsub.f32 v33, v50  }
0x169: {  	v41 =	vmul.f32 v41, v15;
	v44 =	vsub.f32 v33, v44;
	v62 =	vsub.f32 v29, v51;
	v51 =	vld.idx.msk [tilespmem:v43+s24+$0x0], $0xffff  }
0x16a: {  	v47 =	vsub.f32 v33, v47;
	v63 =	vsub.f32 v33, v54;
	v54 =	vld.idx.msk [tilespmem:v43+s29+$0x0], $0xffff;
	v48 =	vmul.f32 v50, v48  }
0x16b: {  	v34 =	vsub.f32 v32, v34;
	v44 =	vmul.f32 v44, v53;
	v53 =	vmul.f32 v60, v30;
	v60 =	vld.idx.msk [tilespmem:v42+s26+$0x0], $0xffff  }
0x16c: {  	v35 =	vsub.f32 v32, v35;
	v50 =	vmul.f32 v58, v31;
	v58 =	vld.idx.msk [tilespmem:v43+s25+$0x0], $0xffff;
	v45 =	vmul.f32 v47, v45  }
0x16d: {  	v61 =	vld.idx.msk [tilespmem:v43+s26+$0x0], $0xffff;
	v48 =	vmul.f32 v62, v48;
	v47 =	vsub.f32 v32, v53;
	v62 =	vmul.f32 v57, v31  }
0x16e: {  	v55 =	vmul.f32 v55, v30;
	v50 =	vsub.f32 v33, v50;
	v53 =	vld.idx.msk [tilespmem:v42+s28+$0x0], $0xffff;
	v51 =	vmul.f32 v51, v31  }
0x16f: {  	v57 =	vld.idx.msk [tilespmem:v43+s28+$0x0], $0xffff;
	v54 =	vmul.f32 v54, v31;
	v47 =	vmul.f32 v63, v47;
	v63 =	vsub.f32 v33, v62  }
0x170: {  	v39 =	vld.idx.msk [tilespmem:v42+s3+$0x0], $0xffff;
	v46 =	vmul.f32 v50, v46;
	v60 =	vmul.f32 v60, v30;
	v50 =	vsub.f32 v33, v51  }
0x171: {  	v36 =	vsub.f32 v32, v36;
	v49 =	vmul.f32 v63, v49;
	v51 =	vmul.f32 v58, v31;
	v58 =	vld.idx.msk [tilespmem:v43+s30+$0x0], $0xffff  }
0x172: {  	v56 =	vld.idx.msk [tilespmem:v21+s21+$0x0], $0xffff;
	v55 =	vsub.f32 v32, v55;
	v50 =	vmul.f32 v50, v52;
	v52 =	vmul.f32 v61, v31  }
0x173: {  	v63 =	vsub.f32 v33, v54;
	v53 =	vmul.f32 v53, v30;
	v51 =	vsub.f32 v33, v51;
	v61 =	vld.idx.msk [tilespmem:v43+s31+$0x0], $0xffff  }
0x174: {  	v60 =	vsub.f32 v32, v60;
	v62 =	vmul.f32 v57, v31;
	v57 =	vld.idx.msk [tilespmem:v43+s0+$0x0], $0xffff;
	v52 =	vsub.f32 v33, v52  }
0x175: {  	v30 =	vmul.f32 v39, v30;
	v39 =	vld.idx.msk [tilespmem:v21+s25+$0x0], $0xffff;
	v53 =	vsub.f32 v32, v53;
	v51 =	vmul.f32 v51, v55  }
0x176: {  	v55 =	vsub.f32 v33, v62;
	v62 =	vmul.f32 v58, v31;
	v52 =	vmul.f32 v52, v60;
	v60 =	vld.idx.msk [tilespmem:v43+s2+$0x0], $0xffff  }
0x177: {  	v41 =	vsub.f32 v29, v41;
	v48 =	vsub.f32 $1.000000000e+00, v48;
	v34 =	vmul.f32 v63, v34;
	v43 =	vld.idx.msk [tilespmem:v43+s3+$0x0], $0xffff  }
0x178: {  	v42 =	vmul.f32 v55, v53;
	v55 =	vld.idx.msk [tilespmem:v21+s20+$0x0], $0xffff;
	v63 =	vsub.f32 v33, v62;
	v62 =	vmul.f32 v61, v31  }
0x179: {  	v37 =	vsub.f32 v32, v37;
	v11 =	vmul.f32 v48, v11;
	v53 =	vld.idx.msk [tilespmem:v21+s28+$0x0], $0xffff;
	v61 =	vmul.f32 v57, v31  }
0x17a: {  	v41 =	vmul.f32 v41, v49;
	v57 =	vld.idx.msk [tilespmem:v21+s22+$0x0], $0xffff;
	v35 =	vmul.f32 v63, v35;
	v63 =	vsub.f32 v33, v62  }
0x17b: {  	v39 =	vmul.f32 v39, v15;
	v62 =	vsub.f32 v33, v61;
	v61 =	vsub.f32 v29, v40;
	v40 =	vld.idx.msk [tilespmem:v21+s29+$0x0], $0xffff  }
0x17c: {  	v38 =	vsub.f32 v32, v38;
	v36 =	vmul.f32 v63, v36;
	v63 =	vmul.f32 v60, v31  }
0x17d: {  	v30 =	vsub.f32 v32, v30;
	v58 =	vld.idx.msk [tilespmem:v21+s24+$0x0], $0xffff;
	v31 =	vmul.f32 v43, v31;
	v37 =	vmul.f32 v62, v37  }
0x17e: {  	v39 =	vsub.f32 v29, v39;
	v43 =	vld.idx.msk [tilespmem:v21+s26+$0x0], $0xffff;
	v60 =	vmul.f32 v55, v15;
	v62 =	vmul.f32 v56, v15  }
0x17f: {  	v56 =	vld.idx.msk [tilespmem:v21+s30+$0x0], $0xffff;
	v53 =	vmul.f32 v53, v15;
	v54 =	vsub.f32 v33, v63;
	v31 =	vsub.f32 v33, v31  }
0x180: {  	v63 =	vmul.f32 v57, v15;
	v32 =	vsub.f32 v29, v60;
	v33 =	vld.idx.msk [tilespmem:v21+s31+$0x0], $0xffff;
	v40 =	vmul.f32 v40, v15  }
0x181: {  	v60 =	vsub.f32 v29, v62;
	v62 =	vld.idx.msk [tilespmem:v21+s0+$0x0], $0xffff;
	v38 =	vmul.f32 v54, v38;
	v30 =	vmul.f32 v31, v30  }
0x182: {  	v31 =	vmul.f32 v61, v44;
	v61 =	vmul.f32 v58, v15;
	v55 =	vsub.f32 v29, v63;
	v63 =	vld.idx.msk [tilespmem:v21+s2+$0x0], $0xffff  }
0x183: {  	v53 =	vsub.f32 v29, v53;
	v21 =	vld.idx.msk [tilespmem:v21+s3+$0x0], $0xffff;
	v32 =	vmul.f32 v32, v45;
	v43 =	vmul.f32 v43, v15  }
0x184: {  	v56 =	vmul.f32 v56, v15;
	v40 =	vsub.f32 v29, v40;
	v54 =	vsub.f32 v29, v61  }
0x185: {  	v31 =	vsub.f32 $1.000000000e+00, v31;
	v32 =	vsub.f32 $1.000000000e+00, v32;
	v33 =	vmul.f32 v33, v15  }
0x186: {  	v43 =	vsub.f32 v29, v43;
	v57 =	vmul.f32 v62, v15;
	v62 =	vmul.f32 v54, v50  }
0x187: {  	v56 =	vsub.f32 v29, v56;
	v13 =	vmul.f32 v31, v13;
	v25 =	vmul.f32 v32, v25  }
0x188: {  	v33 =	vsub.f32 v29, v33;
	v58 =	vmul.f32 v63, v15;
	v15 =	vmul.f32 v21, v15  }
0x189: {  	v59 =	vsub.f32 v29, v57;
	v21 =	vmul.f32 v60, v46;
	v60 =	vmul.f32 v55, v47  }
0x18a: {  	v63 =	vmul.f32 v43, v52;
	v43 =	vsub.f32 $1.000000000e+00, v41;
	[tilespmem:$0x1B5A0] =	vst v13;
	v13 =	vmul.f32 v53, v42  }
0x18b: {  	[tilespmem:$0x1B5B0] =	vst v25;
	v25 =	vmul.f32 v40, v34;
	v61 =	vsub.f32 v29, v58;
	v21 =	vsub.f32 $1.000000000e+00, v21  }
0x18c: {  	v15 =	vsub.f32 v29, v15;
	v31 =	vsub.f32 $1.000000000e+00, v60;
	v26 =	vmul.f32 v43, v26  }
0x18d: {  	[tilespmem:$0x1B690] =	vst v11;
	v29 =	vmul.f32 v39, v51;
	v13 =	vsub.f32 $1.000000000e+00, v13;
	v21 =	vmul.f32 v21, v28  }
0x18e: {  	v25 =	vsub.f32 $1.000000000e+00, v25;
	v27 =	vmul.f32 v31, v27;
	[tilespmem:$0x1B5E0] =	vst v26;
	v26 =	vmul.f32 v59, v37  }
0x18f: {  	v28 =	vsub.f32 $1.000000000e+00, v62;
	v15 =	vmul.f32 v15, v30;
	v13 =	vmul.f32 v13, v20;
	[tilespmem:$0x1B5C0] =	vst v21  }
0x190: {  	v29 =	vsub.f32 $1.000000000e+00, v29;
	v19 =	vmul.f32 v25, v19;
	[tilespmem:$0x1B5D0] =	vst v27;
	v27 =	vmul.f32 v33, v36  }
0x191: {  	v31 =	vsub.f32 $1.000000000e+00, v63;
	v21 =	vmul.f32 v56, v35;
	v24 =	vmul.f32 v28, v24;
	[tilespmem:$0x1B620] =	vst v13  }
0x192: {  	v23 =	vmul.f32 v29, v23;
	v13 =	vsub.f32 $1.000000000e+00, v15;
	[tilespmem:$0x1B630] =	vst v19;
	v20 =	vsub.f32 $1.000000000e+00, v27  }
0x193: {  	s20 =	simm.s32 $0x0;
	v22 =	vmul.f32 v31, v22;
	[tilespmem:$0x1B5F0] =	vst v24;
	v24 =	vmul.f32 v61, v38;
	v21 =	vsub.f32 $1.000000000e+00, v21  }
0x194: {  	[tilespmem:$0x1B600] =	vst v23;
	v12 =	vmul.f32 v13, v12;
	v15 =	vmul.f32 v20, v17;
	v17 =	vadd.s32 s20, v0  }
0x195: {  	[tilespmem:$0x1B610] =	vst v22;
	v22 =	vsub.f32 $1.000000000e+00, v26;
	v18 =	vmul.f32 v21, v18;
	v17 =	vand.u32 $0xFFF8, v17  }
0x196: {  	v23 =	vsub.f32 $1.000000000e+00, v24;
	[tilespmem:$0x1B680] =	vst v12;
	v17 =	vor.u32 v2, v17  }
0x197: {  	v16 =	vmul.f32 v22, v16;
	[tilespmem:$0x1B640] =	vst v18;
	v18 =	vadd.s32 s20, v3  }
0x198: {  	v14 =	vmul.f32 v23, v14;
	[tilespmem:$0x1B650] =	vst v15;
	v15 =	vand.u32 $0xFFF8, v18  }
0x199: {  	[tilespmem:$0x1B660] =	vst v16;
	v13 =	vor.u32 v4, v15;
	v15 =	vadd.s32 s20, v5  }
0x19a: {  	[tilespmem:$0x1B670] =	vst v14;
	v14 =	vand.u32 $0xFFF8, v15  }
0x19b: {  	v12 =	vor.u32 v6, v14;
	v16 =	vld.idx.msk [tilespmem:v17+s11+$0x0], $0xffff;
	_ =	sdelay $0x2  }
0x19c: {  	v18 =	vld.idx.msk [tilespmem:v13+s11+$0x0], $0xffff  }
0x19d: {  	v13 =	vld.idx.msk [tilespmem:v13+s12+$0x0], $0xffff  }
0x19e: {  	v22 =	vld.idx.msk [tilespmem:v12+s11+$0x0], $0xffff  }
0x19f: {  	v15 =	vld.idx.msk [tilespmem:v12+s12+$0x0], $0xffff  }
0x1a0: {  	v12 =	vld.idx.msk [tilespmem:v17+s12+$0x0], $0xffff  }
0x1a1: {  	s0 =	simm.s32 $0x7D20;
	v11 =	vld.idx.msk [tilespmem:v16+s16+$0x0], $0xffff  }
0x1a2: {  	s2 =	simm.s32 $0x84F0;
	v17 =	vld.idx.msk [tilespmem:v16+s0+$0x0], $0xffff  }
0x1a3: {  	s3 =	simm.s32 $0x8CC0;
	v21 =	vld.idx.msk [tilespmem:v16+s2+$0x0], $0xffff  }
0x1a4: {  	s4 =	simm.s32 $0x9490;
	v26 =	vld.idx.msk [tilespmem:v16+s3+$0x0], $0xffff  }
0x1a5: {  	s20 =	simm.s32 $0x9C60;
	v29 =	vld.idx.msk [tilespmem:v16+s4+$0x0], $0xffff  }
0x1a6: {  	v44 =	vld.idx.msk [tilespmem:v16+s20+$0x0], $0xffff  }
0x1a7: {  	v14 =	vld.idx.msk [tilespmem:v18+s16+$0x0], $0xffff  }
0x1a8: {  	v25 =	vmul.f32 $5.000000000e-01, v13;
	v20 =	vld.idx.msk [tilespmem:v18+s0+$0x0], $0xffff  }
0x1a9: {  	v23 =	vmul.f32 $5.000000000e-01, v12;
	v19 =	vld.idx.msk [tilespmem:v22+s16+$0x0], $0xffff  }
0x1aa: {  	v28 =	vadd.f32 $5.000000000e-01, v25;
	v25 =	vmul.f32 $5.000000000e-01, v15;
	v24 =	vld.idx.msk [tilespmem:v18+s2+$0x0], $0xffff  }
0x1ab: {  	v48 =	vld.idx.msk [tilespmem:v16+s6+$0x0], $0xffff;
	v23 =	vadd.f32 $5.000000000e-01, v23;
	v11 =	vmul.f32 v11, v12  }
0x1ac: {  	v51 =	vld.idx.msk [tilespmem:v16+s14+$0x0], $0xffff;
	v25 =	vadd.f32 $5.000000000e-01, v25;
	v17 =	vmul.f32 v17, v12;
	v14 =	vmul.f32 v14, v13  }
0x1ad: {  	v46 =	vld.idx.msk [tilespmem:v16+s5+$0x0], $0xffff;
	v21 =	vmul.f32 v21, v12;
	v26 =	vmul.f32 v26, v12;
	v11 =	vsub.f32 v23, v11  }
0x1ae: {  	v27 =	vld.idx.msk [tilespmem:v18+s3+$0x0], $0xffff;
	v20 =	vmul.f32 v20, v13;
	v14 =	vsub.f32 v28, v14;
	v19 =	vmul.f32 v19, v15  }
0x1af: {  	v31 =	vld.idx.msk [tilespmem:v18+s4+$0x0], $0xffff;
	v32 =	vmul.f32 v44, v12;
	v17 =	vsub.f32 v23, v17;
	v24 =	vmul.f32 v24, v13  }
0x1b0: {  	v45 =	vld.idx.msk [tilespmem:v18+s20+$0x0], $0xffff;
	v20 =	vsub.f32 v28, v20;
	v11 =	vmul.f32 v14, v11;
	v19 =	vsub.f32 v25, v19  }
0x1b1: {  	v52 =	vld.idx.msk [tilespmem:v18+s14+$0x0], $0xffff;
	v53 =	vmul.f32 v48, v12;
	v56 =	vmul.f32 v51, v12;
	v21 =	vsub.f32 v23, v21  }
0x1b2: {  	v49 =	vld.idx.msk [tilespmem:v16+s8+$0x0], $0xffff;
	v17 =	vmul.f32 v20, v17;
	v11 =	vmul.f32 v19, v11;
	v19 =	vsub.f32 v28, v24  }
0x1b3: {  	v47 =	vld.idx.msk [tilespmem:v18+s5+$0x0], $0xffff;
	v24 =	vmul.f32 v27, v13;
	v27 =	vmul.f32 v29, v12  }
0x1b4: {  	v20 =	vld.idx.msk [tilespmem:v18+s6+$0x0], $0xffff;
	v30 =	vmul.f32 v19, v21;
	v19 =	vmul.f32 v31, v13  }
0x1b5: {  	v26 =	vsub.f32 v23, v26;
	v33 =	vmul.f32 v45, v13;
	v29 =	vld.idx.msk [tilespmem:v16+s7+$0x0], $0xffff;
	v24 =	vsub.f32 v28, v24  }
0x1b6: {  	v57 =	vmul.f32 v52, v13;
	v21 =	vld.idx.msk [tilespmem:v18+s7+$0x0], $0xffff;
	v27 =	vsub.f32 v23, v27;
	v19 =	vsub.f32 v28, v19  }
0x1b7: {  	v54 =	vld.idx.msk [tilespmem:v16+s1+$0x0], $0xffff;
	v31 =	vmul.f32 v24, v26;
	v24 =	vsub.f32 v23, v32;
	v26 =	vmul.f32 v46, v12  }
0x1b8: {  	v50 =	vld.idx.msk [tilespmem:v18+s8+$0x0], $0xffff;
	v32 =	vmul.f32 v19, v27;
	v19 =	vsub.f32 v28, v33;
	v27 =	vmul.f32 v47, v13  }
0x1b9: {  	v58 =	vld.idx.msk [tilespmem:v18+s13+$0x0], $0xffff;
	v59 =	vsub.f32 v23, v56;
	v20 =	vmul.f32 v20, v13;
	v26 =	vsub.f32 v23, v26  }
0x1ba: {  	v55 =	vld.idx.msk [tilespmem:v16+s9+$0x0], $0xffff;
	v33 =	vmul.f32 v19, v24;
	v19 =	vsub.f32 v28, v27;
	v24 =	vmul.f32 v29, v12  }
0x1bb: {  	v20 =	vsub.f32 v28, v20;
	v21 =	vmul.f32 v21, v13;
	v27 =	vld.idx.msk [tilespmem:v18+s1+$0x0], $0xffff;
	v29 =	vsub.f32 v23, v53  }
0x1bc: {  	v34 =	vmul.f32 v19, v26;
	v19 =	vsub.f32 v23, v24;
	v24 =	vmul.f32 v49, v12;
	v26 =	vld.idx.msk [tilespmem:v18+s9+$0x0], $0xffff  }
0x1bd: {  	v35 =	vmul.f32 v20, v29;
	v20 =	vsub.f32 v28, v21;
	v21 =	vmul.f32 v50, v13;
	v29 =	vld.idx.msk [tilespmem:v16+s13+$0x0], $0xffff  }
0x1be: {  	v61 =	vmul.f32 v58, v13;
	v38 =	vsub.f32 v28, v57;
	v24 =	vsub.f32 v23, v24  }
0x1bf: {  	v36 =	vmul.f32 v20, v19;
	v19 =	vsub.f32 v28, v21;
	v20 =	vmul.f32 v54, v12;
	v21 =	vld.idx.msk [tilespmem:v16+s10+$0x0], $0xffff  }
0x1c0: {  	v14 =	vimm.f32 $1.000000000e+00;
	v11 =	vsub.f32 $1.000000000e+00, v11;
	v16 =	vld.idx.msk [tilespmem:v16+s15+$0x0], $0xffff;
	v27 =	vmul.f32 v27, v13  }
0x1c1: {  	v60 =	vld.idx.msk [tilespmem:v18+s10+$0x0], $0xffff;
	v37 =	vmul.f32 v19, v24;
	v19 =	vsub.f32 v23, v20;
	v20 =	vmul.f32 v55, v12  }
0x1c2: {  	v18 =	vld.idx.msk [tilespmem:v18+s15+$0x0], $0xffff;
	v24 =	vsub.f32 v28, v27;
	v26 =	vmul.f32 v26, v13;
	v29 =	vmul.f32 v29, v12  }
0x1c3: {  	v62 =	vld.idx.msk [tilespmem:v22+s2+$0x0], $0xffff;
	v38 =	vmul.f32 v38, v59;
	v11 =	vmul.f32 v11, v14;
	v20 =	vsub.f32 v23, v20  }
0x1c4: {  	v27 =	vld.idx.msk [tilespmem:v22+s0+$0x0], $0xffff;
	v39 =	vmul.f32 v24, v19;
	v19 =	vsub.f32 v28, v26;
	v26 =	vsub.f32 v23, v29  }
0x1c5: {  	s17 =	simm.s32 $0x30;
	v21 =	vmul.f32 v21, v12;
	v29 =	vsub.f32 v28, v61;
	v12 =	vmul.f32 v16, v12  }
0x1c6: {  	v58 =	vadd.s32 s17, v3;
	v24 =	vld.idx.msk [tilespmem:v22+s3+$0x0], $0xffff;
	v40 =	vmul.f32 v19, v20;
	v19 =	vmul.f32 v60, v13  }
0x1c7: {  	v16 =	vld.idx.msk [tilespmem:v22+s20+$0x0], $0xffff;
	v41 =	vmul.f32 v29, v26;
	v20 =	vsub.f32 v23, v21;
	v13 =	vmul.f32 v18, v13  }
0x1c8: {  	v63 =	vld.idx.msk [tilespmem:v22+s4+$0x0], $0xffff;
	v12 =	vsub.f32 v23, v12;
	v23 =	vmul.f32 v62, v15;
	v29 =	vimm.f32 $1.000000000e+00  }
0x1c9: {  	v18 =	vmul.f32 v27, v15;
	v27 =	vimm.f32 $1.000000000e+00;
	v19 =	vsub.f32 v28, v19  }
0x1ca: {  	v21 =	vld.idx.msk [tilespmem:v22+s5+$0x0], $0xffff;
	v13 =	vsub.f32 v28, v13;
	v42 =	vsub.f32 v25, v23;
	v28 =	vimm.f32 $1.000000000e+00  }
0x1cb: {  	v26 =	vld.idx.msk [tilespmem:v22+s6+$0x0], $0xffff;
	v23 =	vimm.f32 $1.000000000e+00;
	v18 =	vsub.f32 v25, v18;
	v24 =	vmul.f32 v24, v15  }
0x1cc: {  	v45 =	vmul.f32 v16, v15;
	v16 =	vimm.f32 $1.000000000e+00;
	v46 =	vmul.f32 v19, v20  }
0x1cd: {  	v44 =	vld.idx.msk [tilespmem:v22+s7+$0x0], $0xffff;
	v19 =	vmul.f32 v63, v15;
	v47 =	vmul.f32 v13, v12;
	v12 =	vadd.s32 s17, v0  }
0x1ce: {  	v52 =	vld.idx.msk [tilespmem:v22+s14+$0x0], $0xffff;
	v20 =	vimm.f32 $1.000000000e+00;
	v13 =	vimm.f32 $1.000000000e+00;
	v48 =	vmul.f32 v18, v17  }
0x1cf: {  	v53 =	vld.idx.msk [tilespmem:v22+s8+$0x0], $0xffff;
	v49 =	vsub.f32 v25, v24;
	v51 =	vmul.f32 v21, v15;
	v43 =	vand.u32 $0xFFF8, v12  }
0x1d0: {  	v56 =	vld.idx.msk [tilespmem:v22+s9+$0x0], $0xffff;
	v55 =	vmul.f32 v26, v15;
	v26 =	vimm.f32 $1.000000000e+00;
	v24 =	vimm.f32 $1.000000000e+00  }
0x1d1: {  	v54 =	vld.idx.msk [tilespmem:v22+s1+$0x0], $0xffff;
	v21 =	vimm.f32 $1.000000000e+00;
	v18 =	vimm.f32 $1.000000000e+00;
	v17 =	vimm.f32 $1.000000000e+00  }
0x1d2: {  	s18 =	simm.s32 $0x60;
	s19 =	simm.s32 $0x3;
	v57 =	vld.idx.msk [tilespmem:v22+s13+$0x0], $0xffff;
	v12 =	vimm.f32 $1.000000000e+00;
	v50 =	vsub.f32 v25, v19;
	v19 =	vimm.f32 $1.000000000e+00  }
.LBB2_6:
0x1d3: {  	p0 =	sne.s32 s18, $0x5D90;
	v43 =	vor.u32 v2, v43;
	v58 =	vand.u32 $0xFFF8, v58;
	v44 =	vmul.f32 v44, v15;
	v59 =	vld.idx.msk [tilespmem:v22+s10+$0x0], $0xffff  }
0x1d4: {  	v60 =	vadd.s32 s17, v5;
	v53 =	vmul.f32 v53, v15;
	s17 =	smov.u32 s18;
	v58 =	vor.u32 v4, v58;
	v22 =	vld.idx.msk [tilespmem:v22+s15+$0x0], $0xffff  }
0x1d5: {  	v61 =	vsub.f32 v25, v45;
	v60 =	vand.u32 $0xFFF8, v60;
	v52 =	vmul.f32 v52, v15  }
0x1d6: {  	v51 =	vsub.f32 v25, v51;
	v60 =	vor.u32 v6, v60;
	v54 =	vmul.f32 v54, v15  }
0x1d7: {  	v55 =	vsub.f32 v25, v55;
	v62 =	vsub.f32 v25, v44;
	v56 =	vmul.f32 v56, v15  }
0x1d8: {  	v53 =	vsub.f32 v25, v53;
	v52 =	vsub.f32 v25, v52;
	v57 =	vmul.f32 v57, v15;
	v45 =	vld.idx.msk [tilespmem:v43+s11+$0x0], $0xffff  }
0x1d9: {  	v54 =	vsub.f32 v25, v54;
	v56 =	vsub.f32 v25, v56;
	v59 =	vmul.f32 v59, v15;
	v44 =	vld.idx.msk [tilespmem:v58+s11+$0x0], $0xffff  }
0x1da: {  	v30 =	vmul.f32 v42, v30;
	v57 =	vsub.f32 v25, v57;
	v15 =	vmul.f32 v22, v15  }
0x1db: {  	v31 =	vmul.f32 v49, v31;
	v32 =	vmul.f32 v50, v32;
	v49 =	vsub.f32 v25, v59;
	v22 =	vld.idx.msk [tilespmem:v60+s11+$0x0], $0xffff  }
0x1dc: {  	v33 =	vmul.f32 v61, v33;
	v34 =	vmul.f32 v51, v34;
	v25 =	vsub.f32 v25, v15  }
0x1dd: {  	v48 =	vsub.f32 $1.000000000e+00, v48;
	v35 =	vmul.f32 v55, v35;
	v36 =	vmul.f32 v62, v36;
	v15 =	vld.idx.msk [tilespmem:v60+s12+$0x0], $0xffff  }
0x1de: {  	v30 =	vsub.f32 $1.000000000e+00, v30;
	v37 =	vmul.f32 v53, v37;
	v38 =	vmul.f32 v52, v38;
	v43 =	vld.idx.msk [tilespmem:v43+s12+$0x0], $0xffff  }
0x1df: {  	v31 =	vsub.f32 $1.000000000e+00, v31;
	v39 =	vmul.f32 v54, v39;
	v40 =	vmul.f32 v56, v40;
	v42 =	vld.idx.msk [tilespmem:v58+s12+$0x0], $0xffff  }
0x1e0: {  	v32 =	vsub.f32 $1.000000000e+00, v32;
	v41 =	vmul.f32 v57, v41;
	v46 =	vmul.f32 v49, v46;
	v50 =	vld.idx.msk [tilespmem:v45+s16+$0x0], $0xffff  }
0x1e1: {  	v33 =	vsub.f32 $1.000000000e+00, v33;
	v34 =	vsub.f32 $1.000000000e+00, v34;
	v25 =	vmul.f32 v25, v47;
	v49 =	vld.idx.msk [tilespmem:v44+s16+$0x0], $0xffff  }
0x1e2: {  	v14 =	vmul.f32 v48, v14;
	v35 =	vsub.f32 $1.000000000e+00, v35;
	v36 =	vsub.f32 $1.000000000e+00, v36;
	v51 =	vld.idx.msk [tilespmem:v45+s0+$0x0], $0xffff  }
0x1e3: {  	v29 =	vmul.f32 v30, v29;
	v37 =	vsub.f32 $1.000000000e+00, v37;
	v52 =	vsub.f32 $1.000000000e+00, v38;
	v48 =	vld.idx.msk [tilespmem:v22+s16+$0x0], $0xffff  }
0x1e4: {  	v54 =	vsub.f32 $1.000000000e+00, v39;
	v38 =	vsub.f32 $1.000000000e+00, v40;
	v30 =	vmul.f32 $5.000000000e-01, v43;
	v53 =	vld.idx.msk [tilespmem:v44+s0+$0x0], $0xffff  }
0x1e5: {  	v39 =	vsub.f32 $1.000000000e+00, v41;
	v40 =	vsub.f32 $1.000000000e+00, v46;
	v47 =	vmul.f32 $5.000000000e-01, v42;
	v55 =	vld.idx.msk [tilespmem:v45+s2+$0x0], $0xffff  }
0x1e6: {  	v41 =	vsub.f32 $1.000000000e+00, v25;
	v46 =	vadd.f32 $5.000000000e-01, v30;
	v30 =	vmul.f32 $5.000000000e-01, v15;
	v56 =	vld.idx.msk [tilespmem:v44+s2+$0x0], $0xffff  }
0x1e7: {  	v50 =	vmul.f32 v50, v43;
	v47 =	vadd.f32 $5.000000000e-01, v47;
	v49 =	vmul.f32 v49, v42;
	v57 =	vld.idx.msk [tilespmem:v45+s3+$0x0], $0xffff  }
0x1e8: {  	v28 =	vmul.f32 v31, v28;
	v25 =	vadd.f32 $5.000000000e-01, v30;
	v30 =	vmul.f32 v51, v43;
	v51 =	vld.idx.msk [tilespmem:v44+s3+$0x0], $0xffff  }
0x1e9: {  	v50 =	vsub.f32 v46, v50;
	v49 =	vsub.f32 v47, v49;
	v48 =	vmul.f32 v48, v15;
	v31 =	vld.idx.msk [tilespmem:v45+s4+$0x0], $0xffff  }
0x1ea: {  	v27 =	vmul.f32 v32, v27;
	v30 =	vsub.f32 v46, v30;
	v53 =	vmul.f32 v53, v42;
	v58 =	vld.idx.msk [tilespmem:v44+s4+$0x0], $0xffff  }
0x1eb: {  	v32 =	vmul.f32 v55, v43;
	v49 =	vmul.f32 v49, v50;
	v48 =	vsub.f32 v25, v48;
	v55 =	vld.idx.msk [tilespmem:v45+s20+$0x0], $0xffff  }
0x1ec: {  	v26 =	vmul.f32 v33, v26;
	v50 =	vsub.f32 v47, v53;
	v53 =	vmul.f32 v56, v42;
	v56 =	vld.idx.msk [tilespmem:v44+s20+$0x0], $0xffff  }
0x1ed: {  	v32 =	vsub.f32 v46, v32;
	v33 =	vmul.f32 v57, v43;
	v49 =	vmul.f32 v48, v49;
	v57 =	vld.idx.msk [tilespmem:v45+s5+$0x0], $0xffff  }
0x1ee: {  	v48 =	vmul.f32 v50, v30;
	v30 =	vsub.f32 v47, v53;
	v50 =	vmul.f32 v51, v42;
	v51 =	vld.idx.msk [tilespmem:v44+s5+$0x0], $0xffff  }
0x1ef: {  	v33 =	vsub.f32 v46, v33;
	v31 =	vmul.f32 v31, v43;
	v49 =	vsub.f32 $1.000000000e+00, v49;
	v53 =	vld.idx.msk [tilespmem:v45+s6+$0x0], $0xffff  }
0x1f0: {  	v30 =	vmul.f32 v30, v32;
	v32 =	vsub.f32 v47, v50;
	v50 =	vmul.f32 v58, v42;
	v58 =	vld.idx.msk [tilespmem:v44+s6+$0x0], $0xffff  }
0x1f1: {  	v59 =	vsub.f32 v46, v31;
	v55 =	vmul.f32 v55, v43;
	v11 =	vmul.f32 v49, v11;
	v60 =	vld.idx.msk [tilespmem:v45+s7+$0x0], $0xffff  }
0x1f2: {  	v31 =	vmul.f32 v32, v33;
	v32 =	vsub.f32 v47, v50;
	v33 =	vmul.f32 v56, v42;
	v49 =	vld.idx.msk [tilespmem:v44+s7+$0x0], $0xffff  }
0x1f3: {  	v24 =	vmul.f32 v34, v24;
	v50 =	vsub.f32 v46, v55;
	v55 =	vmul.f32 v57, v43;
	v56 =	vld.idx.msk [tilespmem:v45+s8+$0x0], $0xffff  }
0x1f4: {  	v32 =	vmul.f32 v32, v59;
	v33 =	vsub.f32 v47, v33;
	v34 =	vmul.f32 v51, v42;
	v51 =	vld.idx.msk [tilespmem:v44+s8+$0x0], $0xffff  }
0x1f5: {  	v23 =	vmul.f32 v35, v23;
	v55 =	vsub.f32 v46, v55;
	v53 =	vmul.f32 v53, v43;
	v57 =	vld.idx.msk [tilespmem:v45+s14+$0x0], $0xffff  }
0x1f6: {  	v33 =	vmul.f32 v33, v50;
	v34 =	vsub.f32 v47, v34;
	v35 =	vmul.f32 v58, v42;
	v50 =	vld.idx.msk [tilespmem:v44+s14+$0x0], $0xffff  }
0x1f7: {  	v21 =	vmul.f32 v36, v21;
	v53 =	vsub.f32 v46, v53;
	v58 =	vmul.f32 v60, v43;
	v59 =	vld.idx.msk [tilespmem:v45+s1+$0x0], $0xffff  }
0x1f8: {  	v34 =	vmul.f32 v34, v55;
	v35 =	vsub.f32 v47, v35;
	v36 =	vmul.f32 v49, v42;
	v49 =	vld.idx.msk [tilespmem:v44+s1+$0x0], $0xffff  }
0x1f9: {  	v20 =	vmul.f32 v37, v20;
	v55 =	vsub.f32 v46, v58;
	v56 =	vmul.f32 v56, v43;
	v58 =	vld.idx.msk [tilespmem:v45+s9+$0x0], $0xffff  }
0x1fa: {  	v35 =	vmul.f32 v35, v53;
	v36 =	vsub.f32 v47, v36;
	v37 =	vmul.f32 v51, v42;
	v51 =	vld.idx.msk [tilespmem:v44+s9+$0x0], $0xffff  }
0x1fb: {  	v19 =	vmul.f32 v52, v19;
	v53 =	vsub.f32 v46, v56;
	v56 =	vmul.f32 v57, v43;
	v57 =	vld.idx.msk [tilespmem:v45+s13+$0x0], $0xffff  }
0x1fc: {  	v36 =	vmul.f32 v36, v55;
	v37 =	vsub.f32 v47, v37;
	v50 =	vmul.f32 v50, v42;
	v52 =	vld.idx.msk [tilespmem:v44+s13+$0x0], $0xffff  }
0x1fd: {  	v18 =	vmul.f32 v54, v18;
	v55 =	vsub.f32 v46, v56;
	v56 =	vmul.f32 v59, v43;
	v59 =	vld.idx.msk [tilespmem:v45+s10+$0x0], $0xffff  }
0x1fe: {  	v37 =	vmul.f32 v37, v53;
	v50 =	vsub.f32 v47, v50;
	v49 =	vmul.f32 v49, v42;
	v53 =	vld.idx.msk [tilespmem:v44+s10+$0x0], $0xffff  }
0x1ff: {  	v17 =	vmul.f32 v38, v17;
	v54 =	vsub.f32 v46, v56;
	v56 =	vmul.f32 v58, v43;
	v45 =	vld.idx.msk [tilespmem:v45+s15+$0x0], $0xffff  }
0x200: {  	v38 =	vmul.f32 v50, v55;
	v49 =	vsub.f32 v47, v49;
	v50 =	vmul.f32 v51, v42;
	v44 =	vld.idx.msk [tilespmem:v44+s15+$0x0], $0xffff  }
0x201: {  	v16 =	vmul.f32 v39, v16;
	v55 =	vsub.f32 v46, v56;
	v56 =	vmul.f32 v57, v43;
	v51 =	vld.idx.msk [tilespmem:v22+s0+$0x0], $0xffff  }
0x202: {  	v39 =	vmul.f32 v49, v54;
	v49 =	vsub.f32 v47, v50;
	v50 =	vmul.f32 v52, v42;
	v57 =	vld.idx.msk [tilespmem:v22+s2+$0x0], $0xffff  }
0x203: {  	v13 =	vmul.f32 v40, v13;
	v54 =	vsub.f32 v46, v56;
	v56 =	vmul.f32 v59, v43;
	v52 =	vld.idx.msk [tilespmem:v22+s3+$0x0], $0xffff  }
0x204: {  	v40 =	vmul.f32 v49, v55;
	v49 =	vsub.f32 v47, v50;
	v50 =	vmul.f32 v53, v42;
	v58 =	vld.idx.msk [tilespmem:v22+s4+$0x0], $0xffff  }
0x205: {  	v12 =	vmul.f32 v41, v12;
	v53 =	vsub.f32 v46, v56;
	v43 =	vmul.f32 v45, v43;
	v55 =	vld.idx.msk [tilespmem:v22+s20+$0x0], $0xffff  }
0x206: {  	v41 =	vmul.f32 v49, v54;
	v45 =	vsub.f32 v47, v50;
	v42 =	vmul.f32 v44, v42;
	v56 =	vld.idx.msk [tilespmem:v22+s5+$0x0], $0xffff  }
0x207: {  	v49 =	vmul.f32 v51, v15;
	v43 =	vsub.f32 v46, v43;
	v59 =	vld.idx.msk [tilespmem:v22+s6+$0x0], $0xffff  }
0x208: {  	v50 =	vmul.f32 v57, v15;
	v46 =	vmul.f32 v45, v53;
	v45 =	vsub.f32 v47, v42;
	v44 =	vld.idx.msk [tilespmem:v22+s7+$0x0], $0xffff  }
.Ltmp2:
0x209: {  	v49 =	vsub.f32 v25, v49;
	v51 =	vmul.f32 v52, v15;
	v53 =	vld.idx.msk [tilespmem:v22+s8+$0x0], $0xffff;
	(pc) =	sbr.rel @p0 .LBB2_6-.Ltmp2, $4  }
0x20a: {  	v42 =	vsub.f32 v25, v50;
	v50 =	vmul.f32 v58, v15;
	v47 =	vmul.f32 v45, v43;
	v52 =	vld.idx.msk [tilespmem:v22+s14+$0x0], $0xffff  }
0x20b: {  	v48 =	vmul.f32 v49, v48;
	v49 =	vsub.f32 v25, v51;
	v45 =	vmul.f32 v55, v15;
	v54 =	vld.idx.msk [tilespmem:v22+s1+$0x0], $0xffff  }
0x20c: {  	v43 =	vadd.s32 s18, v0;
	v50 =	vsub.f32 v25, v50;
	v51 =	vmul.f32 v56, v15;
	v56 =	vld.idx.msk [tilespmem:v22+s9+$0x0], $0xffff  }
0x20d: {  	v58 =	vadd.s32 s17, v3;
	s18 =	sadd.s32 $0x30, s18;
	v43 =	vand.u32 $0xFFF8, v43;
	v55 =	vmul.f32 v59, v15;
	v57 =	vld.idx.msk [tilespmem:v22+s13+$0x0], $0xffff  }
0x20e: {  	_ = 	snop  }
0x20f: {  	v59 =	vor.u32 v2, v43;
	_ =	sdelay $0x1  }
0x210: {  	v61 =	vand.u32 $0xFFF8, v58  }
0x211: {  	v62 =	vadd.s32 s17, v5;
	v60 =	vld.idx.msk [tilespmem:v22+s10+$0x0], $0xffff;
	v63 =	vmul.f32 v44, v15;
	v53 =	vmul.f32 v53, v15  }
0x212: {  	v45 =	vsub.f32 v25, v45;
	v58 =	vor.u32 v4, v61;
	v43 =	vand.u32 $0xFFF8, v62  }
0x213: {  	v7 =	vmul.f32 v42, v30;
	v31 =	vmul.f32 v49, v31;
	v61 =	vor.u32 v6, v43;
	v43 =	vld.idx.msk [tilespmem:v59+s11+$0x0], $0xffff  }
0x214: {  	v51 =	vsub.f32 v25, v51;
	v62 =	vld.idx.msk [tilespmem:v22+s15+$0x0], $0xffff;
	v52 =	vmul.f32 v52, v15;
	v42 =	vmul.f32 v56, v15  }
0x215: {  	v55 =	vsub.f32 v25, v55;
	v54 =	vmul.f32 v54, v15;
	v63 =	vsub.f32 v25, v63  }
0x216: {  	v56 =	vmul.f32 v57, v15;
	v57 =	vmul.f32 v60, v15;
	v60 =	vsub.f32 v25, v42;
	v42 =	vld.idx.msk [tilespmem:v59+s12+$0x0], $0xffff  }
0x217: {  	v53 =	vsub.f32 v25, v53;
	v33 =	vmul.f32 v45, v33;
	v34 =	vmul.f32 v51, v34;
	v44 =	vld.idx.msk [tilespmem:v58+s11+$0x0], $0xffff  }
0x218: {  	v7 =	vsub.f32 $1.000000000e+00, v7;
	v52 =	vsub.f32 v25, v52;
	v35 =	vmul.f32 v55, v35;
	v30 =	vld.idx.msk [tilespmem:v61+s11+$0x0], $0xffff  }
0x219: {  	v54 =	vsub.f32 v25, v54;
	v36 =	vmul.f32 v63, v36;
	v22 =	vld.idx.msk [tilespmem:v61+s12+$0x0], $0xffff;
	v61 =	vmul.f32 v62, v15  }
0x21a: {  	v37 =	vmul.f32 v53, v37;
	v33 =	vsub.f32 $1.000000000e+00, v33;
	v62 =	vmul.f32 v50, v32;
	v32 =	vld.idx.msk [tilespmem:v58+s12+$0x0], $0xffff  }
0x21b: {  	v34 =	vsub.f32 $1.000000000e+00, v34;
	v29 =	vmul.f32 v7, v29;
	v15 =	vsub.f32 v25, v61;
	v45 =	vld.idx.msk [tilespmem:v43+s16+$0x0], $0xffff  }
0x21c: {  	v38 =	vmul.f32 v52, v38;
	v52 =	vsub.f32 $1.000000000e+00, v31;
	v35 =	vsub.f32 $1.000000000e+00, v35;
	v51 =	vld.idx.msk [tilespmem:v43+s0+$0x0], $0xffff  }
0x21d: {  	v7 =	vsub.f32 $1.000000000e+00, v37;
	v58 =	vsub.f32 $1.000000000e+00, v48;
	v47 =	vmul.f32 v15, v47;
	v15 =	vld.idx.msk [tilespmem:v43+s2+$0x0], $0xffff  }
0x21e: {  	v59 =	vmul.f32 v54, v39;
	v57 =	vsub.f32 v25, v57;
	v37 =	vsub.f32 $1.000000000e+00, v38;
	v38 =	vld.idx.msk [tilespmem:v43+s3+$0x0], $0xffff  }
0x21f: {  	v56 =	vsub.f32 v25, v56;
	v26 =	vmul.f32 v33, v26;
	v25 =	vmul.f32 v58, v14;
	v58 =	vld.idx.msk [tilespmem:v43+s4+$0x0], $0xffff  }
0x220: {  	v36 =	vsub.f32 $1.000000000e+00, v36;
	v24 =	vmul.f32 v34, v24;
	v46 =	vmul.f32 v57, v46;
	v57 =	vld.idx.msk [tilespmem:v43+s20+$0x0], $0xffff  }
0x221: {  	v28 =	vmul.f32 v52, v28;
	v23 =	vmul.f32 v35, v23;
	v48 =	vld.idx.msk [tilespmem:v44+s16+$0x0], $0xffff  }
0x222: {  	v41 =	vmul.f32 v56, v41;
	v21 =	vmul.f32 v36, v21;
	v49 =	vsub.f32 $1.000000000e+00, v62;
	v62 =	vld.idx.msk [tilespmem:v44+s0+$0x0], $0xffff  }
0x223: {  	v55 =	vsub.f32 $1.000000000e+00, v59;
	v20 =	vmul.f32 v7, v20;
	v61 =	vmul.f32 v60, v40;
	v56 =	vld.idx.msk [tilespmem:v44+s3+$0x0], $0xffff  }
0x224: {  	v19 =	vmul.f32 v37, v19;
	v60 =	vmul.f32 $5.000000000e-01, v32;
	v54 =	vld.idx.msk [tilespmem:v44+s4+$0x0], $0xffff  }
0x225: {  	v63 =	vmul.f32 $5.000000000e-01, v42;
	v41 =	vsub.f32 $1.000000000e+00, v41;
	v18 =	vmul.f32 v55, v18;
	v52 =	vld.idx.msk [tilespmem:v44+s20+$0x0], $0xffff  }
0x226: {  	v39 =	vsub.f32 $1.000000000e+00, v61;
	v27 =	vmul.f32 v49, v27;
	v59 =	vadd.f32 $5.000000000e-01, v60;
	v60 =	vld.idx.msk [tilespmem:v43+s5+$0x0], $0xffff  }
0x227: {  	v61 =	vmul.f32 $5.000000000e-01, v22;
	v16 =	vmul.f32 v41, v16;
	v49 =	vld.idx.msk [tilespmem:v44+s5+$0x0], $0xffff  }
0x228: {  	v17 =	vmul.f32 v39, v17;
	v34 =	vld.idx.msk [tilespmem:v44+s14+$0x0], $0xffff;
	v45 =	vmul.f32 v45, v42  }
0x229: {  	v14 =	vsub.f32 $1.000000000e+00, v46;
	v35 =	vld.idx.msk [tilespmem:v44+s1+$0x0], $0xffff;
	v51 =	vmul.f32 v51, v42;
	v15 =	vmul.f32 v15, v42  }
0x22a: {  	v46 =	vadd.f32 $5.000000000e-01, v63;
	v36 =	vld.idx.msk [tilespmem:v44+s9+$0x0], $0xffff;
	v33 =	vmul.f32 v38, v42;
	v63 =	vmul.f32 v58, v42  }
0x22b: {  	v7 =	vld.idx.msk [tilespmem:v44+s13+$0x0], $0xffff;
	v57 =	vmul.f32 v57, v42;
	v48 =	vmul.f32 v48, v32  }
0x22c: {  	v37 =	vld.idx.msk [tilespmem:v44+s10+$0x0], $0xffff;
	v50 =	vmul.f32 v62, v32;
	v62 =	vmul.f32 v56, v32  }
0x22d: {  	v40 =	vld.idx.msk [tilespmem:v30+s16+$0x0], $0xffff;
	v54 =	vmul.f32 v54, v32;
	v52 =	vmul.f32 v52, v32  }
0x22e: {  	v39 =	vld.idx.msk [tilespmem:v30+s2+$0x0], $0xffff;
	v60 =	vmul.f32 v60, v42;
	v49 =	vmul.f32 v49, v32  }
0x22f: {  	v31 =	vadd.f32 $5.000000000e-01, v61;
	v41 =	vld.idx.msk [tilespmem:v30+s20+$0x0], $0xffff;
	v34 =	vmul.f32 v34, v32;
	v35 =	vmul.f32 v35, v32  }
0x230: {  	v36 =	vmul.f32 v36, v32;
	v7 =	vmul.f32 v7, v32;
	v45 =	vsub.f32 v46, v45  }
0x231: {  	v53 =	vld.idx.msk [tilespmem:v44+s2+$0x0], $0xffff;
	v37 =	vmul.f32 v37, v32;
	v51 =	vsub.f32 v46, v51;
	v61 =	vsub.f32 v46, v15  }
0x232: {  	v40 =	vmul.f32 v40, v22;
	v33 =	vsub.f32 v46, v33;
	v57 =	vsub.f32 v46, v57  }
0x233: {  	v38 =	vld.idx.msk [tilespmem:v44+s6+$0x0], $0xffff;
	v39 =	vmul.f32 v39, v22;
	v48 =	vsub.f32 v59, v48;
	v50 =	vsub.f32 v59, v50  }
0x234: {  	v58 =	vld.idx.msk [tilespmem:v43+s8+$0x0], $0xffff;
	v41 =	vmul.f32 v41, v22;
	v60 =	vsub.f32 v46, v60;
	v49 =	vsub.f32 v59, v49  }
0x235: {  	v56 =	vld.idx.msk [tilespmem:v44+s7+$0x0], $0xffff;
	v34 =	vsub.f32 v59, v34;
	v40 =	vsub.f32 v31, v40;
	v45 =	vmul.f32 v48, v45  }
0x236: {  	v35 =	vsub.f32 v59, v35;
	v36 =	vsub.f32 v59, v36;
	v48 =	vmul.f32 v53, v32;
	v53 =	vld.idx.msk [tilespmem:v43+s6+$0x0], $0xffff  }
0x237: {  	v49 =	vmul.f32 v49, v60;
	v60 =	vld.idx.msk [tilespmem:v43+s13+$0x0], $0xffff;
	v15 =	vmul.f32 v40, v45;
	v40 =	vsub.f32 v59, v62  }
0x238: {  	v39 =	vsub.f32 v31, v39;
	v50 =	vmul.f32 v50, v51;
	v45 =	vld.idx.msk [tilespmem:v43+s7+$0x0], $0xffff;
	v48 =	vsub.f32 v59, v48  }
0x239: {  	v38 =	vmul.f32 v38, v32;
	v33 =	vmul.f32 v40, v33;
	v40 =	vsub.f32 v59, v54;
	v54 =	vld.idx.msk [tilespmem:v43+s14+$0x0], $0xffff  }
0x23a: {  	v51 =	vsub.f32 v46, v63;
	v58 =	vmul.f32 v58, v42;
	v48 =	vmul.f32 v48, v61;
	v61 =	vld.idx.msk [tilespmem:v44+s8+$0x0], $0xffff  }
0x23b: {  	v55 =	vld.idx.msk [tilespmem:v30+s0+$0x0], $0xffff;
	v41 =	vsub.f32 v31, v41;
	v56 =	vmul.f32 v56, v32;
	v53 =	vmul.f32 v53, v42  }
0x23c: {  	v38 =	vsub.f32 v59, v38;
	v44 =	vld.idx.msk [tilespmem:v44+s15+$0x0], $0xffff;
	v40 =	vmul.f32 v40, v51;
	v51 =	vsub.f32 v59, v52  }
0x23d: {  	v60 =	vmul.f32 v60, v42;
	v52 =	vld.idx.msk [tilespmem:v43+s1+$0x0], $0xffff;
	v53 =	vsub.f32 v46, v53;
	v45 =	vmul.f32 v45, v42  }
0x23e: {  	v58 =	vsub.f32 v46, v58;
	v51 =	vmul.f32 v51, v57;
	v57 =	vld.idx.msk [tilespmem:v43+s9+$0x0], $0xffff;
	v54 =	vmul.f32 v54, v42  }
0x23f: {  	v38 =	vmul.f32 v38, v53;
	v53 =	vsub.f32 v59, v56;
	v56 =	vmul.f32 v61, v32;
	v61 =	vld.idx.msk [tilespmem:v43+s10+$0x0], $0xffff  }
0x240: {  	v39 =	vmul.f32 v39, v48;
	v45 =	vsub.f32 v46, v45;
	v43 =	vld.idx.msk [tilespmem:v43+s15+$0x0], $0xffff;
	v54 =	vsub.f32 v46, v54  }
0x241: {  	v32 =	vmul.f32 v44, v32;
	v41 =	vmul.f32 v41, v51;
	v62 =	vsub.f32 v59, v56  }
0x242: {  	v7 =	vsub.f32 v59, v7;
	v52 =	vmul.f32 v52, v42;
	v34 =	vmul.f32 v34, v54;
	v54 =	vld.idx.msk [tilespmem:v30+s3+$0x0], $0xffff  }
0x243: {  	v37 =	vsub.f32 v59, v37;
	v45 =	vmul.f32 v53, v45;
	v53 =	vmul.f32 v62, v58;
	v58 =	vld.idx.msk [tilespmem:v30+s4+$0x0], $0xffff  }
0x244: {  	v63 =	vmul.f32 v57, v42;
	v52 =	vsub.f32 v46, v52;
	v62 =	vmul.f32 v55, v22;
	v55 =	vld.idx.msk [tilespmem:v30+s1+$0x0], $0xffff  }
0x245: {  	v39 =	vsub.f32 $1.000000000e+00, v39;
	v57 =	vmul.f32 v61, v42;
	v42 =	vmul.f32 v43, v42;
	v43 =	vld.idx.msk [tilespmem:v30+s7+$0x0], $0xffff  }
0x246: {  	v56 =	vsub.f32 v46, v63;
	v35 =	vmul.f32 v35, v52;
	v52 =	vsub.f32 v46, v60;
	v60 =	vld.idx.msk [tilespmem:v30+s5+$0x0], $0xffff  }
0x247: {  	v29 =	vmul.f32 v39, v29;
	v44 =	vsub.f32 v31, v62;
	v62 =	vld.idx.msk [tilespmem:v30+s13+$0x0], $0xffff;
	v57 =	vsub.f32 v46, v57  }
0x248: {  	v42 =	vsub.f32 v46, v42;
	v46 =	vld.idx.msk [tilespmem:v30+s14+$0x0], $0xffff;
	v36 =	vmul.f32 v36, v56;
	v7 =	vmul.f32 v7, v52  }
0x249: {  	v32 =	vsub.f32 v59, v32;
	v56 =	vld.idx.msk [tilespmem:v30+s6+$0x0], $0xffff;
	v44 =	vmul.f32 v44, v50;
	v37 =	vmul.f32 v37, v57  }
0x24a: {  	v52 =	vld.idx.msk [tilespmem:v30+s8+$0x0], $0xffff;
	v54 =	vmul.f32 v54, v22;
	v63 =	vmul.f32 v58, v22  }
0x24b: {  	v47 =	vsub.f32 $1.000000000e+00, v47;
	v32 =	vmul.f32 v32, v42;
	v55 =	vmul.f32 v55, v22  }
0x24c: {  	v42 =	vld.idx.msk [tilespmem:v30+s9+$0x0], $0xffff;
	v43 =	vmul.f32 v43, v22;
	v61 =	vsub.f32 v31, v54;
	v57 =	vsub.f32 v31, v63  }
0x24d: {  	v63 =	vmul.f32 v60, v22;
	v54 =	vmul.f32 v62, v22;
	v55 =	vsub.f32 v31, v55  }
0x24e: {  	v60 =	vld.idx.msk [tilespmem:v30+s10+$0x0], $0xffff;
	v46 =	vmul.f32 v46, v22;
	v43 =	vsub.f32 v31, v43;
	v56 =	vmul.f32 v56, v22  }
0x24f: {  	v30 =	vld.idx.msk [tilespmem:v30+s15+$0x0], $0xffff;
	v52 =	vmul.f32 v52, v22;
	v58 =	vsub.f32 v31, v63;
	v48 =	vsub.f32 v31, v54  }
0x250: {  	v61 =	vmul.f32 v61, v33;
	v62 =	vmul.f32 v57, v40;
	v63 =	vsub.f32 $1.000000000e+00, v44  }
0x251: {  	v42 =	vmul.f32 v42, v22;
	v46 =	vsub.f32 v31, v46;
	v57 =	vmul.f32 v43, v45  }
0x252: {  	v56 =	vsub.f32 v31, v56;
	v52 =	vsub.f32 v31, v52;
	v49 =	vmul.f32 v58, v49  }
0x253: {  	v25 =	vmul.f32 v63, v25;
	v51 =	vsub.f32 $1.000000000e+00, v62;
	v62 =	vmul.f32 v55, v35  }
0x254: {  	v59 =	vmul.f32 v60, v22;
	v22 =	vmul.f32 v30, v22;
	v30 =	vsub.f32 $1.000000000e+00, v61  }
0x255: {  	[tilespmem:$0x1B6B0] =	vst v29;
	v54 =	vmul.f32 v56, v38;
	v56 =	vsub.f32 $1.000000000e+00, v41;
	v27 =	vmul.f32 v51, v27  }
0x256: {  	v7 =	vmul.f32 v48, v7;
	[tilespmem:$0x1B6A0] =	vst v25;
	v58 =	vsub.f32 $1.000000000e+00, v49;
	v28 =	vmul.f32 v30, v28  }
0x257: {  	v42 =	vsub.f32 v31, v42;
	v25 =	vsub.f32 $1.000000000e+00, v57;
	v26 =	vmul.f32 v56, v26;
	[tilespmem:$0x1B6D0] =	vst v27  }
0x258: {  	v7 =	vsub.f32 $1.000000000e+00, v7;
	v44 =	vsub.f32 v31, v59;
	v24 =	vmul.f32 v58, v24;
	[tilespmem:$0x1B6C0] =	vst v28  }
0x259: {  	v22 =	vsub.f32 v31, v22;
	v31 =	vsub.f32 $1.000000000e+00, v62;
	v21 =	vmul.f32 v25, v21;
	[tilespmem:$0x1B6E0] =	vst v26  }
0x25a: {  	v59 =	vmul.f32 v52, v53;
	v60 =	vsub.f32 $1.000000000e+00, v54;
	v7 =	vmul.f32 v7, v16;
	[tilespmem:$0x1B6F0] =	vst v24  }
0x25b: {  	v15 =	vsub.f32 $1.000000000e+00, v15;
	v61 =	vmul.f32 v46, v34;
	v18 =	vmul.f32 v31, v18;
	[tilespmem:$0x1B710] =	vst v21  }
0x25c: {  	v63 =	vmul.f32 v42, v36;
	v29 =	vsub.f32 $1.000000000e+00, v59;
	v23 =	vmul.f32 v60, v23;
	[tilespmem:$0x1B760] =	vst v7  }
0x25d: {  	v28 =	vsub.f32 $1.000000000e+00, v61;
	v33 =	vmul.f32 v44, v37;
	v7 =	vmul.f32 v15, v11;
	[tilespmem:$0x1B740] =	vst v18  }
0x25e: {  	v34 =	vsub.f32 $1.000000000e+00, v63;
	v35 =	vmul.f32 v22, v32;
	v11 =	vld [tilespmem:$0x1FFF0];
	v20 =	vmul.f32 v29, v20;
	[tilespmem:$0x1B700] =	vst v23  }
0x25f: {  	v13 =	vmul.f32 v14, v13;
	v19 =	vmul.f32 v28, v19;
	v36 =	vsub.f32 $1.000000000e+00, v33;
	[tilespmem:$0x1B790] =	vst v7  }
0x260: {  	v12 =	vmul.f32 v47, v12;
	v17 =	vmul.f32 v34, v17;
	v37 =	vsub.f32 $1.000000000e+00, v35;
	[tilespmem:$0x1B720] =	vst v20  }
0x261: {  	[tilespmem:$0x1B730] =	vst v19;
	v13 =	vmul.f32 v36, v13  }
0x262: {  	[tilespmem:$0x1B750] =	vst v17;
	v12 =	vmul.f32 v37, v12  }
0x263: {  	[tilespmem:$0x1B770] =	vst v13  }
0x264: {  	s3 =	simm.s32 $0x1B5A0;
	[tilespmem:$0x1B780] =	vst v12  }
0x265: {  	v7 =	vld.idx.msk [tilespmem:v1+s3+$0x0], $0xffff  }
0x266: {  	v11 =	vld.idx.msk [tilespmem:v11+s3+$0x0], $0xffff;
	_ =	sdelay $0x1  }
0x267: {  	v12 =	vld.idx.msk [tilespmem:v8+s3+$0x0], $0xffff  }
0x268: {  	v38 =	vor.u32 $0x5, v1  }
0x269: {  	v39 =	vld.idx.msk [tilespmem:v9+s3+$0x0], $0xffff  }
0x26a: {  	v7 =	vmul.f32 v11, v7;
	v11 =	vor.u32 $0x6, v1  }
0x26b: {  	v40 =	vld.idx.msk [tilespmem:v10+s3+$0x0], $0xffff  }
0x26c: {  	v41 =	vor.u32 $0x7, v1;
	v7 =	vmul.f32 v12, v7  }
0x26d: {  	v13 =	vld.idx.msk [tilespmem:v38+s3+$0x0], $0xffff  }
0x26e: {  	v42 =	vor.u32 $0x8, v1;
	v7 =	vmul.f32 v39, v7  }
0x26f: {  	v11 =	vld.idx.msk [tilespmem:v11+s3+$0x0], $0xffff  }
0x270: {  	v43 =	vor.u32 $0x9, v1;
	v7 =	vmul.f32 v40, v7  }
0x271: {  	v12 =	vld.idx.msk [tilespmem:v41+s3+$0x0], $0xffff  }
0x272: {  	v44 =	vor.u32 $0xA, v1;
	v7 =	vmul.f32 v13, v7  }
0x273: {  	v14 =	vld.idx.msk [tilespmem:v42+s3+$0x0], $0xffff  }
0x274: {  	v7 =	vmul.f32 v11, v7;
	v11 =	vor.u32 $0xB, v1  }
0x275: {  	v15 =	vld.idx.msk [tilespmem:v43+s3+$0x0], $0xffff  }
0x276: {  	v45 =	vor.u32 $0xC, v1;
	v7 =	vmul.f32 v12, v7  }
0x277: {  	v13 =	vld.idx.msk [tilespmem:v44+s3+$0x0], $0xffff  }
0x278: {  	v46 =	vor.u32 $0xD, v1;
	v7 =	vmul.f32 v14, v7  }
0x279: {  	v11 =	vld.idx.msk [tilespmem:v11+s3+$0x0], $0xffff  }
0x27a: {  	v47 =	vor.u32 $0xE, v1;
	v7 =	vmul.f32 v15, v7  }
0x27b: {  	v12 =	vld.idx.msk [tilespmem:v45+s3+$0x0], $0xffff  }
0x27c: {  	v48 =	vor.u32 $0xF, v1;
	v7 =	vmul.f32 v13, v7  }
0x27d: {  	v14 =	vld.idx.msk [tilespmem:v46+s3+$0x0], $0xffff  }
0x27e: {  	v7 =	vmul.f32 v11, v7  }
0x27f: {  	v11 =	vld.idx.msk [tilespmem:v47+s3+$0x0], $0xffff  }
0x280: {  	v7 =	vmul.f32 v12, v7  }
0x281: {  	v49 =	vld.idx.msk [tilespmem:v48+s3+$0x0], $0xffff  }
0x282: {  	v7 =	vmul.f32 v14, v7;
	_ =	sdelay $0x1  }
0x283: {  	v7 =	vmul.f32 v11, v7;
	v11 =	vor.u32 $0x100, v1  }
0x284: {  	v50 =	vor.u32 $0x101, v1  }
0x285: {  	v7 =	vmul.f32 v49, v7  }
0x286: {  	v51 =	vor.u32 $0x102, v1  }
0x287: {  	[tilespmem:$0x1B7A0] =	vst v7  }
0x288: {  	v7 =	vld.idx.msk [tilespmem:v11+s3+$0x0], $0xffff;
	v11 =	vor.u32 $0x103, v1  }
0x289: {  	v13 =	vld.idx.msk [tilespmem:v50+s3+$0x0], $0xffff  }
0x28a: {  	v52 =	vor.u32 $0x104, v1  }
0x28b: {  	v12 =	vld.idx.msk [tilespmem:v51+s3+$0x0], $0xffff  }
0x28c: {  	v53 =	vor.u32 $0x105, v1  }
0x28d: {  	v11 =	vld.idx.msk [tilespmem:v11+s3+$0x0], $0xffff  }
0x28e: {  	v54 =	vor.u32 $0x106, v1;
	v7 =	vmul.f32 v13, v7  }
0x28f: {  	v14 =	vld.idx.msk [tilespmem:v52+s3+$0x0], $0xffff  }
0x290: {  	v55 =	vor.u32 $0x107, v1;
	v7 =	vmul.f32 v12, v7  }
0x291: {  	v15 =	vld.idx.msk [tilespmem:v53+s3+$0x0], $0xffff  }
0x292: {  	v7 =	vmul.f32 v11, v7;
	v11 =	vor.u32 $0x108, v1  }
0x293: {  	v13 =	vld.idx.msk [tilespmem:v54+s3+$0x0], $0xffff  }
0x294: {  	v56 =	vor.u32 $0x109, v1;
	v7 =	vmul.f32 v14, v7  }
0x295: {  	v12 =	vld.idx.msk [tilespmem:v55+s3+$0x0], $0xffff  }
0x296: {  	v57 =	vor.u32 $0x10A, v1;
	v7 =	vmul.f32 v15, v7  }
0x297: {  	v11 =	vld.idx.msk [tilespmem:v11+s3+$0x0], $0xffff  }
0x298: {  	v58 =	vor.u32 $0x10B, v1;
	v7 =	vmul.f32 v13, v7  }
0x299: {  	v14 =	vld.idx.msk [tilespmem:v56+s3+$0x0], $0xffff  }
0x29a: {  	v59 =	vor.u32 $0x10C, v1;
	v7 =	vmul.f32 v12, v7  }
0x29b: {  	v15 =	vld.idx.msk [tilespmem:v57+s3+$0x0], $0xffff  }
0x29c: {  	v7 =	vmul.f32 v11, v7;
	v11 =	vor.u32 $0x10D, v1  }
0x29d: {  	v13 =	vld.idx.msk [tilespmem:v58+s3+$0x0], $0xffff  }
0x29e: {  	v60 =	vor.u32 $0x10E, v1;
	v7 =	vmul.f32 v14, v7  }
0x29f: {  	v12 =	vld.idx.msk [tilespmem:v59+s3+$0x0], $0xffff  }
0x2a0: {  	v61 =	vor.u32 $0x10F, v1;
	v7 =	vmul.f32 v15, v7  }
0x2a1: {  	v11 =	vld.idx.msk [tilespmem:v11+s3+$0x0], $0xffff  }
0x2a2: {  	v7 =	vmul.f32 v13, v7  }
0x2a3: {  	v62 =	vld.idx.msk [tilespmem:v60+s3+$0x0], $0xffff  }
0x2a4: {  	v7 =	vmul.f32 v12, v7  }
0x2a5: {  	v63 =	vld.idx.msk [tilespmem:v61+s3+$0x0], $0xffff  }
0x2a6: {  	v7 =	vmul.f32 v11, v7;
	_ =	sdelay $0x1  }
0x2a7: {  	v7 =	vmul.f32 v62, v7;
	_ =	sdelay $0x1  }
0x2a8: {  	v7 =	vmul.f32 v63, v7;
	_ =	sdelay $0x1  }
0x2a9: {  	s17 =	simm.s32 $0x0;
	s18 =	rddreg [dreg:$0x8];
	s4 =	simm.s32 $0x1B7A0;
	[tilespmem:$0x1B7B0] =	vst v7  }
0x2aa: {  	[hbm4b:s18+s17] =	stream.linear.scatter [tilespmem:s4], [sflag:$0x3], $0x20, $0x38;
	[tilespmem:$0x1B7C0] =	vst v63  }
0x2ab: {  	_ =	swait.ge [sflag:s19], $0x20  }
0x2ac: {  	s18 =	rddreg [dreg:$0xa]  }
0x2ad: {  	s20 =	rddreg [dreg:$0x9];
	s2 =	sadd.s32 $0x1, s18  }
0x2ae: {  	p0 =	sne.s32 s2, s20  }
.Ltmp3:
0x2af: {  	_ = 	snop;
	(pc) =	sbr.rel @p0 .LBB2_1-.Ltmp3, $3  }
0x2b0: {  	_ =	sdelay $0x1  }
0x2b1: {  	[sflag:s19] =	ssyncset.done $0x0  }
0x2b2: {  	s0 =	simm.s32 $0x7550;
	[sflag:s19] =	ssyncadd.s32 $0xFFFFFFE0  }
0x2b3: {  	_ =	sfence.sel $0x180000  }
0x2b4: {  	[bflag:$0x0] =	sbarrier.arrive $0xFFFF  }
0x2b5: {  	_ =	strace $0x90000047  }
0x2b6: {  	s0 =	stileid.u32;
	[bflag:$0x2] =	sbarrier.arrive $0xFFFF  }
0x2b7: {  	p0 =	sne.s32 s0, $0x0;
	s0 =	rddreg [dreg:$0x3]  }
0x2b8: {  	s0 =	sadd.s32 @!p0 $0x100000, s0  }
0x2b9: {  	[sflag:s0] =	ssyncadd.tile.s32 @!p0 $0x1;
	_ =	shalt  }
.Lfunc_end2:
_tile_overlayer_lowered:
.L_overlay_start_2:
0x2ba: {  	(tag) =	ssettag $0x2  }
0x2bb: {  	s0 =	rddreg [dreg:$0x0];
	s2 =	stileid.u32  }
0x2bc: {  	s1 =	rddreg [dreg:$0x1];
	p0 =	sne.s32 s2, $0x0  }
0x2bd: {  	s3 =	rddreg [dreg:$0x2];
	[bflag:$0x3] =	sbarrier.arrive $0xFFFF;
	s2 =	simm.s32 @!p0 $0x1C03  }
0x2be: {  	[timem:s3], [sflag:s2] =	dma.local @!p0 [hbm:s0], s1  }
0x2bf: {  	s0 =	simm.s32 @!p0 $0x3  }
0x2c0: {  	_ =	swait.ge @!p0 [sflag:s0], s1  }
0x2c1: {  	s1 =	ssub.s32 @!p0 $0x0, s1;
	[sflag:s0] =	ssyncset.done @!p0 $0x0  }
0x2c2: {  	[sflag:s0] =	ssyncadd.s32 @!p0 s1  }
0x2c3: {  	[bflag:$0x3] =	sbarrier.arrive $0xFFFF  }
0x2c4: {  	_ =	shalt  }

</sc_bundles>
